<compile_context>
chip_gen: v7x
topology: tpu7x:2x2x1
jax: 0.10.2.dev20260603
libtpu: 0.0.44.dev20260713+nightly
codegen_flags: <defaults>
</compile_context>

<pallas_src>
import functools

import jax
import jax.numpy as jnp
from jax import lax
from jax.experimental import pallas as pl
from jax.experimental.pallas import tpu as pltpu
from jax.experimental.pallas import tpu_sc as plsc

RB = 1000


def _kan_pe(h, pe_ref, wc_ref, ws_ref, bk_ref, wpe_ref):
    return (
        jnp.dot(jnp.cos(h), wc_ref[...], preferred_element_type=jnp.float32)
        + jnp.dot(jnp.sin(h), ws_ref[...], preferred_element_type=jnp.float32)
        + bk_ref[...]
        + jnp.dot(pe_ref[...], wpe_ref[...], preferred_element_type=jnp.float32)
    )


def _combine(inv_n, hin_ref, a0_ref, a1_ref, d0_ref, d1_ref, cs_ref,
             wl_ref, bl_ref, wg_ref):
    deg = jnp.maximum(d0_ref[...] + d1_ref[...], 1.0)
    agg = (a0_ref[...] + a1_ref[...]) / deg
    local = (
        jnp.dot(agg, wl_ref[...], preferred_element_type=jnp.float32)
        + bl_ref[...]
    )
    glob = jnp.dot(cs_ref[...] * inv_n, wg_ref[...],
                   preferred_element_type=jnp.float32)
    return jnp.maximum(hin_ref[...] + local + glob, 0.0)


def _accum_colsum(hin, cs_ref):
    @pl.when(pl.program_id(0) == 0)
    def _():
        cs_ref[...] = jnp.zeros_like(cs_ref)

    cs_ref[...] += jnp.sum(hin, axis=0, keepdims=True)


def _stage_a0_body(x_ref, pe_ref, w0_ref, b0_ref, wc_ref, ws_ref, bk_ref,
                   wpe_ref, hin_ref, cs_ref):
    h = (jnp.dot(x_ref[...], w0_ref[...], preferred_element_type=jnp.float32)
         + b0_ref[...])
    hin = _kan_pe(h, pe_ref, wc_ref, ws_ref, bk_ref, wpe_ref)
    hin_ref[...] = hin
    _accum_colsum(hin, cs_ref)


def _tc_stage_a0(x, pe, w0, b0, wc, ws, bk, wpe):
    n, din = x.shape
    hd = w0.shape[1]
    p = pe.shape[1]
    full = lambda a, b: pl.BlockSpec((a, b), lambda i: (0, 0))
    return pl.pallas_call(
        _stage_a0_body,
        grid=(n // RB,),
        in_specs=[
            pl.BlockSpec((RB, din), lambda i: (i, 0)),
            pl.BlockSpec((RB, p), lambda i: (i, 0)),
            full(din, hd), full(1, hd), full(hd, hd), full(hd, hd),
            full(1, hd), full(p, hd),
        ],
        out_specs=[
            pl.BlockSpec((RB, hd), lambda i: (i, 0)),
            pl.BlockSpec((1, hd), lambda i: (0, 0)),
        ],
        out_shape=[
            jax.ShapeDtypeStruct((n, hd), jnp.float32),
            jax.ShapeDtypeStruct((1, hd), jnp.float32),
        ],
    )(x, pe, w0, b0.reshape(1, hd), wc, ws, bk.reshape(1, hd), wpe)


def _stage_ba_body(inv_n, hin_ref, a0_ref, a1_ref, d0_ref, d1_ref, cs_ref,
                   wl_ref, bl_ref, wg_ref, pe_ref, wc_ref, ws_ref, bk_ref,
                   wpe_ref, hin2_ref, cs2_ref):
    h = _combine(inv_n, hin_ref, a0_ref, a1_ref, d0_ref, d1_ref, cs_ref,
                 wl_ref, bl_ref, wg_ref)
    hin2 = _kan_pe(h, pe_ref, wc_ref, ws_ref, bk_ref, wpe_ref)
    hin2_ref[...] = hin2
    _accum_colsum(hin2, cs2_ref)


def _tc_stage_ba(hin, a0, a1, d0, d1, cs, wl, bl, wg, pe, wc, ws, bk, wpe):
    n, hd = hin.shape
    p = pe.shape[1]
    row = lambda b: pl.BlockSpec((RB, b), lambda i: (i, 0))
    full = lambda a, b: pl.BlockSpec((a, b), lambda i: (0, 0))
    return pl.pallas_call(
        functools.partial(_stage_ba_body, 1.0 / n),
        grid=(n // RB,),
        in_specs=[
            row(hd), row(hd), row(hd), row(1), row(1), full(1, hd),
            full(hd, hd), full(1, hd), full(hd, hd),
            row(p), full(hd, hd), full(hd, hd), full(1, hd), full(p, hd),
        ],
        out_specs=[
            pl.BlockSpec((RB, hd), lambda i: (i, 0)),
            pl.BlockSpec((1, hd), lambda i: (0, 0)),
        ],
        out_shape=[
            jax.ShapeDtypeStruct((n, hd), jnp.float32),
            jax.ShapeDtypeStruct((1, hd), jnp.float32),
        ],
    )(hin, a0, a1, d0, d1, cs, wl, bl.reshape(1, hd), wg,
      pe, wc, ws, bk.reshape(1, hd), wpe)


def _stage_bf_body(inv_n, hin_ref, a0_ref, a1_ref, d0_ref, d1_ref, cs_ref,
                   wl_ref, bl_ref, wg_ref, wf_ref, bf_ref, o_ref):
    h = _combine(inv_n, hin_ref, a0_ref, a1_ref, d0_ref, d1_ref, cs_ref,
                 wl_ref, bl_ref, wg_ref)
    o_ref[...] = (
        jnp.dot(h, wf_ref[...], preferred_element_type=jnp.float32)
        + bf_ref[...]
    )


def _tc_stage_bf(hin, a0, a1, d0, d1, cs, wl, bl, wg, wf, bf):
    n, hd = hin.shape
    dout = wf.shape[1]
    row = lambda b: pl.BlockSpec((RB, b), lambda i: (i, 0))
    full = lambda a, b: pl.BlockSpec((a, b), lambda i: (0, 0))
    return pl.pallas_call(
        functools.partial(_stage_bf_body, 1.0 / n),
        grid=(n // RB,),
        in_specs=[
            row(hd), row(hd), row(hd), row(1), row(1), full(1, hd),
            full(hd, hd), full(1, hd), full(hd, hd),
            full(hd, dout), full(1, dout),
        ],
        out_specs=pl.BlockSpec((RB, dout), lambda i: (i, 0)),
        out_shape=jax.ShapeDtypeStruct((n, dout), jnp.float32),
    )(hin, a0, a1, d0, d1, cs, wl, bl.reshape(1, hd), wg,
      wf, bf.reshape(1, dout))


def _pick_chunk(per_tile):
    for c in range(128, 7, -8):
        if per_tile % c == 0:
            return c
    return None


def _make_sc_agg(n, hd, nch, chunk, nc, ns):
    zb_step = (n // ns) // 8 * 8
    z_len = (n + 8) - (ns - 1) * zb_step
    o_len = n - (ns - 1) * zb_step
    mesh = plsc.VectorSubcoreMesh(core_axis_name="c", subcore_axis_name="s")

    @functools.partial(
        pl.kernel,
        mesh=mesh,
        out_type=jax.ShapeDtypeStruct((nc, n, hd), jnp.float32),
        scratch_types=[
            pltpu.VMEM((chunk,), jnp.int32),
            pltpu.VMEM((chunk,), jnp.int32),
            pltpu.VMEM((chunk,), jnp.int32),
            pltpu.VMEM((chunk,), jnp.int32),
            pltpu.VMEM((chunk, hd), jnp.float32),
            pltpu.VMEM((chunk, hd), jnp.float32),
            pltpu.SemaphoreType.DMA,
            pltpu.SemaphoreType.DMA,
            pltpu.SemaphoreType.DMA,
            pltpu.SemaphoreType.DMA,
            pltpu.VMEM_SHARED((n + 8, hd), jnp.float32),
        ],
    )
    def k(h_hbm, src1, dst1, z_hbm, out_hbm, sidx_a, didx_a, sidx_b, didx_b,
          rows_a, rows_b, sga, sgb, ssa, ssb, acc):
        c = lax.axis_index("c")
        s = lax.axis_index("s")
        wid = c * ns + s
        per_tile = nch * chunk
        zb = s * zb_step
        pltpu.sync_copy(z_hbm.at[pl.ds(zb, z_len)], acc.at[pl.ds(zb, z_len)])
        plsc.subcore_barrier()

        seta = (sidx_a, didx_a, rows_a, ssa, sga)
        setb = (sidx_b, didx_b, rows_b, ssb, sgb)

        def copy_idx(j, st):
            base = wid * per_tile + j * chunk
            pltpu.sync_copy(src1.at[pl.ds(base, chunk)], st[0])
            pltpu.sync_copy(dst1.at[pl.ds(base, chunk)], st[1])

        def g_start(st):
            pltpu.async_copy(h_hbm.at[st[0]], st[2], st[4])

        def g_wait(st):
            pltpu.make_async_copy(h_hbm.at[st[0]], st[2], st[4]).wait()

        def s_start(st):
            pltpu.async_copy(st[2], acc.at[st[1]], st[3], add=True)

        def s_wait(st):
            pltpu.make_async_copy(st[2], acc.at[st[1]], st[3]).wait()

        def stage(j, cur, nxt, first, has_next):
            if not first:
                s_wait(nxt)
            if has_next:
                copy_idx(j + 1, nxt)
                g_start(nxt)
            g_wait(cur)
            s_start(cur)

        copy_idx(0, seta)
        g_start(seta)
        stage(0, seta, setb, True, nch > 1)
        npairs = max(0, (nch - 2) // 2)

        def body(k, carry):
            stage(2 * k + 1, setb, seta, False, True)
            stage(2 * k + 2, seta, setb, False, True)
            return carry

        lax.fori_loop(0, npairs, body, 0)
        for j in range(2 * npairs + 1, nch):
            cur, nxt = (seta, setb) if j % 2 == 0 else (setb, seta)
            stage(j, cur, nxt, False, j + 1 < nch)
        s_wait(seta if (nch - 1) % 2 == 0 else setb)
        plsc.subcore_barrier()
        pltpu.sync_copy(acc.at[pl.ds(zb, o_len)],
                        out_hbm.at[c, pl.ds(zb, o_len)])

    return k


def _make_sc_deg(n, hd, nch, chunk, nc, ns):
    zb_step = (n // ns) // 8 * 8
    z_len = (n + 8) - (ns - 1) * zb_step
    o_len = n - (ns - 1) * zb_step
    mesh = plsc.VectorSubcoreMesh(core_axis_name="c", subcore_axis_name="s")

    @functools.partial(
        pl.kernel,
        mesh=mesh,
        out_type=jax.ShapeDtypeStruct((nc, n, hd), jnp.float32),
        scratch_types=[
            pltpu.VMEM((nch, chunk), jnp.int32),
            pltpu.VMEM((chunk, hd), jnp.float32),
            pltpu.SemaphoreType.DMA,
            pltpu.SemaphoreType.DMA,
            pltpu.VMEM_SHARED((n + 8, hd), jnp.float32),
        ],
    )
    def k(dst3, z_hbm, ones_hbm, out_hbm, didx, ones, ssa, ssb, acc):
        c = lax.axis_index("c")
        s = lax.axis_index("s")
        wid = c * ns + s
        zb = s * zb_step
        pltpu.sync_copy(ones_hbm, ones)
        pltpu.sync_copy(z_hbm.at[pl.ds(zb, z_len)], acc.at[pl.ds(zb, z_len)])
        pltpu.sync_copy(dst3.at[wid], didx)
        plsc.subcore_barrier()

        def s_start(j, sem):
            pltpu.async_copy(ones, acc.at[didx.at[j]], sem, add=True)

        def s_wait(sem):
            pltpu.make_async_copy(ones, acc.at[didx.at[0]], sem).wait()

        s_start(0, ssa)
        s_start(1, ssb)

        def body(jj, carry):
            s_wait(ssa)
            s_start(2 * jj + 2, ssa)
            s_wait(ssb)
            s_start(2 * jj + 3, ssb)
            return carry

        lax.fori_loop(0, (nch - 2) // 2, body, 0)
        if (nch - 2) % 2:
            s_wait(ssa)
            s_start(nch - 1, ssa)
        s_wait(ssa)
        s_wait(ssb)
        plsc.subcore_barrier()
        pltpu.sync_copy(acc.at[pl.ds(zb, o_len)],
                        out_hbm.at[c, pl.ds(zb, o_len)])

    return k


def kernel(x, edge_index, pos_encoding, params):
    n, _ = x.shape
    hd = params['W0'].shape[1]
    e = edge_index.shape[1]
    info = plsc.get_sparse_core_info()
    nc, ns = info.num_cores, info.num_subcores

    nw = nc * ns
    src = edge_index[0].astype(jnp.int32)
    dst = edge_index[1].astype(jnp.int32)
    chunk = _pick_chunk(e // nw) if e % nw == 0 else None
    if chunk is not None:
        per_tile = e // nw
        nch = per_tile // chunk
        src1, dst1 = src, dst
    else:
        chunk = 128
        per_tile = -(-e // (nw * chunk)) * chunk
        nch = per_tile // chunk
        e_pad = per_tile * nw
        src1 = jnp.concatenate(
            [src, jnp.zeros((e_pad - e,), jnp.int32)]
        ).reshape(per_tile, nw).T.reshape(-1)
        dst1 = jnp.concatenate(
            [dst, jnp.full((e_pad - e,), n, jnp.int32)]
        ).reshape(per_tile, nw).T.reshape(-1)
    dst3 = dst1.reshape(nw, nch, chunk)
    zeros2 = jnp.zeros((n + 8, hd), jnp.float32)
    ones_c = jnp.ones((chunk, hd), jnp.float32)

    deg_p = _make_sc_deg(n, hd, nch, chunk, nc, ns)(dst3, zeros2, ones_c)
    d0 = deg_p[0, :, 0].reshape(n, 1)
    d1 = deg_p[1, :, 0].reshape(n, 1)

    agg_fn = _make_sc_agg(n, hd, nch, chunk, nc, ns)
    lp = params['layers']
    hin, cs = _tc_stage_a0(x, pos_encoding, params['W0'], params['b0'],
                           lp[0]['Wc'], lp[0]['Ws'], lp[0]['bk'],
                           lp[0]['Wpe'])
    for i in range(len(lp) - 1):
        p, q = lp[i], lp[i + 1]
        agg_p = agg_fn(hin, src1, dst1, zeros2)
        hin, cs = _tc_stage_ba(hin, agg_p[0], agg_p[1], d0, d1, cs,
                               p['Wl'], p['bl'], p['Wg'], pos_encoding,
                               q['Wc'], q['Ws'], q['bk'], q['Wpe'])
    p = lp[-1]
    agg_p = agg_fn(hin, src1, dst1, zeros2)
    return _tc_stage_bf(hin, agg_p[0], agg_p[1], d0, d1, cs, p['Wl'],
                        p['bl'], p['Wg'], params['Wf'], params['bf'])

# --- scband reference (transcript-rebuilt; emitter-appended) ---
"""Pipeline reference for scband-kangpsmodel-14955076124865 (READ-ONLY COPY).

The authoritative reference and input builder live on the scoring server;
editing this copy changes nothing except your own understanding.
"""

import jax, jax.numpy as jnp
import numpy as np

N = 10000
E = 320000
D_IN = 128
H = 128
D_OUT = 128
P = 64
L = 3


def _glorot(key, shape):
    return jax.random.normal(key, shape, dtype=jnp.float32) / jnp.sqrt(jnp.float32(shape[0]))


def setup_inputs(seed: int = 0) -> dict:
    key = jax.random.key(seed)
    ks = jax.random.split(key, 40)
    x = jax.random.normal(ks[0], (N, D_IN), dtype=jnp.float32)
    edge_index = jax.random.randint(ks[1], (2, E), 0, N)
    pos_encoding = jax.random.normal(ks[2], (N, P), dtype=jnp.float32)
    layers = []
    for i in range(L):
        b = 4 + i * 5
        layers.append({
            'Wc': _glorot(ks[b + 0], (H, H)),
            'Ws': _glorot(ks[b + 1], (H, H)),
            'bk': jnp.zeros((H,), dtype=jnp.float32),
            'Wpe': _glorot(ks[b + 2], (P, H)),
            'Wl': _glorot(ks[b + 3], (H, H)),
            'bl': jnp.zeros((H,), dtype=jnp.float32),
            'Wg': _glorot(ks[b + 4], (H, H)),
        })
    params = {
        'W0': _glorot(ks[3], (D_IN, H)),
        'b0': jnp.zeros((H,), dtype=jnp.float32),
        'layers': layers,
        'Wf': _glorot(ks[30], (H, D_OUT)),
        'bf': jnp.zeros((D_OUT,), dtype=jnp.float32),
    }
    return {'x': x, 'edge_index': edge_index, 'pos_encoding': pos_encoding, 'params': params}


def _forward(x, pos_encoding, params, edge_index):
    src = edge_index[0]
    dst = edge_index[1]
    n = x.shape[0]
    h = x @ params['W0'] + params['b0']
    deg = jax.ops.segment_sum(jnp.ones((src.shape[0],), dtype=jnp.float32), dst, num_segments=n)
    deg = jnp.clip(deg, 1.0)[:, None]
    for i in range(L):
        p = params['layers'][i]
        # Fourier-KAN layer: learnable combination of sin/cos basis of inputs
        h = jnp.cos(h) @ p['Wc'] + jnp.sin(h) @ p['Ws'] + p['bk']
        # GPS layer: positional-encoding injection + local MPNN (gather/scatter-add) + global pooling
        h_in = h + pos_encoding @ p['Wpe']
        msgs = jnp.take(h_in, src, axis=0)
        agg = jax.ops.segment_sum(msgs, dst, num_segments=n) / deg
        local = agg @ p['Wl'] + p['bl']
        glob = jnp.mean(h_in, axis=0, keepdims=True) @ p['Wg']
        h = h_in + local + glob
        h = jax.nn.relu(h)
    out = h @ params['Wf'] + params['bf']
    return out


def reference(x, edge_index, pos_encoding, params):
    return _forward(x, pos_encoding, params, edge_index)

if __name__ == "__main__":
    import jax
    _d = setup_inputs()
    print(jax.jit(kernel)(*tuple(_d.values())))

</pallas_src>

<mosaic_0001>
#map = affine_map<(d0, d1) -> (0, 0)>
#map1 = affine_map<(d0, d1) -> (0)>
#map2 = affine_map<(d0, d1) -> (0, 0, 0)>
module attributes {stable_mosaic.version = 14 : i64} {
  func.func @k(%arg0: i32, %arg1: i32, %arg2: memref<10000x128xf32, #tpu.memory_space<hbm>>, %arg3: memref<320000xi32, #tpu.memory_space<hbm>>, %arg4: memref<320000xi32, #tpu.memory_space<hbm>>, %arg5: memref<10008x128xf32, #tpu.memory_space<hbm>>, %arg6: memref<2x10000x128xf32, #tpu.memory_space<hbm>>, %arg7: memref<80xi32, #tpu.memory_space<vmem>>, %arg8: memref<80xi32, #tpu.memory_space<vmem>>, %arg9: memref<80xi32, #tpu.memory_space<vmem>>, %arg10: memref<80xi32, #tpu.memory_space<vmem>>, %arg11: memref<80x128xf32, #tpu.memory_space<vmem>>, %arg12: memref<80x128xf32, #tpu.memory_space<vmem>>, %arg13: memref<!tpu.dma_semaphore, #tpu.memory_space<semaphore_mem>>, %arg14: memref<!tpu.dma_semaphore, #tpu.memory_space<semaphore_mem>>, %arg15: memref<!tpu.dma_semaphore, #tpu.memory_space<semaphore_mem>>, %arg16: memref<!tpu.dma_semaphore, #tpu.memory_space<semaphore_mem>>, %arg17: memref<10008x128xf32, #tpu.memory_space<vmem_shared>>) attributes {dimension_semantics = [#tpu.dimension_semantics<core_parallel>, #tpu.dimension_semantics<subcore_parallel>], iteration_bounds = array<i64: 2, 16>, scalar_prefetch = 0 : i64, scratch_operands = 11 : i64, tpu.core_type = #tpu.core_type<sc_vector_subcore>, window_params = [{transform_indices = #map}, {transform_indices = #map1}, {transform_indices = #map1}, {transform_indices = #map}, {transform_indices = #map2}]} {
    %mul3A = arith.constant 16 : i32
    %mul3A_0 = arith.muli %arg0, %mul3A : i32
    %add3A = arith.addi %mul3A_0, %arg1 : i32
    %mul3A_1 = arith.constant 624 : i32
    %mul3A_2 = arith.muli %arg1, %mul3A_1 : i32
    "tpu.region"() ({
      %run_scoped3A = tpu.sem_alloc : memref<!tpu.dma_semaphore, #tpu.memory_space<semaphore_mem>>
      %dma_start3A_55 = arith.constant 0 : i32
      %dma_start3A_56 = tpu.memref_slice %arg17[%mul3A_2, %dma_start3A_55] : memref<10008x128xf32, #tpu.memory_space<vmem_shared>> -> memref<648x128xf32, #tpu.memory_space<vmem_shared>>
      %dma_start3A_57 = arith.constant 0 : i32
      %dma_start3A_58 = tpu.memref_slice %arg5[%mul3A_2, %dma_start3A_57] : memref<10008x128xf32, #tpu.memory_space<hbm>> -> memref<648x128xf32, #tpu.memory_space<hbm>>
      tpu.enqueue_dma source(%dma_start3A_58 : memref<648x128xf32, #tpu.memory_space<hbm>>) target(%dma_start3A_56 : memref<648x128xf32, #tpu.memory_space<vmem_shared>>) target_semaphore(%run_scoped3A : memref<!tpu.dma_semaphore, #tpu.memory_space<semaphore_mem>>)
      %dma_wait3A_59 = arith.constant 0 : i32
      %dma_wait3A_60 = tpu.memref_slice %arg17[%mul3A_2, %dma_wait3A_59] : memref<10008x128xf32, #tpu.memory_space<vmem_shared>> -> memref<648x128xf32, #tpu.memory_space<vmem_shared>>
      %dma_wait3A_61 = arith.constant 0 : i32
      %dma_wait3A_62 = tpu.memref_slice %arg5[%mul3A_2, %dma_wait3A_61] : memref<10008x128xf32, #tpu.memory_space<hbm>> -> memref<648x128xf32, #tpu.memory_space<hbm>>
      tpu.wait_dma2 semaphore(%run_scoped3A : memref<!tpu.dma_semaphore, #tpu.memory_space<semaphore_mem>>) src(%dma_wait3A_62 : memref<648x128xf32, #tpu.memory_space<hbm>>) dst(%dma_wait3A_60 : memref<648x128xf32, #tpu.memory_space<vmem_shared>>)
      tpu.yield
    }) : () -> ()
    %barrier3A = arith.constant 0 : index
    tpu.barrier barrier_id(%barrier3A)
    %mul3A_3 = arith.constant 10000 : i32
    %mul3A_4 = arith.muli %add3A, %mul3A_3 : i32
    %add3A_5 = arith.constant 0 : i32
    %add3A_6 = arith.addi %mul3A_4, %add3A_5 : i32
    "tpu.region"() ({
      %run_scoped3A = tpu.sem_alloc : memref<!tpu.dma_semaphore, #tpu.memory_space<semaphore_mem>>
      %dma_start3A_55 = tpu.memref_slice %arg3[%add3A_6] : memref<320000xi32, #tpu.memory_space<hbm>> -> memref<80xi32, #tpu.memory_space<hbm>>
      %dma_start3A_56 = tpu.memref_slice %arg3[%add3A_6] : memref<320000xi32, #tpu.memory_space<hbm>> -> memref<80xi32, #tpu.memory_space<hbm>>
      tpu.enqueue_dma source(%dma_start3A_56 : memref<80xi32, #tpu.memory_space<hbm>>) target(%arg7 : memref<80xi32, #tpu.memory_space<vmem>>) target_semaphore(%run_scoped3A : memref<!tpu.dma_semaphore, #tpu.memory_space<semaphore_mem>>)
      %dma_wait3A_57 = tpu.memref_slice %arg3[%add3A_6] : memref<320000xi32, #tpu.memory_space<hbm>> -> memref<80xi32, #tpu.memory_space<hbm>>
      %dma_wait3A_58 = tpu.memref_slice %arg3[%add3A_6] : memref<320000xi32, #tpu.memory_space<hbm>> -> memref<80xi32, #tpu.memory_space<hbm>>
      tpu.wait_dma2 semaphore(%run_scoped3A : memref<!tpu.dma_semaphore, #tpu.memory_space<semaphore_mem>>) src(%dma_wait3A_58 : memref<80xi32, #tpu.memory_space<hbm>>) dst(%arg7 : memref<80xi32, #tpu.memory_space<vmem>>)
      tpu.yield
    }) : () -> ()
    "tpu.region"() ({
      %run_scoped3A = tpu.sem_alloc : memref<!tpu.dma_semaphore, #tpu.memory_space<semaphore_mem>>
      %dma_start3A_55 = tpu.memref_slice %arg4[%add3A_6] : memref<320000xi32, #tpu.memory_space<hbm>> -> memref<80xi32, #tpu.memory_space<hbm>>
      %dma_start3A_56 = tpu.memref_slice %arg4[%add3A_6] : memref<320000xi32, #tpu.memory_space<hbm>> -> memref<80xi32, #tpu.memory_space<hbm>>
      tpu.enqueue_dma source(%dma_start3A_56 : memref<80xi32, #tpu.memory_space<hbm>>) target(%arg8 : memref<80xi32, #tpu.memory_space<vmem>>) target_semaphore(%run_scoped3A : memref<!tpu.dma_semaphore, #tpu.memory_space<semaphore_mem>>)
      %dma_wait3A_57 = tpu.memref_slice %arg4[%add3A_6] : memref<320000xi32, #tpu.memory_space<hbm>> -> memref<80xi32, #tpu.memory_space<hbm>>
      %dma_wait3A_58 = tpu.memref_slice %arg4[%add3A_6] : memref<320000xi32, #tpu.memory_space<hbm>> -> memref<80xi32, #tpu.memory_space<hbm>>
      tpu.wait_dma2 semaphore(%run_scoped3A : memref<!tpu.dma_semaphore, #tpu.memory_space<semaphore_mem>>) src(%dma_wait3A_58 : memref<80xi32, #tpu.memory_space<hbm>>) dst(%arg8 : memref<80xi32, #tpu.memory_space<vmem>>)
      tpu.yield
    }) : () -> ()
    %dma_start3A = arith.constant 0 : i32
    %dma_start3A_7 = arith.constant 0 : i32
    %dma_start3A_8 = tpu.memref_slice %arg2[%dma_start3A, %dma_start3A_7] : memref<10000x128xf32, #tpu.memory_space<hbm>> -> memref<10000x128xf32, #tpu.memory_space<hbm>>
    tpu.enqueue_indirect_dma source(%dma_start3A_8 : memref<10000x128xf32, #tpu.memory_space<hbm>>) target(%arg11 : memref<80x128xf32, #tpu.memory_space<vmem>>) offsets(%arg7 : memref<80xi32, #tpu.memory_space<vmem>>) semaphore(%arg13 : memref<!tpu.dma_semaphore, #tpu.memory_space<semaphore_mem>>)
    %mul3A_9 = arith.constant 10000 : i32
    %mul3A_10 = arith.muli %add3A, %mul3A_9 : i32
    %add3A_11 = arith.constant 80 : i32
    %add3A_12 = arith.addi %mul3A_10, %add3A_11 : i32
    "tpu.region"() ({
      %run_scoped3A = tpu.sem_alloc : memref<!tpu.dma_semaphore, #tpu.memory_space<semaphore_mem>>
      %dma_start3A_55 = tpu.memref_slice %arg3[%add3A_12] : memref<320000xi32, #tpu.memory_space<hbm>> -> memref<80xi32, #tpu.memory_space<hbm>>
      %dma_start3A_56 = tpu.memref_slice %arg3[%add3A_12] : memref<320000xi32, #tpu.memory_space<hbm>> -> memref<80xi32, #tpu.memory_space<hbm>>
      tpu.enqueue_dma source(%dma_start3A_56 : memref<80xi32, #tpu.memory_space<hbm>>) target(%arg9 : memref<80xi32, #tpu.memory_space<vmem>>) target_semaphore(%run_scoped3A : memref<!tpu.dma_semaphore, #tpu.memory_space<semaphore_mem>>)
      %dma_wait3A_57 = tpu.memref_slice %arg3[%add3A_12] : memref<320000xi32, #tpu.memory_space<hbm>> -> memref<80xi32, #tpu.memory_space<hbm>>
      %dma_wait3A_58 = tpu.memref_slice %arg3[%add3A_12] : memref<320000xi32, #tpu.memory_space<hbm>> -> memref<80xi32, #tpu.memory_space<hbm>>
      tpu.wait_dma2 semaphore(%run_scoped3A : memref<!tpu.dma_semaphore, #tpu.memory_space<semaphore_mem>>) src(%dma_wait3A_58 : memref<80xi32, #tpu.memory_space<hbm>>) dst(%arg9 : memref<80xi32, #tpu.memory_space<vmem>>)
      tpu.yield
    }) : () -> ()
    "tpu.region"() ({
      %run_scoped3A = tpu.sem_alloc : memref<!tpu.dma_semaphore, #tpu.memory_space<semaphore_mem>>
      %dma_start3A_55 = tpu.memref_slice %arg4[%add3A_12] : memref<320000xi32, #tpu.memory_space<hbm>> -> memref<80xi32, #tpu.memory_space<hbm>>
      %dma_start3A_56 = tpu.memref_slice %arg4[%add3A_12] : memref<320000xi32, #tpu.memory_space<hbm>> -> memref<80xi32, #tpu.memory_space<hbm>>
      tpu.enqueue_dma source(%dma_start3A_56 : memref<80xi32, #tpu.memory_space<hbm>>) target(%arg10 : memref<80xi32, #tpu.memory_space<vmem>>) target_semaphore(%run_scoped3A : memref<!tpu.dma_semaphore, #tpu.memory_space<semaphore_mem>>)
      %dma_wait3A_57 = tpu.memref_slice %arg4[%add3A_12] : memref<320000xi32, #tpu.memory_space<hbm>> -> memref<80xi32, #tpu.memory_space<hbm>>
      %dma_wait3A_58 = tpu.memref_slice %arg4[%add3A_12] : memref<320000xi32, #tpu.memory_space<hbm>> -> memref<80xi32, #tpu.memory_space<hbm>>
      tpu.wait_dma2 semaphore(%run_scoped3A : memref<!tpu.dma_semaphore, #tpu.memory_space<semaphore_mem>>) src(%dma_wait3A_58 : memref<80xi32, #tpu.memory_space<hbm>>) dst(%arg10 : memref<80xi32, #tpu.memory_space<vmem>>)
      tpu.yield
    }) : () -> ()
    %dma_start3A_13 = arith.constant 0 : i32
    %dma_start3A_14 = arith.constant 0 : i32
    %dma_start3A_15 = tpu.memref_slice %arg2[%dma_start3A_13, %dma_start3A_14] : memref<10000x128xf32, #tpu.memory_space<hbm>> -> memref<10000x128xf32, #tpu.memory_space<hbm>>
    tpu.enqueue_indirect_dma source(%dma_start3A_15 : memref<10000x128xf32, #tpu.memory_space<hbm>>) target(%arg12 : memref<80x128xf32, #tpu.memory_space<vmem>>) offsets(%arg9 : memref<80xi32, #tpu.memory_space<vmem>>) semaphore(%arg14 : memref<!tpu.dma_semaphore, #tpu.memory_space<semaphore_mem>>)
    %dma_wait3A = arith.constant 0 : i32
    %dma_wait3A_16 = arith.constant 0 : i32
    %dma_wait3A_17 = tpu.memref_slice %arg2[%dma_wait3A, %dma_wait3A_16] : memref<10000x128xf32, #tpu.memory_space<hbm>> -> memref<10000x128xf32, #tpu.memory_space<hbm>>
    tpu.wait_indirect_dma semaphore(%arg13 : memref<!tpu.dma_semaphore, #tpu.memory_space<semaphore_mem>>) src(%dma_wait3A_17 : memref<10000x128xf32, #tpu.memory_space<hbm>>) dst(%arg11 : memref<80x128xf32, #tpu.memory_space<vmem>>)
    %dma_start3A_18 = arith.constant 0 : i32
    %dma_start3A_19 = arith.constant 0 : i32
    %dma_start3A_20 = tpu.memref_slice %arg17[%dma_start3A_18, %dma_start3A_19] : memref<10008x128xf32, #tpu.memory_space<vmem_shared>> -> memref<10008x128xf32, #tpu.memory_space<vmem_shared>>
    tpu.enqueue_indirect_dma source(%arg11 : memref<80x128xf32, #tpu.memory_space<vmem>>) target(%dma_start3A_20 : memref<10008x128xf32, #tpu.memory_space<vmem_shared>>) offsets(%arg8 : memref<80xi32, #tpu.memory_space<vmem>>) semaphore(%arg15 : memref<!tpu.dma_semaphore, #tpu.memory_space<semaphore_mem>>) {add = true}
    %scan3A = arith.constant 0 : i32
    %scan3A_21 = arith.constant 0 : i32
    %scan3A_22 = arith.constant 61 : i32
    %scan3A_23 = arith.addi %scan3A_21, %scan3A_22 : i32
    %scan3A_24 = arith.constant 1 : i32
    scf.for %scan3A_55 = %scan3A_21 to %scan3A_23 step %scan3A_24  : i32 {
      %mul3A_56 = arith.constant 2 : i32
      %mul3A_57 = arith.muli %mul3A_56, %scan3A_55 : i32
      %add3A_58 = arith.constant 1 : i32
      %add3A_59 = arith.addi %mul3A_57, %add3A_58 : i32
      %dma_wait3A_60 = arith.constant 0 : i32
      %dma_wait3A_61 = arith.constant 0 : i32
      %dma_wait3A_62 = tpu.memref_slice %arg17[%dma_wait3A_60, %dma_wait3A_61] : memref<10008x128xf32, #tpu.memory_space<vmem_shared>> -> memref<10008x128xf32, #tpu.memory_space<vmem_shared>>
      tpu.wait_indirect_dma semaphore(%arg15 : memref<!tpu.dma_semaphore, #tpu.memory_space<semaphore_mem>>) src(%arg11 : memref<80x128xf32, #tpu.memory_space<vmem>>) dst(%dma_wait3A_62 : memref<10008x128xf32, #tpu.memory_space<vmem_shared>>)
      %add3A_63 = arith.constant 1 : i32
      %add3A_64 = arith.addi %add3A_59, %add3A_63 : i32
      %mul3A_65 = arith.constant 10000 : i32
      %mul3A_66 = arith.muli %add3A, %mul3A_65 : i32
      %mul3A_67 = arith.constant 80 : i32
      %mul3A_68 = arith.muli %add3A_64, %mul3A_67 : i32
      %add3A_69 = arith.addi %mul3A_66, %mul3A_68 : i32
      "tpu.region"() ({
        %run_scoped3A = tpu.sem_alloc : memref<!tpu.dma_semaphore, #tpu.memory_space<semaphore_mem>>
        %dma_start3A_102 = tpu.memref_slice %arg3[%add3A_69] : memref<320000xi32, #tpu.memory_space<hbm>> -> memref<80xi32, #tpu.memory_space<hbm>>
        %dma_start3A_103 = tpu.memref_slice %arg3[%add3A_69] : memref<320000xi32, #tpu.memory_space<hbm>> -> memref<80xi32, #tpu.memory_space<hbm>>
        tpu.enqueue_dma source(%dma_start3A_103 : memref<80xi32, #tpu.memory_space<hbm>>) target(%arg7 : memref<80xi32, #tpu.memory_space<vmem>>) target_semaphore(%run_scoped3A : memref<!tpu.dma_semaphore, #tpu.memory_space<semaphore_mem>>)
        %dma_wait3A_104 = tpu.memref_slice %arg3[%add3A_69] : memref<320000xi32, #tpu.memory_space<hbm>> -> memref<80xi32, #tpu.memory_space<hbm>>
        %dma_wait3A_105 = tpu.memref_slice %arg3[%add3A_69] : memref<320000xi32, #tpu.memory_space<hbm>> -> memref<80xi32, #tpu.memory_space<hbm>>
        tpu.wait_dma2 semaphore(%run_scoped3A : memref<!tpu.dma_semaphore, #tpu.memory_space<semaphore_mem>>) src(%dma_wait3A_105 : memref<80xi32, #tpu.memory_space<hbm>>) dst(%arg7 : memref<80xi32, #tpu.memory_space<vmem>>)
        tpu.yield
      }) : () -> ()
      "tpu.region"() ({
        %run_scoped3A = tpu.sem_alloc : memref<!tpu.dma_semaphore, #tpu.memory_space<semaphore_mem>>
        %dma_start3A_102 = tpu.memref_slice %arg4[%add3A_69] : memref<320000xi32, #tpu.memory_space<hbm>> -> memref<80xi32, #tpu.memory_space<hbm>>
        %dma_start3A_103 = tpu.memref_slice %arg4[%add3A_69] : memref<320000xi32, #tpu.memory_space<hbm>> -> memref<80xi32, #tpu.memory_space<hbm>>
        tpu.enqueue_dma source(%dma_start3A_103 : memref<80xi32, #tpu.memory_space<hbm>>) target(%arg8 : memref<80xi32, #tpu.memory_space<vmem>>) target_semaphore(%run_scoped3A : memref<!tpu.dma_semaphore, #tpu.memory_space<semaphore_mem>>)
        %dma_wait3A_104 = tpu.memref_slice %arg4[%add3A_69] : memref<320000xi32, #tpu.memory_space<hbm>> -> memref<80xi32, #tpu.memory_space<hbm>>
        %dma_wait3A_105 = tpu.memref_slice %arg4[%add3A_69] : memref<320000xi32, #tpu.memory_space<hbm>> -> memref<80xi32, #tpu.memory_space<hbm>>
        tpu.wait_dma2 semaphore(%run_scoped3A : memref<!tpu.dma_semaphore, #tpu.memory_space<semaphore_mem>>) src(%dma_wait3A_105 : memref<80xi32, #tpu.memory_space<hbm>>) dst(%arg8 : memref<80xi32, #tpu.memory_space<vmem>>)
        tpu.yield
      }) : () -> ()
      %dma_start3A_70 = arith.constant 0 : i32
      %dma_start3A_71 = arith.constant 0 : i32
      %dma_start3A_72 = tpu.memref_slice %arg2[%dma_start3A_70, %dma_start3A_71] : memref<10000x128xf32, #tpu.memory_space<hbm>> -> memref<10000x128xf32, #tpu.memory_space<hbm>>
      tpu.enqueue_indirect_dma source(%dma_start3A_72 : memref<10000x128xf32, #tpu.memory_space<hbm>>) target(%arg11 : memref<80x128xf32, #tpu.memory_space<vmem>>) offsets(%arg7 : memref<80xi32, #tpu.memory_space<vmem>>) semaphore(%arg13 : memref<!tpu.dma_semaphore, #tpu.memory_space<semaphore_mem>>)
      %dma_wait3A_73 = arith.constant 0 : i32
      %dma_wait3A_74 = arith.constant 0 : i32
      %dma_wait3A_75 = tpu.memref_slice %arg2[%dma_wait3A_73, %dma_wait3A_74] : memref<10000x128xf32, #tpu.memory_space<hbm>> -> memref<10000x128xf32, #tpu.memory_space<hbm>>
      tpu.wait_indirect_dma semaphore(%arg14 : memref<!tpu.dma_semaphore, #tpu.memory_space<semaphore_mem>>) src(%dma_wait3A_75 : memref<10000x128xf32, #tpu.memory_space<hbm>>) dst(%arg12 : memref<80x128xf32, #tpu.memory_space<vmem>>)
      %dma_start3A_76 = arith.constant 0 : i32
      %dma_start3A_77 = arith.constant 0 : i32
      %dma_start3A_78 = tpu.memref_slice %arg17[%dma_start3A_76, %dma_start3A_77] : memref<10008x128xf32, #tpu.memory_space<vmem_shared>> -> memref<10008x128xf32, #tpu.memory_space<vmem_shared>>
      tpu.enqueue_indirect_dma source(%arg12 : memref<80x128xf32, #tpu.memory_space<vmem>>) target(%dma_start3A_78 : memref<10008x128xf32, #tpu.memory_space<vmem_shared>>) offsets(%arg10 : memref<80xi32, #tpu.memory_space<vmem>>) semaphore(%arg16 : memref<!tpu.dma_semaphore, #tpu.memory_space<semaphore_mem>>) {add = true}
      %mul3A_79 = arith.constant 2 : i32
      %mul3A_80 = arith.muli %mul3A_79, %scan3A_55 : i32
      %add3A_81 = arith.constant 2 : i32
      %add3A_82 = arith.addi %mul3A_80, %add3A_81 : i32
      %dma_wait3A_83 = arith.constant 0 : i32
      %dma_wait3A_84 = arith.constant 0 : i32
      %dma_wait3A_85 = tpu.memref_slice %arg17[%dma_wait3A_83, %dma_wait3A_84] : memref<10008x128xf32, #tpu.memory_space<vmem_shared>> -> memref<10008x128xf32, #tpu.memory_space<vmem_shared>>
      tpu.wait_indirect_dma semaphore(%arg16 : memref<!tpu.dma_semaphore, #tpu.memory_space<semaphore_mem>>) src(%arg12 : memref<80x128xf32, #tpu.memory_space<vmem>>) dst(%dma_wait3A_85 : memref<10008x128xf32, #tpu.memory_space<vmem_shared>>)
      %add3A_86 = arith.constant 1 : i32
      %add3A_87 = arith.addi %add3A_82, %add3A_86 : i32
      %mul3A_88 = arith.constant 10000 : i32
      %mul3A_89 = arith.muli %add3A, %mul3A_88 : i32
      %mul3A_90 = arith.constant 80 : i32
      %mul3A_91 = arith.muli %add3A_87, %mul3A_90 : i32
      %add3A_92 = arith.addi %mul3A_89, %mul3A_91 : i32
      "tpu.region"() ({
        %run_scoped3A = tpu.sem_alloc : memref<!tpu.dma_semaphore, #tpu.memory_space<semaphore_mem>>
        %dma_start3A_102 = tpu.memref_slice %arg3[%add3A_92] : memref<320000xi32, #tpu.memory_space<hbm>> -> memref<80xi32, #tpu.memory_space<hbm>>
        %dma_start3A_103 = tpu.memref_slice %arg3[%add3A_92] : memref<320000xi32, #tpu.memory_space<hbm>> -> memref<80xi32, #tpu.memory_space<hbm>>
        tpu.enqueue_dma source(%dma_start3A_103 : memref<80xi32, #tpu.memory_space<hbm>>) target(%arg9 : memref<80xi32, #tpu.memory_space<vmem>>) target_semaphore(%run_scoped3A : memref<!tpu.dma_semaphore, #tpu.memory_space<semaphore_mem>>)
        %dma_wait3A_104 = tpu.memref_slice %arg3[%add3A_92] : memref<320000xi32, #tpu.memory_space<hbm>> -> memref<80xi32, #tpu.memory_space<hbm>>
        %dma_wait3A_105 = tpu.memref_slice %arg3[%add3A_92] : memref<320000xi32, #tpu.memory_space<hbm>> -> memref<80xi32, #tpu.memory_space<hbm>>
        tpu.wait_dma2 semaphore(%run_scoped3A : memref<!tpu.dma_semaphore, #tpu.memory_space<semaphore_mem>>) src(%dma_wait3A_105 : memref<80xi32, #tpu.memory_space<hbm>>) dst(%arg9 : memref<80xi32, #tpu.memory_space<vmem>>)
        tpu.yield
      }) : () -> ()
      "tpu.region"() ({
        %run_scoped3A = tpu.sem_alloc : memref<!tpu.dma_semaphore, #tpu.memory_space<semaphore_mem>>
        %dma_start3A_102 = tpu.memref_slice %arg4[%add3A_92] : memref<320000xi32, #tpu.memory_space<hbm>> -> memref<80xi32, #tpu.memory_space<hbm>>
        %dma_start3A_103 = tpu.memref_slice %arg4[%add3A_92] : memref<320000xi32, #tpu.memory_space<hbm>> -> memref<80xi32, #tpu.memory_space<hbm>>
        tpu.enqueue_dma source(%dma_start3A_103 : memref<80xi32, #tpu.memory_space<hbm>>) target(%arg10 : memref<80xi32, #tpu.memory_space<vmem>>) target_semaphore(%run_scoped3A : memref<!tpu.dma_semaphore, #tpu.memory_space<semaphore_mem>>)
        %dma_wait3A_104 = tpu.memref_slice %arg4[%add3A_92] : memref<320000xi32, #tpu.memory_space<hbm>> -> memref<80xi32, #tpu.memory_space<hbm>>
        %dma_wait3A_105 = tpu.memref_slice %arg4[%add3A_92] : memref<320000xi32, #tpu.memory_space<hbm>> -> memref<80xi32, #tpu.memory_space<hbm>>
        tpu.wait_dma2 semaphore(%run_scoped3A : memref<!tpu.dma_semaphore, #tpu.memory_space<semaphore_mem>>) src(%dma_wait3A_105 : memref<80xi32, #tpu.memory_space<hbm>>) dst(%arg10 : memref<80xi32, #tpu.memory_space<vmem>>)
        tpu.yield
      }) : () -> ()
      %dma_start3A_93 = arith.constant 0 : i32
      %dma_start3A_94 = arith.constant 0 : i32
      %dma_start3A_95 = tpu.memref_slice %arg2[%dma_start3A_93, %dma_start3A_94] : memref<10000x128xf32, #tpu.memory_space<hbm>> -> memref<10000x128xf32, #tpu.memory_space<hbm>>
      tpu.enqueue_indirect_dma source(%dma_start3A_95 : memref<10000x128xf32, #tpu.memory_space<hbm>>) target(%arg12 : memref<80x128xf32, #tpu.memory_space<vmem>>) offsets(%arg9 : memref<80xi32, #tpu.memory_space<vmem>>) semaphore(%arg14 : memref<!tpu.dma_semaphore, #tpu.memory_space<semaphore_mem>>)
      %dma_wait3A_96 = arith.constant 0 : i32
      %dma_wait3A_97 = arith.constant 0 : i32
      %dma_wait3A_98 = tpu.memref_slice %arg2[%dma_wait3A_96, %dma_wait3A_97] : memref<10000x128xf32, #tpu.memory_space<hbm>> -> memref<10000x128xf32, #tpu.memory_space<hbm>>
      tpu.wait_indirect_dma semaphore(%arg13 : memref<!tpu.dma_semaphore, #tpu.memory_space<semaphore_mem>>) src(%dma_wait3A_98 : memref<10000x128xf32, #tpu.memory_space<hbm>>) dst(%arg11 : memref<80x128xf32, #tpu.memory_space<vmem>>)
      %dma_start3A_99 = arith.constant 0 : i32
      %dma_start3A_100 = arith.constant 0 : i32
      %dma_start3A_101 = tpu.memref_slice %arg17[%dma_start3A_99, %dma_start3A_100] : memref<10008x128xf32, #tpu.memory_space<vmem_shared>> -> memref<10008x128xf32, #tpu.memory_space<vmem_shared>>
      tpu.enqueue_indirect_dma source(%arg11 : memref<80x128xf32, #tpu.memory_space<vmem>>) target(%dma_start3A_101 : memref<10008x128xf32, #tpu.memory_space<vmem_shared>>) offsets(%arg8 : memref<80xi32, #tpu.memory_space<vmem>>) semaphore(%arg15 : memref<!tpu.dma_semaphore, #tpu.memory_space<semaphore_mem>>) {add = true}
    }
    %scan3A_25 = arith.constant 61 : i32
    %dma_wait3A_26 = arith.constant 0 : i32
    %dma_wait3A_27 = arith.constant 0 : i32
    %dma_wait3A_28 = tpu.memref_slice %arg17[%dma_wait3A_26, %dma_wait3A_27] : memref<10008x128xf32, #tpu.memory_space<vmem_shared>> -> memref<10008x128xf32, #tpu.memory_space<vmem_shared>>
    tpu.wait_indirect_dma semaphore(%arg15 : memref<!tpu.dma_semaphore, #tpu.memory_space<semaphore_mem>>) src(%arg11 : memref<80x128xf32, #tpu.memory_space<vmem>>) dst(%dma_wait3A_28 : memref<10008x128xf32, #tpu.memory_space<vmem_shared>>)
    %mul3A_29 = arith.constant 10000 : i32
    %mul3A_30 = arith.muli %add3A, %mul3A_29 : i32
    %add3A_31 = arith.constant 9920 : i32
    %add3A_32 = arith.addi %mul3A_30, %add3A_31 : i32
    "tpu.region"() ({
      %run_scoped3A = tpu.sem_alloc : memref<!tpu.dma_semaphore, #tpu.memory_space<semaphore_mem>>
      %dma_start3A_55 = tpu.memref_slice %arg3[%add3A_32] : memref<320000xi32, #tpu.memory_space<hbm>> -> memref<80xi32, #tpu.memory_space<hbm>>
      %dma_start3A_56 = tpu.memref_slice %arg3[%add3A_32] : memref<320000xi32, #tpu.memory_space<hbm>> -> memref<80xi32, #tpu.memory_space<hbm>>
      tpu.enqueue_dma source(%dma_start3A_56 : memref<80xi32, #tpu.memory_space<hbm>>) target(%arg7 : memref<80xi32, #tpu.memory_space<vmem>>) target_semaphore(%run_scoped3A : memref<!tpu.dma_semaphore, #tpu.memory_space<semaphore_mem>>)
      %dma_wait3A_57 = tpu.memref_slice %arg3[%add3A_32] : memref<320000xi32, #tpu.memory_space<hbm>> -> memref<80xi32, #tpu.memory_space<hbm>>
      %dma_wait3A_58 = tpu.memref_slice %arg3[%add3A_32] : memref<320000xi32, #tpu.memory_space<hbm>> -> memref<80xi32, #tpu.memory_space<hbm>>
      tpu.wait_dma2 semaphore(%run_scoped3A : memref<!tpu.dma_semaphore, #tpu.memory_space<semaphore_mem>>) src(%dma_wait3A_58 : memref<80xi32, #tpu.memory_space<hbm>>) dst(%arg7 : memref<80xi32, #tpu.memory_space<vmem>>)
      tpu.yield
    }) : () -> ()
    "tpu.region"() ({
      %run_scoped3A = tpu.sem_alloc : memref<!tpu.dma_semaphore, #tpu.memory_space<semaphore_mem>>
      %dma_start3A_55 = tpu.memref_slice %arg4[%add3A_32] : memref<320000xi32, #tpu.memory_space<hbm>> -> memref<80xi32, #tpu.memory_space<hbm>>
      %dma_start3A_56 = tpu.memref_slice %arg4[%add3A_32] : memref<320000xi32, #tpu.memory_space<hbm>> -> memref<80xi32, #tpu.memory_space<hbm>>
      tpu.enqueue_dma source(%dma_start3A_56 : memref<80xi32, #tpu.memory_space<hbm>>) target(%arg8 : memref<80xi32, #tpu.memory_space<vmem>>) target_semaphore(%run_scoped3A : memref<!tpu.dma_semaphore, #tpu.memory_space<semaphore_mem>>)
      %dma_wait3A_57 = tpu.memref_slice %arg4[%add3A_32] : memref<320000xi32, #tpu.memory_space<hbm>> -> memref<80xi32, #tpu.memory_space<hbm>>
      %dma_wait3A_58 = tpu.memref_slice %arg4[%add3A_32] : memref<320000xi32, #tpu.memory_space<hbm>> -> memref<80xi32, #tpu.memory_space<hbm>>
      tpu.wait_dma2 semaphore(%run_scoped3A : memref<!tpu.dma_semaphore, #tpu.memory_space<semaphore_mem>>) src(%dma_wait3A_58 : memref<80xi32, #tpu.memory_space<hbm>>) dst(%arg8 : memref<80xi32, #tpu.memory_space<vmem>>)
      tpu.yield
    }) : () -> ()
    %dma_start3A_33 = arith.constant 0 : i32
    %dma_start3A_34 = arith.constant 0 : i32
    %dma_start3A_35 = tpu.memref_slice %arg2[%dma_start3A_33, %dma_start3A_34] : memref<10000x128xf32, #tpu.memory_space<hbm>> -> memref<10000x128xf32, #tpu.memory_space<hbm>>
    tpu.enqueue_indirect_dma source(%dma_start3A_35 : memref<10000x128xf32, #tpu.memory_space<hbm>>) target(%arg11 : memref<80x128xf32, #tpu.memory_space<vmem>>) offsets(%arg7 : memref<80xi32, #tpu.memory_space<vmem>>) semaphore(%arg13 : memref<!tpu.dma_semaphore, #tpu.memory_space<semaphore_mem>>)
    %dma_wait3A_36 = arith.constant 0 : i32
    %dma_wait3A_37 = arith.constant 0 : i32
    %dma_wait3A_38 = tpu.memref_slice %arg2[%dma_wait3A_36, %dma_wait3A_37] : memref<10000x128xf32, #tpu.memory_space<hbm>> -> memref<10000x128xf32, #tpu.memory_space<hbm>>
    tpu.wait_indirect_dma semaphore(%arg14 : memref<!tpu.dma_semaphore, #tpu.memory_space<semaphore_mem>>) src(%dma_wait3A_38 : memref<10000x128xf32, #tpu.memory_space<hbm>>) dst(%arg12 : memref<80x128xf32, #tpu.memory_space<vmem>>)
    %dma_start3A_39 = arith.constant 0 : i32
    %dma_start3A_40 = arith.constant 0 : i32
    %dma_start3A_41 = tpu.memref_slice %arg17[%dma_start3A_39, %dma_start3A_40] : memref<10008x128xf32, #tpu.memory_space<vmem_shared>> -> memref<10008x128xf32, #tpu.memory_space<vmem_shared>>
    tpu.enqueue_indirect_dma source(%arg12 : memref<80x128xf32, #tpu.memory_space<vmem>>) target(%dma_start3A_41 : memref<10008x128xf32, #tpu.memory_space<vmem_shared>>) offsets(%arg10 : memref<80xi32, #tpu.memory_space<vmem>>) semaphore(%arg16 : memref<!tpu.dma_semaphore, #tpu.memory_space<semaphore_mem>>) {add = true}
    %dma_wait3A_42 = arith.constant 0 : i32
    %dma_wait3A_43 = arith.constant 0 : i32
    %dma_wait3A_44 = tpu.memref_slice %arg17[%dma_wait3A_42, %dma_wait3A_43] : memref<10008x128xf32, #tpu.memory_space<vmem_shared>> -> memref<10008x128xf32, #tpu.memory_space<vmem_shared>>
    tpu.wait_indirect_dma semaphore(%arg16 : memref<!tpu.dma_semaphore, #tpu.memory_space<semaphore_mem>>) src(%arg12 : memref<80x128xf32, #tpu.memory_space<vmem>>) dst(%dma_wait3A_44 : memref<10008x128xf32, #tpu.memory_space<vmem_shared>>)
    %dma_wait3A_45 = arith.constant 0 : i32
    %dma_wait3A_46 = arith.constant 0 : i32
    %dma_wait3A_47 = tpu.memref_slice %arg2[%dma_wait3A_45, %dma_wait3A_46] : memref<10000x128xf32, #tpu.memory_space<hbm>> -> memref<10000x128xf32, #tpu.memory_space<hbm>>
    tpu.wait_indirect_dma semaphore(%arg13 : memref<!tpu.dma_semaphore, #tpu.memory_space<semaphore_mem>>) src(%dma_wait3A_47 : memref<10000x128xf32, #tpu.memory_space<hbm>>) dst(%arg11 : memref<80x128xf32, #tpu.memory_space<vmem>>)
    %dma_start3A_48 = arith.constant 0 : i32
    %dma_start3A_49 = arith.constant 0 : i32
    %dma_start3A_50 = tpu.memref_slice %arg17[%dma_start3A_48, %dma_start3A_49] : memref<10008x128xf32, #tpu.memory_space<vmem_shared>> -> memref<10008x128xf32, #tpu.memory_space<vmem_shared>>
    tpu.enqueue_indirect_dma source(%arg11 : memref<80x128xf32, #tpu.memory_space<vmem>>) target(%dma_start3A_50 : memref<10008x128xf32, #tpu.memory_space<vmem_shared>>) offsets(%arg8 : memref<80xi32, #tpu.memory_space<vmem>>) semaphore(%arg15 : memref<!tpu.dma_semaphore, #tpu.memory_space<semaphore_mem>>) {add = true}
    %dma_wait3A_51 = arith.constant 0 : i32
    %dma_wait3A_52 = arith.constant 0 : i32
    %dma_wait3A_53 = tpu.memref_slice %arg17[%dma_wait3A_51, %dma_wait3A_52] : memref<10008x128xf32, #tpu.memory_space<vmem_shared>> -> memref<10008x128xf32, #tpu.memory_space<vmem_shared>>
    tpu.wait_indirect_dma semaphore(%arg15 : memref<!tpu.dma_semaphore, #tpu.memory_space<semaphore_mem>>) src(%arg11 : memref<80x128xf32, #tpu.memory_space<vmem>>) dst(%dma_wait3A_53 : memref<10008x128xf32, #tpu.memory_space<vmem_shared>>)
    %barrier3A_54 = arith.constant 0 : index
    tpu.barrier barrier_id(%barrier3A_54)
    "tpu.region"() ({
      %run_scoped3A = tpu.sem_alloc : memref<!tpu.dma_semaphore, #tpu.memory_space<semaphore_mem>>
      %dma_start3A_55 = arith.constant 0 : i32
      %dma_start3A_56 = tpu.memref_slice %arg6[%arg0, %mul3A_2, %dma_start3A_55] : memref<2x10000x128xf32, #tpu.memory_space<hbm>> -> memref<1x640x128xf32, #tpu.memory_space<hbm>>
      %dma_start3A_57 = tpu.memref_squeeze %dma_start3A_56 : memref<1x640x128xf32, #tpu.memory_space<hbm>> -> memref<640x128xf32, #tpu.memory_space<hbm>>
      %dma_start3A_58 = arith.constant 0 : i32
      %dma_start3A_59 = tpu.memref_slice %arg17[%mul3A_2, %dma_start3A_58] : memref<10008x128xf32, #tpu.memory_space<vmem_shared>> -> memref<640x128xf32, #tpu.memory_space<vmem_shared>>
      tpu.enqueue_dma source(%dma_start3A_59 : memref<640x128xf32, #tpu.memory_space<vmem_shared>>) target(%dma_start3A_57 : memref<640x128xf32, #tpu.memory_space<hbm>>) target_semaphore(%run_scoped3A : memref<!tpu.dma_semaphore, #tpu.memory_space<semaphore_mem>>)
      %dma_wait3A_60 = arith.constant 0 : i32
      %dma_wait3A_61 = tpu.memref_slice %arg6[%arg0, %mul3A_2, %dma_wait3A_60] : memref<2x10000x128xf32, #tpu.memory_space<hbm>> -> memref<1x640x128xf32, #tpu.memory_space<hbm>>
      %dma_wait3A_62 = tpu.memref_squeeze %dma_wait3A_61 : memref<1x640x128xf32, #tpu.memory_space<hbm>> -> memref<640x128xf32, #tpu.memory_space<hbm>>
      %dma_wait3A_63 = arith.constant 0 : i32
      %dma_wait3A_64 = tpu.memref_slice %arg17[%mul3A_2, %dma_wait3A_63] : memref<10008x128xf32, #tpu.memory_space<vmem_shared>> -> memref<640x128xf32, #tpu.memory_space<vmem_shared>>
      tpu.wait_dma2 semaphore(%run_scoped3A : memref<!tpu.dma_semaphore, #tpu.memory_space<semaphore_mem>>) src(%dma_wait3A_64 : memref<640x128xf32, #tpu.memory_space<vmem_shared>>) dst(%dma_wait3A_62 : memref<640x128xf32, #tpu.memory_space<hbm>>)
      tpu.yield
    }) : () -> ()
    return
  }
}

#map = affine_map<(d0, d1) -> (0, 0)>
#map1 = affine_map<(d0, d1) -> (0)>
#map2 = affine_map<(d0, d1) -> (0, 0, 0)>
module attributes {stable_mosaic.version = 14 : i64} {
  func.func @k(%arg0: i32, %arg1: i32, %arg2: memref<10000x128xf32, #tpu.memory_space<hbm>>, %arg3: memref<320000xi32, #tpu.memory_space<hbm>>, %arg4: memref<320000xi32, #tpu.memory_space<hbm>>, %arg5: memref<10008x128xf32, #tpu.memory_space<hbm>>, %arg6: memref<2x10000x128xf32, #tpu.memory_space<hbm>>, %arg7: memref<80xi32, #tpu.memory_space<vmem>>, %arg8: memref<80xi32, #tpu.memory_space<vmem>>, %arg9: memref<80xi32, #tpu.memory_space<vmem>>, %arg10: memref<80xi32, #tpu.memory_space<vmem>>, %arg11: memref<80x128xf32, #tpu.memory_space<vmem>>, %arg12: memref<80x128xf32, #tpu.memory_space<vmem>>, %arg13: memref<!tpu.dma_semaphore, #tpu.memory_space<semaphore_mem>>, %arg14: memref<!tpu.dma_semaphore, #tpu.memory_space<semaphore_mem>>, %arg15: memref<!tpu.dma_semaphore, #tpu.memory_space<semaphore_mem>>, %arg16: memref<!tpu.dma_semaphore, #tpu.memory_space<semaphore_mem>>, %arg17: memref<10008x128xf32, #tpu.memory_space<vmem_shared>>) attributes {dimension_semantics = [#tpu.dimension_semantics<core_parallel>, #tpu.dimension_semantics<subcore_parallel>], iteration_bounds = array<i64: 2, 16>, scalar_prefetch = 0 : i64, scratch_operands = 11 : i64, tpu.core_type = #tpu.core_type<sc_vector_subcore>, window_params = [{transform_indices = #map}, {transform_indices = #map1}, {transform_indices = #map1}, {transform_indices = #map}, {transform_indices = #map2}]} {
    %mul3A = arith.constant 16 : i32
    %mul3A_0 = arith.muli %arg0, %mul3A : i32
    %add3A = arith.addi %mul3A_0, %arg1 : i32
    %mul3A_1 = arith.constant 624 : i32
    %mul3A_2 = arith.muli %arg1, %mul3A_1 : i32
    "tpu.region"() ({
      %run_scoped3A = tpu.sem_alloc : memref<!tpu.dma_semaphore, #tpu.memory_space<semaphore_mem>>
      %dma_start3A_55 = arith.constant 0 : i32
      %dma_start3A_56 = tpu.memref_slice %arg17[%mul3A_2, %dma_start3A_55] : memref<10008x128xf32, #tpu.memory_space<vmem_shared>> -> memref<648x128xf32, #tpu.memory_space<vmem_shared>>
      %dma_start3A_57 = arith.constant 0 : i32
      %dma_start3A_58 = tpu.memref_slice %arg5[%mul3A_2, %dma_start3A_57] : memref<10008x128xf32, #tpu.memory_space<hbm>> -> memref<648x128xf32, #tpu.memory_space<hbm>>
      tpu.enqueue_dma source(%dma_start3A_58 : memref<648x128xf32, #tpu.memory_space<hbm>>) target(%dma_start3A_56 : memref<648x128xf32, #tpu.memory_space<vmem_shared>>) target_semaphore(%run_scoped3A : memref<!tpu.dma_semaphore, #tpu.memory_space<semaphore_mem>>)
      %dma_wait3A_59 = arith.constant 0 : i32
      %dma_wait3A_60 = tpu.memref_slice %arg17[%mul3A_2, %dma_wait3A_59] : memref<10008x128xf32, #tpu.memory_space<vmem_shared>> -> memref<648x128xf32, #tpu.memory_space<vmem_shared>>
      %dma_wait3A_61 = arith.constant 0 : i32
      %dma_wait3A_62 = tpu.memref_slice %arg5[%mul3A_2, %dma_wait3A_61] : memref<10008x128xf32, #tpu.memory_space<hbm>> -> memref<648x128xf32, #tpu.memory_space<hbm>>
      tpu.wait_dma2 semaphore(%run_scoped3A : memref<!tpu.dma_semaphore, #tpu.memory_space<semaphore_mem>>) src(%dma_wait3A_62 : memref<648x128xf32, #tpu.memory_space<hbm>>) dst(%dma_wait3A_60 : memref<648x128xf32, #tpu.memory_space<vmem_shared>>)
      tpu.yield
    }) : () -> ()
    %barrier3A = arith.constant 0 : index
    tpu.barrier barrier_id(%barrier3A)
    %mul3A_3 = arith.constant 10000 : i32
    %mul3A_4 = arith.muli %add3A, %mul3A_3 : i32
    %add3A_5 = arith.constant 0 : i32
    %add3A_6 = arith.addi %mul3A_4, %add3A_5 : i32
    "tpu.region"() ({
      %run_scoped3A = tpu.sem_alloc : memref<!tpu.dma_semaphore, #tpu.memory_space<semaphore_mem>>
      %dma_start3A_55 = tpu.memref_slice %arg3[%add3A_6] : memref<320000xi32, #tpu.memory_space<hbm>> -> memref<80xi32, #tpu.memory_space<hbm>>
      %dma_start3A_56 = tpu.memref_slice %arg3[%add3A_6] : memref<320000xi32, #tpu.memory_space<hbm>> -> memref<80xi32, #tpu.memory_space<hbm>>
      tpu.enqueue_dma source(%dma_start3A_56 : memref<80xi32, #tpu.memory_space<hbm>>) target(%arg7 : memref<80xi32, #tpu.memory_space<vmem>>) target_semaphore(%run_scoped3A : memref<!tpu.dma_semaphore, #tpu.memory_space<semaphore_mem>>)
      %dma_wait3A_57 = tpu.memref_slice %arg3[%add3A_6] : memref<320000xi32, #tpu.memory_space<hbm>> -> memref<80xi32, #tpu.memory_space<hbm>>
      %dma_wait3A_58 = tpu.memref_slice %arg3[%add3A_6] : memref<320000xi32, #tpu.memory_space<hbm>> -> memref<80xi32, #tpu.memory_space<hbm>>
      tpu.wait_dma2 semaphore(%run_scoped3A : memref<!tpu.dma_semaphore, #tpu.memory_space<semaphore_mem>>) src(%dma_wait3A_58 : memref<80xi32, #tpu.memory_space<hbm>>) dst(%arg7 : memref<80xi32, #tpu.memory_space<vmem>>)
      tpu.yield
    }) : () -> ()
    "tpu.region"() ({
      %run_scoped3A = tpu.sem_alloc : memref<!tpu.dma_semaphore, #tpu.memory_space<semaphore_mem>>
      %dma_start3A_55 = tpu.memref_slice %arg4[%add3A_6] : memref<320000xi32, #tpu.memory_space<hbm>> -> memref<80xi32, #tpu.memory_space<hbm>>
      %dma_start3A_56 = tpu.memref_slice %arg4[%add3A_6] : memref<320000xi32, #tpu.memory_space<hbm>> -> memref<80xi32, #tpu.memory_space<hbm>>
      tpu.enqueue_dma source(%dma_start3A_56 : memref<80xi32, #tpu.memory_space<hbm>>) target(%arg8 : memref<80xi32, #tpu.memory_space<vmem>>) target_semaphore(%run_scoped3A : memref<!tpu.dma_semaphore, #tpu.memory_space<semaphore_mem>>)
      %dma_wait3A_57 = tpu.memref_slice %arg4[%add3A_6] : memref<320000xi32, #tpu.memory_space<hbm>> -> memref<80xi32, #tpu.memory_space<hbm>>
      %dma_wait3A_58 = tpu.memref_slice %arg4[%add3A_6] : memref<320000xi32, #tpu.memory_space<hbm>> -> memref<80xi32, #tpu.memory_space<hbm>>
      tpu.wait_dma2 semaphore(%run_scoped3A : memref<!tpu.dma_semaphore, #tpu.memory_space<semaphore_mem>>) src(%dma_wait3A_58 : memref<80xi32, #tpu.memory_space<hbm>>) dst(%arg8 : memref<80xi32, #tpu.memory_space<vmem>>)
      tpu.yield
    }) : () -> ()
    %dma_start3A = arith.constant 0 : i32
    %dma_start3A_7 = arith.constant 0 : i32
    %dma_start3A_8 = tpu.memref_slice %arg2[%dma_start3A, %dma_start3A_7] : memref<10000x128xf32, #tpu.memory_space<hbm>> -> memref<10000x128xf32, #tpu.memory_space<hbm>>
    tpu.enqueue_indirect_dma source(%dma_start3A_8 : memref<10000x128xf32, #tpu.memory_space<hbm>>) target(%arg11 : memref<80x128xf32, #tpu.memory_space<vmem>>) offsets(%arg7 : memref<80xi32, #tpu.memory_space<vmem>>) semaphore(%arg13 : memref<!tpu.dma_semaphore, #tpu.memory_space<semaphore_mem>>)
    %mul3A_9 = arith.constant 10000 : i32
    %mul3A_10 = arith.muli %add3A, %mul3A_9 : i32
    %add3A_11 = arith.constant 80 : i32
    %add3A_12 = arith.addi %mul3A_10, %add3A_11 : i32
    "tpu.region"() ({
      %run_scoped3A = tpu.sem_alloc : memref<!tpu.dma_semaphore, #tpu.memory_space<semaphore_mem>>
      %dma_start3A_55 = tpu.memref_slice %arg3[%add3A_12] : memref<320000xi32, #tpu.memory_space<hbm>> -> memref<80xi32, #tpu.memory_space<hbm>>
      %dma_start3A_56 = tpu.memref_slice %arg3[%add3A_12] : memref<320000xi32, #tpu.memory_space<hbm>> -> memref<80xi32, #tpu.memory_space<hbm>>
      tpu.enqueue_dma source(%dma_start3A_56 : memref<80xi32, #tpu.memory_space<hbm>>) target(%arg9 : memref<80xi32, #tpu.memory_space<vmem>>) target_semaphore(%run_scoped3A : memref<!tpu.dma_semaphore, #tpu.memory_space<semaphore_mem>>)
      %dma_wait3A_57 = tpu.memref_slice %arg3[%add3A_12] : memref<320000xi32, #tpu.memory_space<hbm>> -> memref<80xi32, #tpu.memory_space<hbm>>
      %dma_wait3A_58 = tpu.memref_slice %arg3[%add3A_12] : memref<320000xi32, #tpu.memory_space<hbm>> -> memref<80xi32, #tpu.memory_space<hbm>>
      tpu.wait_dma2 semaphore(%run_scoped3A : memref<!tpu.dma_semaphore, #tpu.memory_space<semaphore_mem>>) src(%dma_wait3A_58 : memref<80xi32, #tpu.memory_space<hbm>>) dst(%arg9 : memref<80xi32, #tpu.memory_space<vmem>>)
      tpu.yield
    }) : () -> ()
    "tpu.region"() ({
      %run_scoped3A = tpu.sem_alloc : memref<!tpu.dma_semaphore, #tpu.memory_space<semaphore_mem>>
      %dma_start3A_55 = tpu.memref_slice %arg4[%add3A_12] : memref<320000xi32, #tpu.memory_space<hbm>> -> memref<80xi32, #tpu.memory_space<hbm>>
      %dma_start3A_56 = tpu.memref_slice %arg4[%add3A_12] : memref<320000xi32, #tpu.memory_space<hbm>> -> memref<80xi32, #tpu.memory_space<hbm>>
      tpu.enqueue_dma source(%dma_start3A_56 : memref<80xi32, #tpu.memory_space<hbm>>) target(%arg10 : memref<80xi32, #tpu.memory_space<vmem>>) target_semaphore(%run_scoped3A : memref<!tpu.dma_semaphore, #tpu.memory_space<semaphore_mem>>)
      %dma_wait3A_57 = tpu.memref_slice %arg4[%add3A_12] : memref<320000xi32, #tpu.memory_space<hbm>> -> memref<80xi32, #tpu.memory_space<hbm>>
      %dma_wait3A_58 = tpu.memref_slice %arg4[%add3A_12] : memref<320000xi32, #tpu.memory_space<hbm>> -> memref<80xi32, #tpu.memory_space<hbm>>
      tpu.wait_dma2 semaphore(%run_scoped3A : memref<!tpu.dma_semaphore, #tpu.memory_space<semaphore_mem>>) src(%dma_wait3A_58 : memref<80xi32, #tpu.memory_space<hbm>>) dst(%arg10 : memref<80xi32, #tpu.memory_space<vmem>>)
      tpu.yield
    }) : () -> ()
    %dma_start3A_13 = arith.constant 0 : i32
    %dma_start3A_14 = arith.constant 0 : i32
    %dma_start3A_15 = tpu.memref_slice %arg2[%dma_start3A_13, %dma_start3A_14] : memref<10000x128xf32, #tpu.memory_space<hbm>> -> memref<10000x128xf32, #tpu.memory_space<hbm>>
    tpu.enqueue_indirect_dma source(%dma_start3A_15 : memref<10000x128xf32, #tpu.memory_space<hbm>>) target(%arg12 : memref<80x128xf32, #tpu.memory_space<vmem>>) offsets(%arg9 : memref<80xi32, #tpu.memory_space<vmem>>) semaphore(%arg14 : memref<!tpu.dma_semaphore, #tpu.memory_space<semaphore_mem>>)
    %dma_wait3A = arith.constant 0 : i32
    %dma_wait3A_16 = arith.constant 0 : i32
    %dma_wait3A_17 = tpu.memref_slice %arg2[%dma_wait3A, %dma_wait3A_16] : memref<10000x128xf32, #tpu.memory_space<hbm>> -> memref<10000x128xf32, #tpu.memory_space<hbm>>
    tpu.wait_indirect_dma semaphore(%arg13 : memref<!tpu.dma_semaphore, #tpu.memory_space<semaphore_mem>>) src(%dma_wait3A_17 : memref<10000x128xf32, #tpu.memory_space<hbm>>) dst(%arg11 : memref<80x128xf32, #tpu.memory_space<vmem>>)
    %dma_start3A_18 = arith.constant 0 : i32
    %dma_start3A_19 = arith.constant 0 : i32
    %dma_start3A_20 = tpu.memref_slice %arg17[%dma_start3A_18, %dma_start3A_19] : memref<10008x128xf32, #tpu.memory_space<vmem_shared>> -> memref<10008x128xf32, #tpu.memory_space<vmem_shared>>
    tpu.enqueue_indirect_dma source(%arg11 : memref<80x128xf32, #tpu.memory_space<vmem>>) target(%dma_start3A_20 : memref<10008x128xf32, #tpu.memory_space<vmem_shared>>) offsets(%arg8 : memref<80xi32, #tpu.memory_space<vmem>>) semaphore(%arg15 : memref<!tpu.dma_semaphore, #tpu.memory_space<semaphore_mem>>) {add = true}
    %scan3A = arith.constant 0 : i32
    %scan3A_21 = arith.constant 0 : i32
    %scan3A_22 = arith.constant 61 : i32
    %scan3A_23 = arith.addi %scan3A_21, %scan3A_22 : i32
    %scan3A_24 = arith.constant 1 : i32
    scf.for %scan3A_55 = %scan3A_21 to %scan3A_23 step %scan3A_24  : i32 {
      %mul3A_56 = arith.constant 2 : i32
      %mul3A_57 = arith.muli %mul3A_56, %scan3A_55 : i32
      %add3A_58 = arith.constant 1 : i32
      %add3A_59 = arith.addi %mul3A_57, %add3A_58 : i32
      %dma_wait3A_60 = arith.constant 0 : i32
      %dma_wait3A_61 = arith.constant 0 : i32
      %dma_wait3A_62 = tpu.memref_slice %arg17[%dma_wait3A_60, %dma_wait3A_61] : memref<10008x128xf32, #tpu.memory_space<vmem_shared>> -> memref<10008x128xf32, #tpu.memory_space<vmem_shared>>
      tpu.wait_indirect_dma semaphore(%arg15 : memref<!tpu.dma_semaphore, #tpu.memory_space<semaphore_mem>>) src(%arg11 : memref<80x128xf32, #tpu.memory_space<vmem>>) dst(%dma_wait3A_62 : memref<10008x128xf32, #tpu.memory_space<vmem_shared>>)
      %add3A_63 = arith.constant 1 : i32
      %add3A_64 = arith.addi %add3A_59, %add3A_63 : i32
      %mul3A_65 = arith.constant 10000 : i32
      %mul3A_66 = arith.muli %add3A, %mul3A_65 : i32
      %mul3A_67 = arith.constant 80 : i32
      %mul3A_68 = arith.muli %add3A_64, %mul3A_67 : i32
      %add3A_69 = arith.addi %mul3A_66, %mul3A_68 : i32
      "tpu.region"() ({
        %run_scoped3A = tpu.sem_alloc : memref<!tpu.dma_semaphore, #tpu.memory_space<semaphore_mem>>
        %dma_start3A_102 = tpu.memref_slice %arg3[%add3A_69] : memref<320000xi32, #tpu.memory_space<hbm>> -> memref<80xi32, #tpu.memory_space<hbm>>
        %dma_start3A_103 = tpu.memref_slice %arg3[%add3A_69] : memref<320000xi32, #tpu.memory_space<hbm>> -> memref<80xi32, #tpu.memory_space<hbm>>
        tpu.enqueue_dma source(%dma_start3A_103 : memref<80xi32, #tpu.memory_space<hbm>>) target(%arg7 : memref<80xi32, #tpu.memory_space<vmem>>) target_semaphore(%run_scoped3A : memref<!tpu.dma_semaphore, #tpu.memory_space<semaphore_mem>>)
        %dma_wait3A_104 = tpu.memref_slice %arg3[%add3A_69] : memref<320000xi32, #tpu.memory_space<hbm>> -> memref<80xi32, #tpu.memory_space<hbm>>
        %dma_wait3A_105 = tpu.memref_slice %arg3[%add3A_69] : memref<320000xi32, #tpu.memory_space<hbm>> -> memref<80xi32, #tpu.memory_space<hbm>>
        tpu.wait_dma2 semaphore(%run_scoped3A : memref<!tpu.dma_semaphore, #tpu.memory_space<semaphore_mem>>) src(%dma_wait3A_105 : memref<80xi32, #tpu.memory_space<hbm>>) dst(%arg7 : memref<80xi32, #tpu.memory_space<vmem>>)
        tpu.yield
      }) : () -> ()
      "tpu.region"() ({
        %run_scoped3A = tpu.sem_alloc : memref<!tpu.dma_semaphore, #tpu.memory_space<semaphore_mem>>
        %dma_start3A_102 = tpu.memref_slice %arg4[%add3A_69] : memref<320000xi32, #tpu.memory_space<hbm>> -> memref<80xi32, #tpu.memory_space<hbm>>
        %dma_start3A_103 = tpu.memref_slice %arg4[%add3A_69] : memref<320000xi32, #tpu.memory_space<hbm>> -> memref<80xi32, #tpu.memory_space<hbm>>
        tpu.enqueue_dma source(%dma_start3A_103 : memref<80xi32, #tpu.memory_space<hbm>>) target(%arg8 : memref<80xi32, #tpu.memory_space<vmem>>) target_semaphore(%run_scoped3A : memref<!tpu.dma_semaphore, #tpu.memory_space<semaphore_mem>>)
        %dma_wait3A_104 = tpu.memref_slice %arg4[%add3A_69] : memref<320000xi32, #tpu.memory_space<hbm>> -> memref<80xi32, #tpu.memory_space<hbm>>
        %dma_wait3A_105 = tpu.memref_slice %arg4[%add3A_69] : memref<320000xi32, #tpu.memory_space<hbm>> -> memref<80xi32, #tpu.memory_space<hbm>>
        tpu.wait_dma2 semaphore(%run_scoped3A : memref<!tpu.dma_semaphore, #tpu.memory_space<semaphore_mem>>) src(%dma_wait3A_105 : memref<80xi32, #tpu.memory_space<hbm>>) dst(%arg8 : memref<80xi32, #tpu.memory_space<vmem>>)
        tpu.yield
      }) : () -> ()
      %dma_start3A_70 = arith.constant 0 : i32
      %dma_start3A_71 = arith.constant 0 : i32
      %dma_start3A_72 = tpu.memref_slice %arg2[%dma_start3A_70, %dma_start3A_71] : memref<10000x128xf32, #tpu.memory_space<hbm>> -> memref<10000x128xf32, #tpu.memory_space<hbm>>
      tpu.enqueue_indirect_dma source(%dma_start3A_72 : memref<10000x128xf32, #tpu.memory_space<hbm>>) target(%arg11 : memref<80x128xf32, #tpu.memory_space<vmem>>) offsets(%arg7 : memref<80xi32, #tpu.memory_space<vmem>>) semaphore(%arg13 : memref<!tpu.dma_semaphore, #tpu.memory_space<semaphore_mem>>)
      %dma_wait3A_73 = arith.constant 0 : i32
      %dma_wait3A_74 = arith.constant 0 : i32
      %dma_wait3A_75 = tpu.memref_slice %arg2[%dma_wait3A_73, %dma_wait3A_74] : memref<10000x128xf32, #tpu.memory_space<hbm>> -> memref<10000x128xf32, #tpu.memory_space<hbm>>
      tpu.wait_indirect_dma semaphore(%arg14 : memref<!tpu.dma_semaphore, #tpu.memory_space<semaphore_mem>>) src(%dma_wait3A_75 : memref<10000x128xf32, #tpu.memory_space<hbm>>) dst(%arg12 : memref<80x128xf32, #tpu.memory_space<vmem>>)
      %dma_start3A_76 = arith.constant 0 : i32
      %dma_start3A_77 = arith.constant 0 : i32
      %dma_start3A_78 = tpu.memref_slice %arg17[%dma_start3A_76, %dma_start3A_77] : memref<10008x128xf32, #tpu.memory_space<vmem_shared>> -> memref<10008x128xf32, #tpu.memory_space<vmem_shared>>
      tpu.enqueue_indirect_dma source(%arg12 : memref<80x128xf32, #tpu.memory_space<vmem>>) target(%dma_start3A_78 : memref<10008x128xf32, #tpu.memory_space<vmem_shared>>) offsets(%arg10 : memref<80xi32, #tpu.memory_space<vmem>>) semaphore(%arg16 : memref<!tpu.dma_semaphore, #tpu.memory_space<semaphore_mem>>) {add = true}
      %mul3A_79 = arith.constant 2 : i32
      %mul3A_80 = arith.muli %mul3A_79, %scan3A_55 : i32
      %add3A_81 = arith.constant 2 : i32
      %add3A_82 = arith.addi %mul3A_80, %add3A_81 : i32
      %dma_wait3A_83 = arith.constant 0 : i32
      %dma_wait3A_84 = arith.constant 0 : i32
      %dma_wait3A_85 = tpu.memref_slice %arg17[%dma_wait3A_83, %dma_wait3A_84] : memref<10008x128xf32, #tpu.memory_space<vmem_shared>> -> memref<10008x128xf32, #tpu.memory_space<vmem_shared>>
      tpu.wait_indirect_dma semaphore(%arg16 : memref<!tpu.dma_semaphore, #tpu.memory_space<semaphore_mem>>) src(%arg12 : memref<80x128xf32, #tpu.memory_space<vmem>>) dst(%dma_wait3A_85 : memref<10008x128xf32, #tpu.memory_space<vmem_shared>>)
      %add3A_86 = arith.constant 1 : i32
      %add3A_87 = arith.addi %add3A_82, %add3A_86 : i32
      %mul3A_88 = arith.constant 10000 : i32
      %mul3A_89 = arith.muli %add3A, %mul3A_88 : i32
      %mul3A_90 = arith.constant 80 : i32
      %mul3A_91 = arith.muli %add3A_87, %mul3A_90 : i32
      %add3A_92 = arith.addi %mul3A_89, %mul3A_91 : i32
      "tpu.region"() ({
        %run_scoped3A = tpu.sem_alloc : memref<!tpu.dma_semaphore, #tpu.memory_space<semaphore_mem>>
        %dma_start3A_102 = tpu.memref_slice %arg3[%add3A_92] : memref<320000xi32, #tpu.memory_space<hbm>> -> memref<80xi32, #tpu.memory_space<hbm>>
        %dma_start3A_103 = tpu.memref_slice %arg3[%add3A_92] : memref<320000xi32, #tpu.memory_space<hbm>> -> memref<80xi32, #tpu.memory_space<hbm>>
        tpu.enqueue_dma source(%dma_start3A_103 : memref<80xi32, #tpu.memory_space<hbm>>) target(%arg9 : memref<80xi32, #tpu.memory_space<vmem>>) target_semaphore(%run_scoped3A : memref<!tpu.dma_semaphore, #tpu.memory_space<semaphore_mem>>)
        %dma_wait3A_104 = tpu.memref_slice %arg3[%add3A_92] : memref<320000xi32, #tpu.memory_space<hbm>> -> memref<80xi32, #tpu.memory_space<hbm>>
        %dma_wait3A_105 = tpu.memref_slice %arg3[%add3A_92] : memref<320000xi32, #tpu.memory_space<hbm>> -> memref<80xi32, #tpu.memory_space<hbm>>
        tpu.wait_dma2 semaphore(%run_scoped3A : memref<!tpu.dma_semaphore, #tpu.memory_space<semaphore_mem>>) src(%dma_wait3A_105 : memref<80xi32, #tpu.memory_space<hbm>>) dst(%arg9 : memref<80xi32, #tpu.memory_space<vmem>>)
        tpu.yield
      }) : () -> ()
      "tpu.region"() ({
        %run_scoped3A = tpu.sem_alloc : memref<!tpu.dma_semaphore, #tpu.memory_space<semaphore_mem>>
        %dma_start3A_102 = tpu.memref_slice %arg4[%add3A_92] : memref<320000xi32, #tpu.memory_space<hbm>> -> memref<80xi32, #tpu.memory_space<hbm>>
        %dma_start3A_103 = tpu.memref_slice %arg4[%add3A_92] : memref<320000xi32, #tpu.memory_space<hbm>> -> memref<80xi32, #tpu.memory_space<hbm>>
        tpu.enqueue_dma source(%dma_start3A_103 : memref<80xi32, #tpu.memory_space<hbm>>) target(%arg10 : memref<80xi32, #tpu.memory_space<vmem>>) target_semaphore(%run_scoped3A : memref<!tpu.dma_semaphore, #tpu.memory_space<semaphore_mem>>)
        %dma_wait3A_104 = tpu.memref_slice %arg4[%add3A_92] : memref<320000xi32, #tpu.memory_space<hbm>> -> memref<80xi32, #tpu.memory_space<hbm>>
        %dma_wait3A_105 = tpu.memref_slice %arg4[%add3A_92] : memref<320000xi32, #tpu.memory_space<hbm>> -> memref<80xi32, #tpu.memory_space<hbm>>
        tpu.wait_dma2 semaphore(%run_scoped3A : memref<!tpu.dma_semaphore, #tpu.memory_space<semaphore_mem>>) src(%dma_wait3A_105 : memref<80xi32, #tpu.memory_space<hbm>>) dst(%arg10 : memref<80xi32, #tpu.memory_space<vmem>>)
        tpu.yield
      }) : () -> ()
      %dma_start3A_93 = arith.constant 0 : i32
      %dma_start3A_94 = arith.constant 0 : i32
      %dma_start3A_95 = tpu.memref_slice %arg2[%dma_start3A_93, %dma_start3A_94] : memref<10000x128xf32, #tpu.memory_space<hbm>> -> memref<10000x128xf32, #tpu.memory_space<hbm>>
      tpu.enqueue_indirect_dma source(%dma_start3A_95 : memref<10000x128xf32, #tpu.memory_space<hbm>>) target(%arg12 : memref<80x128xf32, #tpu.memory_space<vmem>>) offsets(%arg9 : memref<80xi32, #tpu.memory_space<vmem>>) semaphore(%arg14 : memref<!tpu.dma_semaphore, #tpu.memory_space<semaphore_mem>>)
      %dma_wait3A_96 = arith.constant 0 : i32
      %dma_wait3A_97 = arith.constant 0 : i32
      %dma_wait3A_98 = tpu.memref_slice %arg2[%dma_wait3A_96, %dma_wait3A_97] : memref<10000x128xf32, #tpu.memory_space<hbm>> -> memref<10000x128xf32, #tpu.memory_space<hbm>>
      tpu.wait_indirect_dma semaphore(%arg13 : memref<!tpu.dma_semaphore, #tpu.memory_space<semaphore_mem>>) src(%dma_wait3A_98 : memref<10000x128xf32, #tpu.memory_space<hbm>>) dst(%arg11 : memref<80x128xf32, #tpu.memory_space<vmem>>)
      %dma_start3A_99 = arith.constant 0 : i32
      %dma_start3A_100 = arith.constant 0 : i32
      %dma_start3A_101 = tpu.memref_slice %arg17[%dma_start3A_99, %dma_start3A_100] : memref<10008x128xf32, #tpu.memory_space<vmem_shared>> -> memref<10008x128xf32, #tpu.memory_space<vmem_shared>>
      tpu.enqueue_indirect_dma source(%arg11 : memref<80x128xf32, #tpu.memory_space<vmem>>) target(%dma_start3A_101 : memref<10008x128xf32, #tpu.memory_space<vmem_shared>>) offsets(%arg8 : memref<80xi32, #tpu.memory_space<vmem>>) semaphore(%arg15 : memref<!tpu.dma_semaphore, #tpu.memory_space<semaphore_mem>>) {add = true}
    }
    %scan3A_25 = arith.constant 61 : i32
    %dma_wait3A_26 = arith.constant 0 : i32
    %dma_wait3A_27 = arith.constant 0 : i32
    %dma_wait3A_28 = tpu.memref_slice %arg17[%dma_wait3A_26, %dma_wait3A_27] : memref<10008x128xf32, #tpu.memory_space<vmem_shared>> -> memref<10008x128xf32, #tpu.memory_space<vmem_shared>>
    tpu.wait_indirect_dma semaphore(%arg15 : memref<!tpu.dma_semaphore, #tpu.memory_space<semaphore_mem>>) src(%arg11 : memref<80x128xf32, #tpu.memory_space<vmem>>) dst(%dma_wait3A_28 : memref<10008x128xf32, #tpu.memory_space<vmem_shared>>)
    %mul3A_29 = arith.constant 10000 : i32
    %mul3A_30 = arith.muli %add3A, %mul3A_29 : i32
    %add3A_31 = arith.constant 9920 : i32
    %add3A_32 = arith.addi %mul3A_30, %add3A_31 : i32
    "tpu.region"() ({
      %run_scoped3A = tpu.sem_alloc : memref<!tpu.dma_semaphore, #tpu.memory_space<semaphore_mem>>
      %dma_start3A_55 = tpu.memref_slice %arg3[%add3A_32] : memref<320000xi32, #tpu.memory_space<hbm>> -> memref<80xi32, #tpu.memory_space<hbm>>
      %dma_start3A_56 = tpu.memref_slice %arg3[%add3A_32] : memref<320000xi32, #tpu.memory_space<hbm>> -> memref<80xi32, #tpu.memory_space<hbm>>
      tpu.enqueue_dma source(%dma_start3A_56 : memref<80xi32, #tpu.memory_space<hbm>>) target(%arg7 : memref<80xi32, #tpu.memory_space<vmem>>) target_semaphore(%run_scoped3A : memref<!tpu.dma_semaphore, #tpu.memory_space<semaphore_mem>>)
      %dma_wait3A_57 = tpu.memref_slice %arg3[%add3A_32] : memref<320000xi32, #tpu.memory_space<hbm>> -> memref<80xi32, #tpu.memory_space<hbm>>
      %dma_wait3A_58 = tpu.memref_slice %arg3[%add3A_32] : memref<320000xi32, #tpu.memory_space<hbm>> -> memref<80xi32, #tpu.memory_space<hbm>>
      tpu.wait_dma2 semaphore(%run_scoped3A : memref<!tpu.dma_semaphore, #tpu.memory_space<semaphore_mem>>) src(%dma_wait3A_58 : memref<80xi32, #tpu.memory_space<hbm>>) dst(%arg7 : memref<80xi32, #tpu.memory_space<vmem>>)
      tpu.yield
    }) : () -> ()
    "tpu.region"() ({
      %run_scoped3A = tpu.sem_alloc : memref<!tpu.dma_semaphore, #tpu.memory_space<semaphore_mem>>
      %dma_start3A_55 = tpu.memref_slice %arg4[%add3A_32] : memref<320000xi32, #tpu.memory_space<hbm>> -> memref<80xi32, #tpu.memory_space<hbm>>
      %dma_start3A_56 = tpu.memref_slice %arg4[%add3A_32] : memref<320000xi32, #tpu.memory_space<hbm>> -> memref<80xi32, #tpu.memory_space<hbm>>
      tpu.enqueue_dma source(%dma_start3A_56 : memref<80xi32, #tpu.memory_space<hbm>>) target(%arg8 : memref<80xi32, #tpu.memory_space<vmem>>) target_semaphore(%run_scoped3A : memref<!tpu.dma_semaphore, #tpu.memory_space<semaphore_mem>>)
      %dma_wait3A_57 = tpu.memref_slice %arg4[%add3A_32] : memref<320000xi32, #tpu.memory_space<hbm>> -> memref<80xi32, #tpu.memory_space<hbm>>
      %dma_wait3A_58 = tpu.memref_slice %arg4[%add3A_32] : memref<320000xi32, #tpu.memory_space<hbm>> -> memref<80xi32, #tpu.memory_space<hbm>>
      tpu.wait_dma2 semaphore(%run_scoped3A : memref<!tpu.dma_semaphore, #tpu.memory_space<semaphore_mem>>) src(%dma_wait3A_58 : memref<80xi32, #tpu.memory_space<hbm>>) dst(%arg8 : memref<80xi32, #tpu.memory_space<vmem>>)
      tpu.yield
    }) : () -> ()
    %dma_start3A_33 = arith.constant 0 : i32
    %dma_start3A_34 = arith.constant 0 : i32
    %dma_start3A_35 = tpu.memref_slice %arg2[%dma_start3A_33, %dma_start3A_34] : memref<10000x128xf32, #tpu.memory_space<hbm>> -> memref<10000x128xf32, #tpu.memory_space<hbm>>
    tpu.enqueue_indirect_dma source(%dma_start3A_35 : memref<10000x128xf32, #tpu.memory_space<hbm>>) target(%arg11 : memref<80x128xf32, #tpu.memory_space<vmem>>) offsets(%arg7 : memref<80xi32, #tpu.memory_space<vmem>>) semaphore(%arg13 : memref<!tpu.dma_semaphore, #tpu.memory_space<semaphore_mem>>)
    %dma_wait3A_36 = arith.constant 0 : i32
    %dma_wait3A_37 = arith.constant 0 : i32
    %dma_wait3A_38 = tpu.memref_slice %arg2[%dma_wait3A_36, %dma_wait3A_37] : memref<10000x128xf32, #tpu.memory_space<hbm>> -> memref<10000x128xf32, #tpu.memory_space<hbm>>
    tpu.wait_indirect_dma semaphore(%arg14 : memref<!tpu.dma_semaphore, #tpu.memory_space<semaphore_mem>>) src(%dma_wait3A_38 : memref<10000x128xf32, #tpu.memory_space<hbm>>) dst(%arg12 : memref<80x128xf32, #tpu.memory_space<vmem>>)
    %dma_start3A_39 = arith.constant 0 : i32
    %dma_start3A_40 = arith.constant 0 : i32
    %dma_start3A_41 = tpu.memref_slice %arg17[%dma_start3A_39, %dma_start3A_40] : memref<10008x128xf32, #tpu.memory_space<vmem_shared>> -> memref<10008x128xf32, #tpu.memory_space<vmem_shared>>
    tpu.enqueue_indirect_dma source(%arg12 : memref<80x128xf32, #tpu.memory_space<vmem>>) target(%dma_start3A_41 : memref<10008x128xf32, #tpu.memory_space<vmem_shared>>) offsets(%arg10 : memref<80xi32, #tpu.memory_space<vmem>>) semaphore(%arg16 : memref<!tpu.dma_semaphore, #tpu.memory_space<semaphore_mem>>) {add = true}
    %dma_wait3A_42 = arith.constant 0 : i32
    %dma_wait3A_43 = arith.constant 0 : i32
    %dma_wait3A_44 = tpu.memref_slice %arg17[%dma_wait3A_42, %dma_wait3A_43] : memref<10008x128xf32, #tpu.memory_space<vmem_shared>> -> memref<10008x128xf32, #tpu.memory_space<vmem_shared>>
    tpu.wait_indirect_dma semaphore(%arg16 : memref<!tpu.dma_semaphore, #tpu.memory_space<semaphore_mem>>) src(%arg12 : memref<80x128xf32, #tpu.memory_space<vmem>>) dst(%dma_wait3A_44 : memref<10008x128xf32, #tpu.memory_space<vmem_shared>>)
    %dma_wait3A_45 = arith.constant 0 : i32
    %dma_wait3A_46 = arith.constant 0 : i32
    %dma_wait3A_47 = tpu.memref_slice %arg2[%dma_wait3A_45, %dma_wait3A_46] : memref<10000x128xf32, #tpu.memory_space<hbm>> -> memref<10000x128xf32, #tpu.memory_space<hbm>>
    tpu.wait_indirect_dma semaphore(%arg13 : memref<!tpu.dma_semaphore, #tpu.memory_space<semaphore_mem>>) src(%dma_wait3A_47 : memref<10000x128xf32, #tpu.memory_space<hbm>>) dst(%arg11 : memref<80x128xf32, #tpu.memory_space<vmem>>)
    %dma_start3A_48 = arith.constant 0 : i32
    %dma_start3A_49 = arith.constant 0 : i32
    %dma_start3A_50 = tpu.memref_slice %arg17[%dma_start3A_48, %dma_start3A_49] : memref<10008x128xf32, #tpu.memory_space<vmem_shared>> -> memref<10008x128xf32, #tpu.memory_space<vmem_shared>>
    tpu.enqueue_indirect_dma source(%arg11 : memref<80x128xf32, #tpu.memory_space<vmem>>) target(%dma_start3A_50 : memref<10008x128xf32, #tpu.memory_space<vmem_shared>>) offsets(%arg8 : memref<80xi32, #tpu.memory_space<vmem>>) semaphore(%arg15 : memref<!tpu.dma_semaphore, #tpu.memory_space<semaphore_mem>>) {add = true}
    %dma_wait3A_51 = arith.constant 0 : i32
    %dma_wait3A_52 = arith.constant 0 : i32
    %dma_wait3A_53 = tpu.memref_slice %arg17[%dma_wait3A_51, %dma_wait3A_52] : memref<10008x128xf32, #tpu.memory_space<vmem_shared>> -> memref<10008x128xf32, #tpu.memory_space<vmem_shared>>
    tpu.wait_indirect_dma semaphore(%arg15 : memref<!tpu.dma_semaphore, #tpu.memory_space<semaphore_mem>>) src(%arg11 : memref<80x128xf32, #tpu.memory_space<vmem>>) dst(%dma_wait3A_53 : memref<10008x128xf32, #tpu.memory_space<vmem_shared>>)
    %barrier3A_54 = arith.constant 0 : index
    tpu.barrier barrier_id(%barrier3A_54)
    "tpu.region"() ({
      %run_scoped3A = tpu.sem_alloc : memref<!tpu.dma_semaphore, #tpu.memory_space<semaphore_mem>>
      %dma_start3A_55 = arith.constant 0 : i32
      %dma_start3A_56 = tpu.memref_slice %arg6[%arg0, %mul3A_2, %dma_start3A_55] : memref<2x10000x128xf32, #tpu.memory_space<hbm>> -> memref<1x640x128xf32, #tpu.memory_space<hbm>>
      %dma_start3A_57 = tpu.memref_squeeze %dma_start3A_56 : memref<1x640x128xf32, #tpu.memory_space<hbm>> -> memref<640x128xf32, #tpu.memory_space<hbm>>
      %dma_start3A_58 = arith.constant 0 : i32
      %dma_start3A_59 = tpu.memref_slice %arg17[%mul3A_2, %dma_start3A_58] : memref<10008x128xf32, #tpu.memory_space<vmem_shared>> -> memref<640x128xf32, #tpu.memory_space<vmem_shared>>
      tpu.enqueue_dma source(%dma_start3A_59 : memref<640x128xf32, #tpu.memory_space<vmem_shared>>) target(%dma_start3A_57 : memref<640x128xf32, #tpu.memory_space<hbm>>) target_semaphore(%run_scoped3A : memref<!tpu.dma_semaphore, #tpu.memory_space<semaphore_mem>>)
      %dma_wait3A_60 = arith.constant 0 : i32
      %dma_wait3A_61 = tpu.memref_slice %arg6[%arg0, %mul3A_2, %dma_wait3A_60] : memref<2x10000x128xf32, #tpu.memory_space<hbm>> -> memref<1x640x128xf32, #tpu.memory_space<hbm>>
      %dma_wait3A_62 = tpu.memref_squeeze %dma_wait3A_61 : memref<1x640x128xf32, #tpu.memory_space<hbm>> -> memref<640x128xf32, #tpu.memory_space<hbm>>
      %dma_wait3A_63 = arith.constant 0 : i32
      %dma_wait3A_64 = tpu.memref_slice %arg17[%mul3A_2, %dma_wait3A_63] : memref<10008x128xf32, #tpu.memory_space<vmem_shared>> -> memref<640x128xf32, #tpu.memory_space<vmem_shared>>
      tpu.wait_dma2 semaphore(%run_scoped3A : memref<!tpu.dma_semaphore, #tpu.memory_space<semaphore_mem>>) src(%dma_wait3A_64 : memref<640x128xf32, #tpu.memory_space<vmem_shared>>) dst(%dma_wait3A_62 : memref<640x128xf32, #tpu.memory_space<hbm>>)
      tpu.yield
    }) : () -> ()
    return
  }
}

#map = affine_map<(d0, d1) -> (0, 0, 0)>
#map1 = affine_map<(d0, d1) -> (0, 0)>
module attributes {stable_mosaic.version = 14 : i64} {
  func.func @k(%arg0: i32, %arg1: i32, %arg2: memref<32x125x80xi32, #tpu.memory_space<hbm>>, %arg3: memref<10008x128xf32, #tpu.memory_space<hbm>>, %arg4: memref<80x128xf32, #tpu.memory_space<hbm>>, %arg5: memref<2x10000x128xf32, #tpu.memory_space<hbm>>, %arg6: memref<125x80xi32, #tpu.memory_space<vmem>>, %arg7: memref<80x128xf32, #tpu.memory_space<vmem>>, %arg8: memref<!tpu.dma_semaphore, #tpu.memory_space<semaphore_mem>>, %arg9: memref<!tpu.dma_semaphore, #tpu.memory_space<semaphore_mem>>, %arg10: memref<10008x128xf32, #tpu.memory_space<vmem_shared>>) attributes {dimension_semantics = [#tpu.dimension_semantics<core_parallel>, #tpu.dimension_semantics<subcore_parallel>], iteration_bounds = array<i64: 2, 16>, scalar_prefetch = 0 : i64, scratch_operands = 5 : i64, tpu.core_type = #tpu.core_type<sc_vector_subcore>, window_params = [{transform_indices = #map}, {transform_indices = #map1}, {transform_indices = #map1}, {transform_indices = #map}]} {
    %mul3A = arith.constant 16 : i32
    %mul3A_0 = arith.muli %arg0, %mul3A : i32
    %add3A = arith.addi %mul3A_0, %arg1 : i32
    %mul3A_1 = arith.constant 624 : i32
    %mul3A_2 = arith.muli %arg1, %mul3A_1 : i32
    "tpu.region"() ({
      %run_scoped3A = tpu.sem_alloc : memref<!tpu.dma_semaphore, #tpu.memory_space<semaphore_mem>>
      tpu.enqueue_dma source(%arg4 : memref<80x128xf32, #tpu.memory_space<hbm>>) target(%arg7 : memref<80x128xf32, #tpu.memory_space<vmem>>) target_semaphore(%run_scoped3A : memref<!tpu.dma_semaphore, #tpu.memory_space<semaphore_mem>>)
      tpu.wait_dma2 semaphore(%run_scoped3A : memref<!tpu.dma_semaphore, #tpu.memory_space<semaphore_mem>>) src(%arg4 : memref<80x128xf32, #tpu.memory_space<hbm>>) dst(%arg7 : memref<80x128xf32, #tpu.memory_space<vmem>>)
      tpu.yield
    }) : () -> ()
    "tpu.region"() ({
      %run_scoped3A = tpu.sem_alloc : memref<!tpu.dma_semaphore, #tpu.memory_space<semaphore_mem>>
      %dma_start3A_49 = arith.constant 0 : i32
      %dma_start3A_50 = tpu.memref_slice %arg10[%mul3A_2, %dma_start3A_49] : memref<10008x128xf32, #tpu.memory_space<vmem_shared>> -> memref<648x128xf32, #tpu.memory_space<vmem_shared>>
      %dma_start3A_51 = arith.constant 0 : i32
      %dma_start3A_52 = tpu.memref_slice %arg3[%mul3A_2, %dma_start3A_51] : memref<10008x128xf32, #tpu.memory_space<hbm>> -> memref<648x128xf32, #tpu.memory_space<hbm>>
      tpu.enqueue_dma source(%dma_start3A_52 : memref<648x128xf32, #tpu.memory_space<hbm>>) target(%dma_start3A_50 : memref<648x128xf32, #tpu.memory_space<vmem_shared>>) target_semaphore(%run_scoped3A : memref<!tpu.dma_semaphore, #tpu.memory_space<semaphore_mem>>)
      %dma_wait3A_53 = arith.constant 0 : i32
      %dma_wait3A_54 = tpu.memref_slice %arg10[%mul3A_2, %dma_wait3A_53] : memref<10008x128xf32, #tpu.memory_space<vmem_shared>> -> memref<648x128xf32, #tpu.memory_space<vmem_shared>>
      %dma_wait3A_55 = arith.constant 0 : i32
      %dma_wait3A_56 = tpu.memref_slice %arg3[%mul3A_2, %dma_wait3A_55] : memref<10008x128xf32, #tpu.memory_space<hbm>> -> memref<648x128xf32, #tpu.memory_space<hbm>>
      tpu.wait_dma2 semaphore(%run_scoped3A : memref<!tpu.dma_semaphore, #tpu.memory_space<semaphore_mem>>) src(%dma_wait3A_56 : memref<648x128xf32, #tpu.memory_space<hbm>>) dst(%dma_wait3A_54 : memref<648x128xf32, #tpu.memory_space<vmem_shared>>)
      tpu.yield
    }) : () -> ()
    "tpu.region"() ({
      %run_scoped3A = tpu.sem_alloc : memref<!tpu.dma_semaphore, #tpu.memory_space<semaphore_mem>>
      %dma_start3A_49 = arith.constant 0 : i32
      %dma_start3A_50 = arith.constant 0 : i32
      %dma_start3A_51 = tpu.memref_slice %arg2[%add3A, %dma_start3A_49, %dma_start3A_50] : memref<32x125x80xi32, #tpu.memory_space<hbm>> -> memref<1x125x80xi32, #tpu.memory_space<hbm>>
      %dma_start3A_52 = tpu.memref_squeeze %dma_start3A_51 : memref<1x125x80xi32, #tpu.memory_space<hbm>> -> memref<125x80xi32, #tpu.memory_space<hbm>>
      %dma_start3A_53 = arith.constant 0 : i32
      %dma_start3A_54 = arith.constant 0 : i32
      %dma_start3A_55 = tpu.memref_slice %arg2[%add3A, %dma_start3A_53, %dma_start3A_54] : memref<32x125x80xi32, #tpu.memory_space<hbm>> -> memref<1x125x80xi32, #tpu.memory_space<hbm>>
      %dma_start3A_56 = tpu.memref_squeeze %dma_start3A_55 : memref<1x125x80xi32, #tpu.memory_space<hbm>> -> memref<125x80xi32, #tpu.memory_space<hbm>>
      tpu.enqueue_dma source(%dma_start3A_56 : memref<125x80xi32, #tpu.memory_space<hbm>>) target(%arg6 : memref<125x80xi32, #tpu.memory_space<vmem>>) target_semaphore(%run_scoped3A : memref<!tpu.dma_semaphore, #tpu.memory_space<semaphore_mem>>)
      %dma_wait3A_57 = arith.constant 0 : i32
      %dma_wait3A_58 = arith.constant 0 : i32
      %dma_wait3A_59 = tpu.memref_slice %arg2[%add3A, %dma_wait3A_57, %dma_wait3A_58] : memref<32x125x80xi32, #tpu.memory_space<hbm>> -> memref<1x125x80xi32, #tpu.memory_space<hbm>>
      %dma_wait3A_60 = tpu.memref_squeeze %dma_wait3A_59 : memref<1x125x80xi32, #tpu.memory_space<hbm>> -> memref<125x80xi32, #tpu.memory_space<hbm>>
      %dma_wait3A_61 = arith.constant 0 : i32
      %dma_wait3A_62 = arith.constant 0 : i32
      %dma_wait3A_63 = tpu.memref_slice %arg2[%add3A, %dma_wait3A_61, %dma_wait3A_62] : memref<32x125x80xi32, #tpu.memory_space<hbm>> -> memref<1x125x80xi32, #tpu.memory_space<hbm>>
      %dma_wait3A_64 = tpu.memref_squeeze %dma_wait3A_63 : memref<1x125x80xi32, #tpu.memory_space<hbm>> -> memref<125x80xi32, #tpu.memory_space<hbm>>
      tpu.wait_dma2 semaphore(%run_scoped3A : memref<!tpu.dma_semaphore, #tpu.memory_space<semaphore_mem>>) src(%dma_wait3A_64 : memref<125x80xi32, #tpu.memory_space<hbm>>) dst(%arg6 : memref<125x80xi32, #tpu.memory_space<vmem>>)
      tpu.yield
    }) : () -> ()
    %barrier3A = arith.constant 0 : index
    tpu.barrier barrier_id(%barrier3A)
    %dma_start3A = arith.constant 0 : i32
    %dma_start3A_3 = arith.constant 0 : i32
    %dma_start3A_4 = tpu.memref_slice %arg6[%dma_start3A, %dma_start3A_3] : memref<125x80xi32, #tpu.memory_space<vmem>> -> memref<1x80xi32, #tpu.memory_space<vmem>>
    %dma_start3A_5 = tpu.memref_squeeze %dma_start3A_4 : memref<1x80xi32, #tpu.memory_space<vmem>> -> memref<80xi32, #tpu.memory_space<vmem>>
    %dma_start3A_6 = arith.constant 0 : i32
    %dma_start3A_7 = arith.constant 0 : i32
    %dma_start3A_8 = tpu.memref_slice %arg10[%dma_start3A_6, %dma_start3A_7] : memref<10008x128xf32, #tpu.memory_space<vmem_shared>> -> memref<10008x128xf32, #tpu.memory_space<vmem_shared>>
    tpu.enqueue_indirect_dma source(%arg7 : memref<80x128xf32, #tpu.memory_space<vmem>>) target(%dma_start3A_8 : memref<10008x128xf32, #tpu.memory_space<vmem_shared>>) offsets(%dma_start3A_5 : memref<80xi32, #tpu.memory_space<vmem>>) semaphore(%arg8 : memref<!tpu.dma_semaphore, #tpu.memory_space<semaphore_mem>>) {add = true}
    %dma_start3A_9 = arith.constant 1 : i32
    %dma_start3A_10 = arith.constant 0 : i32
    %dma_start3A_11 = tpu.memref_slice %arg6[%dma_start3A_9, %dma_start3A_10] : memref<125x80xi32, #tpu.memory_space<vmem>> -> memref<1x80xi32, #tpu.memory_space<vmem>>
    %dma_start3A_12 = tpu.memref_squeeze %dma_start3A_11 : memref<1x80xi32, #tpu.memory_space<vmem>> -> memref<80xi32, #tpu.memory_space<vmem>>
    %dma_start3A_13 = arith.constant 0 : i32
    %dma_start3A_14 = arith.constant 0 : i32
    %dma_start3A_15 = tpu.memref_slice %arg10[%dma_start3A_13, %dma_start3A_14] : memref<10008x128xf32, #tpu.memory_space<vmem_shared>> -> memref<10008x128xf32, #tpu.memory_space<vmem_shared>>
    tpu.enqueue_indirect_dma source(%arg7 : memref<80x128xf32, #tpu.memory_space<vmem>>) target(%dma_start3A_15 : memref<10008x128xf32, #tpu.memory_space<vmem_shared>>) offsets(%dma_start3A_12 : memref<80xi32, #tpu.memory_space<vmem>>) semaphore(%arg9 : memref<!tpu.dma_semaphore, #tpu.memory_space<semaphore_mem>>) {add = true}
    %scan3A = arith.constant 0 : i32
    %scan3A_16 = arith.constant 0 : i32
    %scan3A_17 = arith.constant 61 : i32
    %scan3A_18 = arith.addi %scan3A_16, %scan3A_17 : i32
    %scan3A_19 = arith.constant 1 : i32
    scf.for %scan3A_49 = %scan3A_16 to %scan3A_18 step %scan3A_19  : i32 {
      %dma_wait3A_50 = arith.constant 0 : i32
      %dma_wait3A_51 = arith.constant 0 : i32
      %dma_wait3A_52 = tpu.memref_slice %arg6[%dma_wait3A_50, %dma_wait3A_51] : memref<125x80xi32, #tpu.memory_space<vmem>> -> memref<1x80xi32, #tpu.memory_space<vmem>>
      %dma_wait3A_53 = tpu.memref_squeeze %dma_wait3A_52 : memref<1x80xi32, #tpu.memory_space<vmem>> -> memref<80xi32, #tpu.memory_space<vmem>>
      %dma_wait3A_54 = arith.constant 0 : i32
      %dma_wait3A_55 = arith.constant 0 : i32
      %dma_wait3A_56 = tpu.memref_slice %arg10[%dma_wait3A_54, %dma_wait3A_55] : memref<10008x128xf32, #tpu.memory_space<vmem_shared>> -> memref<10008x128xf32, #tpu.memory_space<vmem_shared>>
      tpu.wait_indirect_dma semaphore(%arg8 : memref<!tpu.dma_semaphore, #tpu.memory_space<semaphore_mem>>) src(%arg7 : memref<80x128xf32, #tpu.memory_space<vmem>>) dst(%dma_wait3A_56 : memref<10008x128xf32, #tpu.memory_space<vmem_shared>>)
      %mul3A_57 = arith.constant 2 : i32
      %mul3A_58 = arith.muli %mul3A_57, %scan3A_49 : i32
      %add3A_59 = arith.constant 2 : i32
      %add3A_60 = arith.addi %mul3A_58, %add3A_59 : i32
      %dma_start3A_61 = arith.constant 0 : i32
      %dma_start3A_62 = tpu.memref_slice %arg6[%add3A_60, %dma_start3A_61] : memref<125x80xi32, #tpu.memory_space<vmem>> -> memref<1x80xi32, #tpu.memory_space<vmem>>
      %dma_start3A_63 = tpu.memref_squeeze %dma_start3A_62 : memref<1x80xi32, #tpu.memory_space<vmem>> -> memref<80xi32, #tpu.memory_space<vmem>>
      %dma_start3A_64 = arith.constant 0 : i32
      %dma_start3A_65 = arith.constant 0 : i32
      %dma_start3A_66 = tpu.memref_slice %arg10[%dma_start3A_64, %dma_start3A_65] : memref<10008x128xf32, #tpu.memory_space<vmem_shared>> -> memref<10008x128xf32, #tpu.memory_space<vmem_shared>>
      tpu.enqueue_indirect_dma source(%arg7 : memref<80x128xf32, #tpu.memory_space<vmem>>) target(%dma_start3A_66 : memref<10008x128xf32, #tpu.memory_space<vmem_shared>>) offsets(%dma_start3A_63 : memref<80xi32, #tpu.memory_space<vmem>>) semaphore(%arg8 : memref<!tpu.dma_semaphore, #tpu.memory_space<semaphore_mem>>) {add = true}
      %dma_wait3A_67 = arith.constant 0 : i32
      %dma_wait3A_68 = arith.constant 0 : i32
      %dma_wait3A_69 = tpu.memref_slice %arg6[%dma_wait3A_67, %dma_wait3A_68] : memref<125x80xi32, #tpu.memory_space<vmem>> -> memref<1x80xi32, #tpu.memory_space<vmem>>
      %dma_wait3A_70 = tpu.memref_squeeze %dma_wait3A_69 : memref<1x80xi32, #tpu.memory_space<vmem>> -> memref<80xi32, #tpu.memory_space<vmem>>
      %dma_wait3A_71 = arith.constant 0 : i32
      %dma_wait3A_72 = arith.constant 0 : i32
      %dma_wait3A_73 = tpu.memref_slice %arg10[%dma_wait3A_71, %dma_wait3A_72] : memref<10008x128xf32, #tpu.memory_space<vmem_shared>> -> memref<10008x128xf32, #tpu.memory_space<vmem_shared>>
      tpu.wait_indirect_dma semaphore(%arg9 : memref<!tpu.dma_semaphore, #tpu.memory_space<semaphore_mem>>) src(%arg7 : memref<80x128xf32, #tpu.memory_space<vmem>>) dst(%dma_wait3A_73 : memref<10008x128xf32, #tpu.memory_space<vmem_shared>>)
      %mul3A_74 = arith.constant 2 : i32
      %mul3A_75 = arith.muli %mul3A_74, %scan3A_49 : i32
      %add3A_76 = arith.constant 3 : i32
      %add3A_77 = arith.addi %mul3A_75, %add3A_76 : i32
      %dma_start3A_78 = arith.constant 0 : i32
      %dma_start3A_79 = tpu.memref_slice %arg6[%add3A_77, %dma_start3A_78] : memref<125x80xi32, #tpu.memory_space<vmem>> -> memref<1x80xi32, #tpu.memory_space<vmem>>
      %dma_start3A_80 = tpu.memref_squeeze %dma_start3A_79 : memref<1x80xi32, #tpu.memory_space<vmem>> -> memref<80xi32, #tpu.memory_space<vmem>>
      %dma_start3A_81 = arith.constant 0 : i32
      %dma_start3A_82 = arith.constant 0 : i32
      %dma_start3A_83 = tpu.memref_slice %arg10[%dma_start3A_81, %dma_start3A_82] : memref<10008x128xf32, #tpu.memory_space<vmem_shared>> -> memref<10008x128xf32, #tpu.memory_space<vmem_shared>>
      tpu.enqueue_indirect_dma source(%arg7 : memref<80x128xf32, #tpu.memory_space<vmem>>) target(%dma_start3A_83 : memref<10008x128xf32, #tpu.memory_space<vmem_shared>>) offsets(%dma_start3A_80 : memref<80xi32, #tpu.memory_space<vmem>>) semaphore(%arg9 : memref<!tpu.dma_semaphore, #tpu.memory_space<semaphore_mem>>) {add = true}
    }
    %scan3A_20 = arith.constant 61 : i32
    %dma_wait3A = arith.constant 0 : i32
    %dma_wait3A_21 = arith.constant 0 : i32
    %dma_wait3A_22 = tpu.memref_slice %arg6[%dma_wait3A, %dma_wait3A_21] : memref<125x80xi32, #tpu.memory_space<vmem>> -> memref<1x80xi32, #tpu.memory_space<vmem>>
    %dma_wait3A_23 = tpu.memref_squeeze %dma_wait3A_22 : memref<1x80xi32, #tpu.memory_space<vmem>> -> memref<80xi32, #tpu.memory_space<vmem>>
    %dma_wait3A_24 = arith.constant 0 : i32
    %dma_wait3A_25 = arith.constant 0 : i32
    %dma_wait3A_26 = tpu.memref_slice %arg10[%dma_wait3A_24, %dma_wait3A_25] : memref<10008x128xf32, #tpu.memory_space<vmem_shared>> -> memref<10008x128xf32, #tpu.memory_space<vmem_shared>>
    tpu.wait_indirect_dma semaphore(%arg8 : memref<!tpu.dma_semaphore, #tpu.memory_space<semaphore_mem>>) src(%arg7 : memref<80x128xf32, #tpu.memory_space<vmem>>) dst(%dma_wait3A_26 : memref<10008x128xf32, #tpu.memory_space<vmem_shared>>)
    %dma_start3A_27 = arith.constant 124 : i32
    %dma_start3A_28 = arith.constant 0 : i32
    %dma_start3A_29 = tpu.memref_slice %arg6[%dma_start3A_27, %dma_start3A_28] : memref<125x80xi32, #tpu.memory_space<vmem>> -> memref<1x80xi32, #tpu.memory_space<vmem>>
    %dma_start3A_30 = tpu.memref_squeeze %dma_start3A_29 : memref<1x80xi32, #tpu.memory_space<vmem>> -> memref<80xi32, #tpu.memory_space<vmem>>
    %dma_start3A_31 = arith.constant 0 : i32
    %dma_start3A_32 = arith.constant 0 : i32
    %dma_start3A_33 = tpu.memref_slice %arg10[%dma_start3A_31, %dma_start3A_32] : memref<10008x128xf32, #tpu.memory_space<vmem_shared>> -> memref<10008x128xf32, #tpu.memory_space<vmem_shared>>
    tpu.enqueue_indirect_dma source(%arg7 : memref<80x128xf32, #tpu.memory_space<vmem>>) target(%dma_start3A_33 : memref<10008x128xf32, #tpu.memory_space<vmem_shared>>) offsets(%dma_start3A_30 : memref<80xi32, #tpu.memory_space<vmem>>) semaphore(%arg8 : memref<!tpu.dma_semaphore, #tpu.memory_space<semaphore_mem>>) {add = true}
    %dma_wait3A_34 = arith.constant 0 : i32
    %dma_wait3A_35 = arith.constant 0 : i32
    %dma_wait3A_36 = tpu.memref_slice %arg6[%dma_wait3A_34, %dma_wait3A_35] : memref<125x80xi32, #tpu.memory_space<vmem>> -> memref<1x80xi32, #tpu.memory_space<vmem>>
    %dma_wait3A_37 = tpu.memref_squeeze %dma_wait3A_36 : memref<1x80xi32, #tpu.memory_space<vmem>> -> memref<80xi32, #tpu.memory_space<vmem>>
    %dma_wait3A_38 = arith.constant 0 : i32
    %dma_wait3A_39 = arith.constant 0 : i32
    %dma_wait3A_40 = tpu.memref_slice %arg10[%dma_wait3A_38, %dma_wait3A_39] : memref<10008x128xf32, #tpu.memory_space<vmem_shared>> -> memref<10008x128xf32, #tpu.memory_space<vmem_shared>>
    tpu.wait_indirect_dma semaphore(%arg8 : memref<!tpu.dma_semaphore, #tpu.memory_space<semaphore_mem>>) src(%arg7 : memref<80x128xf32, #tpu.memory_space<vmem>>) dst(%dma_wait3A_40 : memref<10008x128xf32, #tpu.memory_space<vmem_shared>>)
    %dma_wait3A_41 = arith.constant 0 : i32
    %dma_wait3A_42 = arith.constant 0 : i32
    %dma_wait3A_43 = tpu.memref_slice %arg6[%dma_wait3A_41, %dma_wait3A_42] : memref<125x80xi32, #tpu.memory_space<vmem>> -> memref<1x80xi32, #tpu.memory_space<vmem>>
    %dma_wait3A_44 = tpu.memref_squeeze %dma_wait3A_43 : memref<1x80xi32, #tpu.memory_space<vmem>> -> memref<80xi32, #tpu.memory_space<vmem>>
    %dma_wait3A_45 = arith.constant 0 : i32
    %dma_wait3A_46 = arith.constant 0 : i32
    %dma_wait3A_47 = tpu.memref_slice %arg10[%dma_wait3A_45, %dma_wait3A_46] : memref<10008x128xf32, #tpu.memory_space<vmem_shared>> -> memref<10008x128xf32, #tpu.memory_space<vmem_shared>>
    tpu.wait_indirect_dma semaphore(%arg9 : memref<!tpu.dma_semaphore, #tpu.memory_space<semaphore_mem>>) src(%arg7 : memref<80x128xf32, #tpu.memory_space<vmem>>) dst(%dma_wait3A_47 : memref<10008x128xf32, #tpu.memory_space<vmem_shared>>)
    %barrier3A_48 = arith.constant 0 : index
    tpu.barrier barrier_id(%barrier3A_48)
    "tpu.region"() ({
      %run_scoped3A = tpu.sem_alloc : memref<!tpu.dma_semaphore, #tpu.memory_space<semaphore_mem>>
      %dma_start3A_49 = arith.constant 0 : i32
      %dma_start3A_50 = tpu.memref_slice %arg5[%arg0, %mul3A_2, %dma_start3A_49] : memref<2x10000x128xf32, #tpu.memory_space<hbm>> -> memref<1x640x128xf32, #tpu.memory_space<hbm>>
      %dma_start3A_51 = tpu.memref_squeeze %dma_start3A_50 : memref<1x640x128xf32, #tpu.memory_space<hbm>> -> memref<640x128xf32, #tpu.memory_space<hbm>>
      %dma_start3A_52 = arith.constant 0 : i32
      %dma_start3A_53 = tpu.memref_slice %arg10[%mul3A_2, %dma_start3A_52] : memref<10008x128xf32, #tpu.memory_space<vmem_shared>> -> memref<640x128xf32, #tpu.memory_space<vmem_shared>>
      tpu.enqueue_dma source(%dma_start3A_53 : memref<640x128xf32, #tpu.memory_space<vmem_shared>>) target(%dma_start3A_51 : memref<640x128xf32, #tpu.memory_space<hbm>>) target_semaphore(%run_scoped3A : memref<!tpu.dma_semaphore, #tpu.memory_space<semaphore_mem>>)
      %dma_wait3A_54 = arith.constant 0 : i32
      %dma_wait3A_55 = tpu.memref_slice %arg5[%arg0, %mul3A_2, %dma_wait3A_54] : memref<2x10000x128xf32, #tpu.memory_space<hbm>> -> memref<1x640x128xf32, #tpu.memory_space<hbm>>
      %dma_wait3A_56 = tpu.memref_squeeze %dma_wait3A_55 : memref<1x640x128xf32, #tpu.memory_space<hbm>> -> memref<640x128xf32, #tpu.memory_space<hbm>>
      %dma_wait3A_57 = arith.constant 0 : i32
      %dma_wait3A_58 = tpu.memref_slice %arg10[%mul3A_2, %dma_wait3A_57] : memref<10008x128xf32, #tpu.memory_space<vmem_shared>> -> memref<640x128xf32, #tpu.memory_space<vmem_shared>>
      tpu.wait_dma2 semaphore(%run_scoped3A : memref<!tpu.dma_semaphore, #tpu.memory_space<semaphore_mem>>) src(%dma_wait3A_58 : memref<640x128xf32, #tpu.memory_space<vmem_shared>>) dst(%dma_wait3A_56 : memref<640x128xf32, #tpu.memory_space<hbm>>)
      tpu.yield
    }) : () -> ()
    return
  }
}

#map = affine_map<(d0, d1) -> (0, 0)>
#map1 = affine_map<(d0, d1) -> (0)>
#map2 = affine_map<(d0, d1) -> (0, 0, 0)>
module attributes {stable_mosaic.version = 14 : i64} {
  func.func @k(%arg0: i32, %arg1: i32, %arg2: memref<10000x128xf32, #tpu.memory_space<hbm>>, %arg3: memref<320000xi32, #tpu.memory_space<hbm>>, %arg4: memref<320000xi32, #tpu.memory_space<hbm>>, %arg5: memref<10008x128xf32, #tpu.memory_space<hbm>>, %arg6: memref<2x10000x128xf32, #tpu.memory_space<hbm>>, %arg7: memref<80xi32, #tpu.memory_space<vmem>>, %arg8: memref<80xi32, #tpu.memory_space<vmem>>, %arg9: memref<80xi32, #tpu.memory_space<vmem>>, %arg10: memref<80xi32, #tpu.memory_space<vmem>>, %arg11: memref<80x128xf32, #tpu.memory_space<vmem>>, %arg12: memref<80x128xf32, #tpu.memory_space<vmem>>, %arg13: memref<!tpu.dma_semaphore, #tpu.memory_space<semaphore_mem>>, %arg14: memref<!tpu.dma_semaphore, #tpu.memory_space<semaphore_mem>>, %arg15: memref<!tpu.dma_semaphore, #tpu.memory_space<semaphore_mem>>, %arg16: memref<!tpu.dma_semaphore, #tpu.memory_space<semaphore_mem>>, %arg17: memref<10008x128xf32, #tpu.memory_space<vmem_shared>>) attributes {dimension_semantics = [#tpu.dimension_semantics<core_parallel>, #tpu.dimension_semantics<subcore_parallel>], iteration_bounds = array<i64: 2, 16>, scalar_prefetch = 0 : i64, scratch_operands = 11 : i64, tpu.core_type = #tpu.core_type<sc_vector_subcore>, window_params = [{transform_indices = #map}, {transform_indices = #map1}, {transform_indices = #map1}, {transform_indices = #map}, {transform_indices = #map2}]} {
    %mul3A = arith.constant 16 : i32
    %mul3A_0 = arith.muli %arg0, %mul3A : i32
    %add3A = arith.addi %mul3A_0, %arg1 : i32
    %mul3A_1 = arith.constant 624 : i32
    %mul3A_2 = arith.muli %arg1, %mul3A_1 : i32
    "tpu.region"() ({
      %run_scoped3A = tpu.sem_alloc : memref<!tpu.dma_semaphore, #tpu.memory_space<semaphore_mem>>
      %dma_start3A_55 = arith.constant 0 : i32
      %dma_start3A_56 = tpu.memref_slice %arg17[%mul3A_2, %dma_start3A_55] : memref<10008x128xf32, #tpu.memory_space<vmem_shared>> -> memref<648x128xf32, #tpu.memory_space<vmem_shared>>
      %dma_start3A_57 = arith.constant 0 : i32
      %dma_start3A_58 = tpu.memref_slice %arg5[%mul3A_2, %dma_start3A_57] : memref<10008x128xf32, #tpu.memory_space<hbm>> -> memref<648x128xf32, #tpu.memory_space<hbm>>
      tpu.enqueue_dma source(%dma_start3A_58 : memref<648x128xf32, #tpu.memory_space<hbm>>) target(%dma_start3A_56 : memref<648x128xf32, #tpu.memory_space<vmem_shared>>) target_semaphore(%run_scoped3A : memref<!tpu.dma_semaphore, #tpu.memory_space<semaphore_mem>>)
      %dma_wait3A_59 = arith.constant 0 : i32
      %dma_wait3A_60 = tpu.memref_slice %arg17[%mul3A_2, %dma_wait3A_59] : memref<10008x128xf32, #tpu.memory_space<vmem_shared>> -> memref<648x128xf32, #tpu.memory_space<vmem_shared>>
      %dma_wait3A_61 = arith.constant 0 : i32
      %dma_wait3A_62 = tpu.memref_slice %arg5[%mul3A_2, %dma_wait3A_61] : memref<10008x128xf32, #tpu.memory_space<hbm>> -> memref<648x128xf32, #tpu.memory_space<hbm>>
      tpu.wait_dma2 semaphore(%run_scoped3A : memref<!tpu.dma_semaphore, #tpu.memory_space<semaphore_mem>>) src(%dma_wait3A_62 : memref<648x128xf32, #tpu.memory_space<hbm>>) dst(%dma_wait3A_60 : memref<648x128xf32, #tpu.memory_space<vmem_shared>>)
      tpu.yield
    }) : () -> ()
    %barrier3A = arith.constant 0 : index
    tpu.barrier barrier_id(%barrier3A)
    %mul3A_3 = arith.constant 10000 : i32
    %mul3A_4 = arith.muli %add3A, %mul3A_3 : i32
    %add3A_5 = arith.constant 0 : i32
    %add3A_6 = arith.addi %mul3A_4, %add3A_5 : i32
    "tpu.region"() ({
      %run_scoped3A = tpu.sem_alloc : memref<!tpu.dma_semaphore, #tpu.memory_space<semaphore_mem>>
      %dma_start3A_55 = tpu.memref_slice %arg3[%add3A_6] : memref<320000xi32, #tpu.memory_space<hbm>> -> memref<80xi32, #tpu.memory_space<hbm>>
      %dma_start3A_56 = tpu.memref_slice %arg3[%add3A_6] : memref<320000xi32, #tpu.memory_space<hbm>> -> memref<80xi32, #tpu.memory_space<hbm>>
      tpu.enqueue_dma source(%dma_start3A_56 : memref<80xi32, #tpu.memory_space<hbm>>) target(%arg7 : memref<80xi32, #tpu.memory_space<vmem>>) target_semaphore(%run_scoped3A : memref<!tpu.dma_semaphore, #tpu.memory_space<semaphore_mem>>)
      %dma_wait3A_57 = tpu.memref_slice %arg3[%add3A_6] : memref<320000xi32, #tpu.memory_space<hbm>> -> memref<80xi32, #tpu.memory_space<hbm>>
      %dma_wait3A_58 = tpu.memref_slice %arg3[%add3A_6] : memref<320000xi32, #tpu.memory_space<hbm>> -> memref<80xi32, #tpu.memory_space<hbm>>
      tpu.wait_dma2 semaphore(%run_scoped3A : memref<!tpu.dma_semaphore, #tpu.memory_space<semaphore_mem>>) src(%dma_wait3A_58 : memref<80xi32, #tpu.memory_space<hbm>>) dst(%arg7 : memref<80xi32, #tpu.memory_space<vmem>>)
      tpu.yield
    }) : () -> ()
    "tpu.region"() ({
      %run_scoped3A = tpu.sem_alloc : memref<!tpu.dma_semaphore, #tpu.memory_space<semaphore_mem>>
      %dma_start3A_55 = tpu.memref_slice %arg4[%add3A_6] : memref<320000xi32, #tpu.memory_space<hbm>> -> memref<80xi32, #tpu.memory_space<hbm>>
      %dma_start3A_56 = tpu.memref_slice %arg4[%add3A_6] : memref<320000xi32, #tpu.memory_space<hbm>> -> memref<80xi32, #tpu.memory_space<hbm>>
      tpu.enqueue_dma source(%dma_start3A_56 : memref<80xi32, #tpu.memory_space<hbm>>) target(%arg8 : memref<80xi32, #tpu.memory_space<vmem>>) target_semaphore(%run_scoped3A : memref<!tpu.dma_semaphore, #tpu.memory_space<semaphore_mem>>)
      %dma_wait3A_57 = tpu.memref_slice %arg4[%add3A_6] : memref<320000xi32, #tpu.memory_space<hbm>> -> memref<80xi32, #tpu.memory_space<hbm>>
      %dma_wait3A_58 = tpu.memref_slice %arg4[%add3A_6] : memref<320000xi32, #tpu.memory_space<hbm>> -> memref<80xi32, #tpu.memory_space<hbm>>
      tpu.wait_dma2 semaphore(%run_scoped3A : memref<!tpu.dma_semaphore, #tpu.memory_space<semaphore_mem>>) src(%dma_wait3A_58 : memref<80xi32, #tpu.memory_space<hbm>>) dst(%arg8 : memref<80xi32, #tpu.memory_space<vmem>>)
      tpu.yield
    }) : () -> ()
    %dma_start3A = arith.constant 0 : i32
    %dma_start3A_7 = arith.constant 0 : i32
    %dma_start3A_8 = tpu.memref_slice %arg2[%dma_start3A, %dma_start3A_7] : memref<10000x128xf32, #tpu.memory_space<hbm>> -> memref<10000x128xf32, #tpu.memory_space<hbm>>
    tpu.enqueue_indirect_dma source(%dma_start3A_8 : memref<10000x128xf32, #tpu.memory_space<hbm>>) target(%arg11 : memref<80x128xf32, #tpu.memory_space<vmem>>) offsets(%arg7 : memref<80xi32, #tpu.memory_space<vmem>>) semaphore(%arg13 : memref<!tpu.dma_semaphore, #tpu.memory_space<semaphore_mem>>)
    %mul3A_9 = arith.constant 10000 : i32
    %mul3A_10 = arith.muli %add3A, %mul3A_9 : i32
    %add3A_11 = arith.constant 80 : i32
    %add3A_12 = arith.addi %mul3A_10, %add3A_11 : i32
    "tpu.region"() ({
      %run_scoped3A = tpu.sem_alloc : memref<!tpu.dma_semaphore, #tpu.memory_space<semaphore_mem>>
      %dma_start3A_55 = tpu.memref_slice %arg3[%add3A_12] : memref<320000xi32, #tpu.memory_space<hbm>> -> memref<80xi32, #tpu.memory_space<hbm>>
      %dma_start3A_56 = tpu.memref_slice %arg3[%add3A_12] : memref<320000xi32, #tpu.memory_space<hbm>> -> memref<80xi32, #tpu.memory_space<hbm>>
      tpu.enqueue_dma source(%dma_start3A_56 : memref<80xi32, #tpu.memory_space<hbm>>) target(%arg9 : memref<80xi32, #tpu.memory_space<vmem>>) target_semaphore(%run_scoped3A : memref<!tpu.dma_semaphore, #tpu.memory_space<semaphore_mem>>)
      %dma_wait3A_57 = tpu.memref_slice %arg3[%add3A_12] : memref<320000xi32, #tpu.memory_space<hbm>> -> memref<80xi32, #tpu.memory_space<hbm>>
      %dma_wait3A_58 = tpu.memref_slice %arg3[%add3A_12] : memref<320000xi32, #tpu.memory_space<hbm>> -> memref<80xi32, #tpu.memory_space<hbm>>
      tpu.wait_dma2 semaphore(%run_scoped3A : memref<!tpu.dma_semaphore, #tpu.memory_space<semaphore_mem>>) src(%dma_wait3A_58 : memref<80xi32, #tpu.memory_space<hbm>>) dst(%arg9 : memref<80xi32, #tpu.memory_space<vmem>>)
      tpu.yield
    }) : () -> ()
    "tpu.region"() ({
      %run_scoped3A = tpu.sem_alloc : memref<!tpu.dma_semaphore, #tpu.memory_space<semaphore_mem>>
      %dma_start3A_55 = tpu.memref_slice %arg4[%add3A_12] : memref<320000xi32, #tpu.memory_space<hbm>> -> memref<80xi32, #tpu.memory_space<hbm>>
      %dma_start3A_56 = tpu.memref_slice %arg4[%add3A_12] : memref<320000xi32, #tpu.memory_space<hbm>> -> memref<80xi32, #tpu.memory_space<hbm>>
      tpu.enqueue_dma source(%dma_start3A_56 : memref<80xi32, #tpu.memory_space<hbm>>) target(%arg10 : memref<80xi32, #tpu.memory_space<vmem>>) target_semaphore(%run_scoped3A : memref<!tpu.dma_semaphore, #tpu.memory_space<semaphore_mem>>)
      %dma_wait3A_57 = tpu.memref_slice %arg4[%add3A_12] : memref<320000xi32, #tpu.memory_space<hbm>> -> memref<80xi32, #tpu.memory_space<hbm>>
      %dma_wait3A_58 = tpu.memref_slice %arg4[%add3A_12] : memref<320000xi32, #tpu.memory_space<hbm>> -> memref<80xi32, #tpu.memory_space<hbm>>
      tpu.wait_dma2 semaphore(%run_scoped3A : memref<!tpu.dma_semaphore, #tpu.memory_space<semaphore_mem>>) src(%dma_wait3A_58 : memref<80xi32, #tpu.memory_space<hbm>>) dst(%arg10 : memref<80xi32, #tpu.memory_space<vmem>>)
      tpu.yield
    }) : () -> ()
    %dma_start3A_13 = arith.constant 0 : i32
    %dma_start3A_14 = arith.constant 0 : i32
    %dma_start3A_15 = tpu.memref_slice %arg2[%dma_start3A_13, %dma_start3A_14] : memref<10000x128xf32, #tpu.memory_space<hbm>> -> memref<10000x128xf32, #tpu.memory_space<hbm>>
    tpu.enqueue_indirect_dma source(%dma_start3A_15 : memref<10000x128xf32, #tpu.memory_space<hbm>>) target(%arg12 : memref<80x128xf32, #tpu.memory_space<vmem>>) offsets(%arg9 : memref<80xi32, #tpu.memory_space<vmem>>) semaphore(%arg14 : memref<!tpu.dma_semaphore, #tpu.memory_space<semaphore_mem>>)
    %dma_wait3A = arith.constant 0 : i32
    %dma_wait3A_16 = arith.constant 0 : i32
    %dma_wait3A_17 = tpu.memref_slice %arg2[%dma_wait3A, %dma_wait3A_16] : memref<10000x128xf32, #tpu.memory_space<hbm>> -> memref<10000x128xf32, #tpu.memory_space<hbm>>
    tpu.wait_indirect_dma semaphore(%arg13 : memref<!tpu.dma_semaphore, #tpu.memory_space<semaphore_mem>>) src(%dma_wait3A_17 : memref<10000x128xf32, #tpu.memory_space<hbm>>) dst(%arg11 : memref<80x128xf32, #tpu.memory_space<vmem>>)
    %dma_start3A_18 = arith.constant 0 : i32
    %dma_start3A_19 = arith.constant 0 : i32
    %dma_start3A_20 = tpu.memref_slice %arg17[%dma_start3A_18, %dma_start3A_19] : memref<10008x128xf32, #tpu.memory_space<vmem_shared>> -> memref<10008x128xf32, #tpu.memory_space<vmem_shared>>
    tpu.enqueue_indirect_dma source(%arg11 : memref<80x128xf32, #tpu.memory_space<vmem>>) target(%dma_start3A_20 : memref<10008x128xf32, #tpu.memory_space<vmem_shared>>) offsets(%arg8 : memref<80xi32, #tpu.memory_space<vmem>>) semaphore(%arg15 : memref<!tpu.dma_semaphore, #tpu.memory_space<semaphore_mem>>) {add = true}
    %scan3A = arith.constant 0 : i32
    %scan3A_21 = arith.constant 0 : i32
    %scan3A_22 = arith.constant 61 : i32
    %scan3A_23 = arith.addi %scan3A_21, %scan3A_22 : i32
    %scan3A_24 = arith.constant 1 : i32
    scf.for %scan3A_55 = %scan3A_21 to %scan3A_23 step %scan3A_24  : i32 {
      %mul3A_56 = arith.constant 2 : i32
      %mul3A_57 = arith.muli %mul3A_56, %scan3A_55 : i32
      %add3A_58 = arith.constant 1 : i32
      %add3A_59 = arith.addi %mul3A_57, %add3A_58 : i32
      %dma_wait3A_60 = arith.constant 0 : i32
      %dma_wait3A_61 = arith.constant 0 : i32
      %dma_wait3A_62 = tpu.memref_slice %arg17[%dma_wait3A_60, %dma_wait3A_61] : memref<10008x128xf32, #tpu.memory_space<vmem_shared>> -> memref<10008x128xf32, #tpu.memory_space<vmem_shared>>
      tpu.wait_indirect_dma semaphore(%arg15 : memref<!tpu.dma_semaphore, #tpu.memory_space<semaphore_mem>>) src(%arg11 : memref<80x128xf32, #tpu.memory_space<vmem>>) dst(%dma_wait3A_62 : memref<10008x128xf32, #tpu.memory_space<vmem_shared>>)
      %add3A_63 = arith.constant 1 : i32
      %add3A_64 = arith.addi %add3A_59, %add3A_63 : i32
      %mul3A_65 = arith.constant 10000 : i32
      %mul3A_66 = arith.muli %add3A, %mul3A_65 : i32
      %mul3A_67 = arith.constant 80 : i32
      %mul3A_68 = arith.muli %add3A_64, %mul3A_67 : i32
      %add3A_69 = arith.addi %mul3A_66, %mul3A_68 : i32
      "tpu.region"() ({
        %run_scoped3A = tpu.sem_alloc : memref<!tpu.dma_semaphore, #tpu.memory_space<semaphore_mem>>
        %dma_start3A_102 = tpu.memref_slice %arg3[%add3A_69] : memref<320000xi32, #tpu.memory_space<hbm>> -> memref<80xi32, #tpu.memory_space<hbm>>
        %dma_start3A_103 = tpu.memref_slice %arg3[%add3A_69] : memref<320000xi32, #tpu.memory_space<hbm>> -> memref<80xi32, #tpu.memory_space<hbm>>
        tpu.enqueue_dma source(%dma_start3A_103 : memref<80xi32, #tpu.memory_space<hbm>>) target(%arg7 : memref<80xi32, #tpu.memory_space<vmem>>) target_semaphore(%run_scoped3A : memref<!tpu.dma_semaphore, #tpu.memory_space<semaphore_mem>>)
        %dma_wait3A_104 = tpu.memref_slice %arg3[%add3A_69] : memref<320000xi32, #tpu.memory_space<hbm>> -> memref<80xi32, #tpu.memory_space<hbm>>
        %dma_wait3A_105 = tpu.memref_slice %arg3[%add3A_69] : memref<320000xi32, #tpu.memory_space<hbm>> -> memref<80xi32, #tpu.memory_space<hbm>>
        tpu.wait_dma2 semaphore(%run_scoped3A : memref<!tpu.dma_semaphore, #tpu.memory_space<semaphore_mem>>) src(%dma_wait3A_105 : memref<80xi32, #tpu.memory_space<hbm>>) dst(%arg7 : memref<80xi32, #tpu.memory_space<vmem>>)
        tpu.yield
      }) : () -> ()
      "tpu.region"() ({
        %run_scoped3A = tpu.sem_alloc : memref<!tpu.dma_semaphore, #tpu.memory_space<semaphore_mem>>
        %dma_start3A_102 = tpu.memref_slice %arg4[%add3A_69] : memref<320000xi32, #tpu.memory_space<hbm>> -> memref<80xi32, #tpu.memory_space<hbm>>
        %dma_start3A_103 = tpu.memref_slice %arg4[%add3A_69] : memref<320000xi32, #tpu.memory_space<hbm>> -> memref<80xi32, #tpu.memory_space<hbm>>
        tpu.enqueue_dma source(%dma_start3A_103 : memref<80xi32, #tpu.memory_space<hbm>>) target(%arg8 : memref<80xi32, #tpu.memory_space<vmem>>) target_semaphore(%run_scoped3A : memref<!tpu.dma_semaphore, #tpu.memory_space<semaphore_mem>>)
        %dma_wait3A_104 = tpu.memref_slice %arg4[%add3A_69] : memref<320000xi32, #tpu.memory_space<hbm>> -> memref<80xi32, #tpu.memory_space<hbm>>
        %dma_wait3A_105 = tpu.memref_slice %arg4[%add3A_69] : memref<320000xi32, #tpu.memory_space<hbm>> -> memref<80xi32, #tpu.memory_space<hbm>>
        tpu.wait_dma2 semaphore(%run_scoped3A : memref<!tpu.dma_semaphore, #tpu.memory_space<semaphore_mem>>) src(%dma_wait3A_105 : memref<80xi32, #tpu.memory_space<hbm>>) dst(%arg8 : memref<80xi32, #tpu.memory_space<vmem>>)
        tpu.yield
      }) : () -> ()
      %dma_start3A_70 = arith.constant 0 : i32
      %dma_start3A_71 = arith.constant 0 : i32
      %dma_start3A_72 = tpu.memref_slice %arg2[%dma_start3A_70, %dma_start3A_71] : memref<10000x128xf32, #tpu.memory_space<hbm>> -> memref<10000x128xf32, #tpu.memory_space<hbm>>
      tpu.enqueue_indirect_dma source(%dma_start3A_72 : memref<10000x128xf32, #tpu.memory_space<hbm>>) target(%arg11 : memref<80x128xf32, #tpu.memory_space<vmem>>) offsets(%arg7 : memref<80xi32, #tpu.memory_space<vmem>>) semaphore(%arg13 : memref<!tpu.dma_semaphore, #tpu.memory_space<semaphore_mem>>)
      %dma_wait3A_73 = arith.constant 0 : i32
      %dma_wait3A_74 = arith.constant 0 : i32
      %dma_wait3A_75 = tpu.memref_slice %arg2[%dma_wait3A_73, %dma_wait3A_74] : memref<10000x128xf32, #tpu.memory_space<hbm>> -> memref<10000x128xf32, #tpu.memory_space<hbm>>
      tpu.wait_indirect_dma semaphore(%arg14 : memref<!tpu.dma_semaphore, #tpu.memory_space<semaphore_mem>>) src(%dma_wait3A_75 : memref<10000x128xf32, #tpu.memory_space<hbm>>) dst(%arg12 : memref<80x128xf32, #tpu.memory_space<vmem>>)
      %dma_start3A_76 = arith.constant 0 : i32
      %dma_start3A_77 = arith.constant 0 : i32
      %dma_start3A_78 = tpu.memref_slice %arg17[%dma_start3A_76, %dma_start3A_77] : memref<10008x128xf32, #tpu.memory_space<vmem_shared>> -> memref<10008x128xf32, #tpu.memory_space<vmem_shared>>
      tpu.enqueue_indirect_dma source(%arg12 : memref<80x128xf32, #tpu.memory_space<vmem>>) target(%dma_start3A_78 : memref<10008x128xf32, #tpu.memory_space<vmem_shared>>) offsets(%arg10 : memref<80xi32, #tpu.memory_space<vmem>>) semaphore(%arg16 : memref<!tpu.dma_semaphore, #tpu.memory_space<semaphore_mem>>) {add = true}
      %mul3A_79 = arith.constant 2 : i32
      %mul3A_80 = arith.muli %mul3A_79, %scan3A_55 : i32
      %add3A_81 = arith.constant 2 : i32
      %add3A_82 = arith.addi %mul3A_80, %add3A_81 : i32
      %dma_wait3A_83 = arith.constant 0 : i32
      %dma_wait3A_84 = arith.constant 0 : i32
      %dma_wait3A_85 = tpu.memref_slice %arg17[%dma_wait3A_83, %dma_wait3A_84] : memref<10008x128xf32, #tpu.memory_space<vmem_shared>> -> memref<10008x128xf32, #tpu.memory_space<vmem_shared>>
      tpu.wait_indirect_dma semaphore(%arg16 : memref<!tpu.dma_semaphore, #tpu.memory_space<semaphore_mem>>) src(%arg12 : memref<80x128xf32, #tpu.memory_space<vmem>>) dst(%dma_wait3A_85 : memref<10008x128xf32, #tpu.memory_space<vmem_shared>>)
      %add3A_86 = arith.constant 1 : i32
      %add3A_87 = arith.addi %add3A_82, %add3A_86 : i32
      %mul3A_88 = arith.constant 10000 : i32
      %mul3A_89 = arith.muli %add3A, %mul3A_88 : i32
      %mul3A_90 = arith.constant 80 : i32
      %mul3A_91 = arith.muli %add3A_87, %mul3A_90 : i32
      %add3A_92 = arith.addi %mul3A_89, %mul3A_91 : i32
      "tpu.region"() ({
        %run_scoped3A = tpu.sem_alloc : memref<!tpu.dma_semaphore, #tpu.memory_space<semaphore_mem>>
        %dma_start3A_102 = tpu.memref_slice %arg3[%add3A_92] : memref<320000xi32, #tpu.memory_space<hbm>> -> memref<80xi32, #tpu.memory_space<hbm>>
        %dma_start3A_103 = tpu.memref_slice %arg3[%add3A_92] : memref<320000xi32, #tpu.memory_space<hbm>> -> memref<80xi32, #tpu.memory_space<hbm>>
        tpu.enqueue_dma source(%dma_start3A_103 : memref<80xi32, #tpu.memory_space<hbm>>) target(%arg9 : memref<80xi32, #tpu.memory_space<vmem>>) target_semaphore(%run_scoped3A : memref<!tpu.dma_semaphore, #tpu.memory_space<semaphore_mem>>)
        %dma_wait3A_104 = tpu.memref_slice %arg3[%add3A_92] : memref<320000xi32, #tpu.memory_space<hbm>> -> memref<80xi32, #tpu.memory_space<hbm>>
        %dma_wait3A_105 = tpu.memref_slice %arg3[%add3A_92] : memref<320000xi32, #tpu.memory_space<hbm>> -> memref<80xi32, #tpu.memory_space<hbm>>
        tpu.wait_dma2 semaphore(%run_scoped3A : memref<!tpu.dma_semaphore, #tpu.memory_space<semaphore_mem>>) src(%dma_wait3A_105 : memref<80xi32, #tpu.memory_space<hbm>>) dst(%arg9 : memref<80xi32, #tpu.memory_space<vmem>>)
        tpu.yield
      }) : () -> ()
      "tpu.region"() ({
        %run_scoped3A = tpu.sem_alloc : memref<!tpu.dma_semaphore, #tpu.memory_space<semaphore_mem>>
        %dma_start3A_102 = tpu.memref_slice %arg4[%add3A_92] : memref<320000xi32, #tpu.memory_space<hbm>> -> memref<80xi32, #tpu.memory_space<hbm>>
        %dma_start3A_103 = tpu.memref_slice %arg4[%add3A_92] : memref<320000xi32, #tpu.memory_space<hbm>> -> memref<80xi32, #tpu.memory_space<hbm>>
        tpu.enqueue_dma source(%dma_start3A_103 : memref<80xi32, #tpu.memory_space<hbm>>) target(%arg10 : memref<80xi32, #tpu.memory_space<vmem>>) target_semaphore(%run_scoped3A : memref<!tpu.dma_semaphore, #tpu.memory_space<semaphore_mem>>)
        %dma_wait3A_104 = tpu.memref_slice %arg4[%add3A_92] : memref<320000xi32, #tpu.memory_space<hbm>> -> memref<80xi32, #tpu.memory_space<hbm>>
        %dma_wait3A_105 = tpu.memref_slice %arg4[%add3A_92] : memref<320000xi32, #tpu.memory_space<hbm>> -> memref<80xi32, #tpu.memory_space<hbm>>
        tpu.wait_dma2 semaphore(%run_scoped3A : memref<!tpu.dma_semaphore, #tpu.memory_space<semaphore_mem>>) src(%dma_wait3A_105 : memref<80xi32, #tpu.memory_space<hbm>>) dst(%arg10 : memref<80xi32, #tpu.memory_space<vmem>>)
        tpu.yield
      }) : () -> ()
      %dma_start3A_93 = arith.constant 0 : i32
      %dma_start3A_94 = arith.constant 0 : i32
      %dma_start3A_95 = tpu.memref_slice %arg2[%dma_start3A_93, %dma_start3A_94] : memref<10000x128xf32, #tpu.memory_space<hbm>> -> memref<10000x128xf32, #tpu.memory_space<hbm>>
      tpu.enqueue_indirect_dma source(%dma_start3A_95 : memref<10000x128xf32, #tpu.memory_space<hbm>>) target(%arg12 : memref<80x128xf32, #tpu.memory_space<vmem>>) offsets(%arg9 : memref<80xi32, #tpu.memory_space<vmem>>) semaphore(%arg14 : memref<!tpu.dma_semaphore, #tpu.memory_space<semaphore_mem>>)
      %dma_wait3A_96 = arith.constant 0 : i32
      %dma_wait3A_97 = arith.constant 0 : i32
      %dma_wait3A_98 = tpu.memref_slice %arg2[%dma_wait3A_96, %dma_wait3A_97] : memref<10000x128xf32, #tpu.memory_space<hbm>> -> memref<10000x128xf32, #tpu.memory_space<hbm>>
      tpu.wait_indirect_dma semaphore(%arg13 : memref<!tpu.dma_semaphore, #tpu.memory_space<semaphore_mem>>) src(%dma_wait3A_98 : memref<10000x128xf32, #tpu.memory_space<hbm>>) dst(%arg11 : memref<80x128xf32, #tpu.memory_space<vmem>>)
      %dma_start3A_99 = arith.constant 0 : i32
      %dma_start3A_100 = arith.constant 0 : i32
      %dma_start3A_101 = tpu.memref_slice %arg17[%dma_start3A_99, %dma_start3A_100] : memref<10008x128xf32, #tpu.memory_space<vmem_shared>> -> memref<10008x128xf32, #tpu.memory_space<vmem_shared>>
      tpu.enqueue_indirect_dma source(%arg11 : memref<80x128xf32, #tpu.memory_space<vmem>>) target(%dma_start3A_101 : memref<10008x128xf32, #tpu.memory_space<vmem_shared>>) offsets(%arg8 : memref<80xi32, #tpu.memory_space<vmem>>) semaphore(%arg15 : memref<!tpu.dma_semaphore, #tpu.memory_space<semaphore_mem>>) {add = true}
    }
    %scan3A_25 = arith.constant 61 : i32
    %dma_wait3A_26 = arith.constant 0 : i32
    %dma_wait3A_27 = arith.constant 0 : i32
    %dma_wait3A_28 = tpu.memref_slice %arg17[%dma_wait3A_26, %dma_wait3A_27] : memref<10008x128xf32, #tpu.memory_space<vmem_shared>> -> memref<10008x128xf32, #tpu.memory_space<vmem_shared>>
    tpu.wait_indirect_dma semaphore(%arg15 : memref<!tpu.dma_semaphore, #tpu.memory_space<semaphore_mem>>) src(%arg11 : memref<80x128xf32, #tpu.memory_space<vmem>>) dst(%dma_wait3A_28 : memref<10008x128xf32, #tpu.memory_space<vmem_shared>>)
    %mul3A_29 = arith.constant 10000 : i32
    %mul3A_30 = arith.muli %add3A, %mul3A_29 : i32
    %add3A_31 = arith.constant 9920 : i32
    %add3A_32 = arith.addi %mul3A_30, %add3A_31 : i32
    "tpu.region"() ({
      %run_scoped3A = tpu.sem_alloc : memref<!tpu.dma_semaphore, #tpu.memory_space<semaphore_mem>>
      %dma_start3A_55 = tpu.memref_slice %arg3[%add3A_32] : memref<320000xi32, #tpu.memory_space<hbm>> -> memref<80xi32, #tpu.memory_space<hbm>>
      %dma_start3A_56 = tpu.memref_slice %arg3[%add3A_32] : memref<320000xi32, #tpu.memory_space<hbm>> -> memref<80xi32, #tpu.memory_space<hbm>>
      tpu.enqueue_dma source(%dma_start3A_56 : memref<80xi32, #tpu.memory_space<hbm>>) target(%arg7 : memref<80xi32, #tpu.memory_space<vmem>>) target_semaphore(%run_scoped3A : memref<!tpu.dma_semaphore, #tpu.memory_space<semaphore_mem>>)
      %dma_wait3A_57 = tpu.memref_slice %arg3[%add3A_32] : memref<320000xi32, #tpu.memory_space<hbm>> -> memref<80xi32, #tpu.memory_space<hbm>>
      %dma_wait3A_58 = tpu.memref_slice %arg3[%add3A_32] : memref<320000xi32, #tpu.memory_space<hbm>> -> memref<80xi32, #tpu.memory_space<hbm>>
      tpu.wait_dma2 semaphore(%run_scoped3A : memref<!tpu.dma_semaphore, #tpu.memory_space<semaphore_mem>>) src(%dma_wait3A_58 : memref<80xi32, #tpu.memory_space<hbm>>) dst(%arg7 : memref<80xi32, #tpu.memory_space<vmem>>)
      tpu.yield
    }) : () -> ()
    "tpu.region"() ({
      %run_scoped3A = tpu.sem_alloc : memref<!tpu.dma_semaphore, #tpu.memory_space<semaphore_mem>>
      %dma_start3A_55 = tpu.memref_slice %arg4[%add3A_32] : memref<320000xi32, #tpu.memory_space<hbm>> -> memref<80xi32, #tpu.memory_space<hbm>>
      %dma_start3A_56 = tpu.memref_slice %arg4[%add3A_32] : memref<320000xi32, #tpu.memory_space<hbm>> -> memref<80xi32, #tpu.memory_space<hbm>>
      tpu.enqueue_dma source(%dma_start3A_56 : memref<80xi32, #tpu.memory_space<hbm>>) target(%arg8 : memref<80xi32, #tpu.memory_space<vmem>>) target_semaphore(%run_scoped3A : memref<!tpu.dma_semaphore, #tpu.memory_space<semaphore_mem>>)
      %dma_wait3A_57 = tpu.memref_slice %arg4[%add3A_32] : memref<320000xi32, #tpu.memory_space<hbm>> -> memref<80xi32, #tpu.memory_space<hbm>>
      %dma_wait3A_58 = tpu.memref_slice %arg4[%add3A_32] : memref<320000xi32, #tpu.memory_space<hbm>> -> memref<80xi32, #tpu.memory_space<hbm>>
      tpu.wait_dma2 semaphore(%run_scoped3A : memref<!tpu.dma_semaphore, #tpu.memory_space<semaphore_mem>>) src(%dma_wait3A_58 : memref<80xi32, #tpu.memory_space<hbm>>) dst(%arg8 : memref<80xi32, #tpu.memory_space<vmem>>)
      tpu.yield
    }) : () -> ()
    %dma_start3A_33 = arith.constant 0 : i32
    %dma_start3A_34 = arith.constant 0 : i32
    %dma_start3A_35 = tpu.memref_slice %arg2[%dma_start3A_33, %dma_start3A_34] : memref<10000x128xf32, #tpu.memory_space<hbm>> -> memref<10000x128xf32, #tpu.memory_space<hbm>>
    tpu.enqueue_indirect_dma source(%dma_start3A_35 : memref<10000x128xf32, #tpu.memory_space<hbm>>) target(%arg11 : memref<80x128xf32, #tpu.memory_space<vmem>>) offsets(%arg7 : memref<80xi32, #tpu.memory_space<vmem>>) semaphore(%arg13 : memref<!tpu.dma_semaphore, #tpu.memory_space<semaphore_mem>>)
    %dma_wait3A_36 = arith.constant 0 : i32
    %dma_wait3A_37 = arith.constant 0 : i32
    %dma_wait3A_38 = tpu.memref_slice %arg2[%dma_wait3A_36, %dma_wait3A_37] : memref<10000x128xf32, #tpu.memory_space<hbm>> -> memref<10000x128xf32, #tpu.memory_space<hbm>>
    tpu.wait_indirect_dma semaphore(%arg14 : memref<!tpu.dma_semaphore, #tpu.memory_space<semaphore_mem>>) src(%dma_wait3A_38 : memref<10000x128xf32, #tpu.memory_space<hbm>>) dst(%arg12 : memref<80x128xf32, #tpu.memory_space<vmem>>)
    %dma_start3A_39 = arith.constant 0 : i32
    %dma_start3A_40 = arith.constant 0 : i32
    %dma_start3A_41 = tpu.memref_slice %arg17[%dma_start3A_39, %dma_start3A_40] : memref<10008x128xf32, #tpu.memory_space<vmem_shared>> -> memref<10008x128xf32, #tpu.memory_space<vmem_shared>>
    tpu.enqueue_indirect_dma source(%arg12 : memref<80x128xf32, #tpu.memory_space<vmem>>) target(%dma_start3A_41 : memref<10008x128xf32, #tpu.memory_space<vmem_shared>>) offsets(%arg10 : memref<80xi32, #tpu.memory_space<vmem>>) semaphore(%arg16 : memref<!tpu.dma_semaphore, #tpu.memory_space<semaphore_mem>>) {add = true}
    %dma_wait3A_42 = arith.constant 0 : i32
    %dma_wait3A_43 = arith.constant 0 : i32
    %dma_wait3A_44 = tpu.memref_slice %arg17[%dma_wait3A_42, %dma_wait3A_43] : memref<10008x128xf32, #tpu.memory_space<vmem_shared>> -> memref<10008x128xf32, #tpu.memory_space<vmem_shared>>
    tpu.wait_indirect_dma semaphore(%arg16 : memref<!tpu.dma_semaphore, #tpu.memory_space<semaphore_mem>>) src(%arg12 : memref<80x128xf32, #tpu.memory_space<vmem>>) dst(%dma_wait3A_44 : memref<10008x128xf32, #tpu.memory_space<vmem_shared>>)
    %dma_wait3A_45 = arith.constant 0 : i32
    %dma_wait3A_46 = arith.constant 0 : i32
    %dma_wait3A_47 = tpu.memref_slice %arg2[%dma_wait3A_45, %dma_wait3A_46] : memref<10000x128xf32, #tpu.memory_space<hbm>> -> memref<10000x128xf32, #tpu.memory_space<hbm>>
    tpu.wait_indirect_dma semaphore(%arg13 : memref<!tpu.dma_semaphore, #tpu.memory_space<semaphore_mem>>) src(%dma_wait3A_47 : memref<10000x128xf32, #tpu.memory_space<hbm>>) dst(%arg11 : memref<80x128xf32, #tpu.memory_space<vmem>>)
    %dma_start3A_48 = arith.constant 0 : i32
    %dma_start3A_49 = arith.constant 0 : i32
    %dma_start3A_50 = tpu.memref_slice %arg17[%dma_start3A_48, %dma_start3A_49] : memref<10008x128xf32, #tpu.memory_space<vmem_shared>> -> memref<10008x128xf32, #tpu.memory_space<vmem_shared>>
    tpu.enqueue_indirect_dma source(%arg11 : memref<80x128xf32, #tpu.memory_space<vmem>>) target(%dma_start3A_50 : memref<10008x128xf32, #tpu.memory_space<vmem_shared>>) offsets(%arg8 : memref<80xi32, #tpu.memory_space<vmem>>) semaphore(%arg15 : memref<!tpu.dma_semaphore, #tpu.memory_space<semaphore_mem>>) {add = true}
    %dma_wait3A_51 = arith.constant 0 : i32
    %dma_wait3A_52 = arith.constant 0 : i32
    %dma_wait3A_53 = tpu.memref_slice %arg17[%dma_wait3A_51, %dma_wait3A_52] : memref<10008x128xf32, #tpu.memory_space<vmem_shared>> -> memref<10008x128xf32, #tpu.memory_space<vmem_shared>>
    tpu.wait_indirect_dma semaphore(%arg15 : memref<!tpu.dma_semaphore, #tpu.memory_space<semaphore_mem>>) src(%arg11 : memref<80x128xf32, #tpu.memory_space<vmem>>) dst(%dma_wait3A_53 : memref<10008x128xf32, #tpu.memory_space<vmem_shared>>)
    %barrier3A_54 = arith.constant 0 : index
    tpu.barrier barrier_id(%barrier3A_54)
    "tpu.region"() ({
      %run_scoped3A = tpu.sem_alloc : memref<!tpu.dma_semaphore, #tpu.memory_space<semaphore_mem>>
      %dma_start3A_55 = arith.constant 0 : i32
      %dma_start3A_56 = tpu.memref_slice %arg6[%arg0, %mul3A_2, %dma_start3A_55] : memref<2x10000x128xf32, #tpu.memory_space<hbm>> -> memref<1x640x128xf32, #tpu.memory_space<hbm>>
      %dma_start3A_57 = tpu.memref_squeeze %dma_start3A_56 : memref<1x640x128xf32, #tpu.memory_space<hbm>> -> memref<640x128xf32, #tpu.memory_space<hbm>>
      %dma_start3A_58 = arith.constant 0 : i32
      %dma_start3A_59 = tpu.memref_slice %arg17[%mul3A_2, %dma_start3A_58] : memref<10008x128xf32, #tpu.memory_space<vmem_shared>> -> memref<640x128xf32, #tpu.memory_space<vmem_shared>>
      tpu.enqueue_dma source(%dma_start3A_59 : memref<640x128xf32, #tpu.memory_space<vmem_shared>>) target(%dma_start3A_57 : memref<640x128xf32, #tpu.memory_space<hbm>>) target_semaphore(%run_scoped3A : memref<!tpu.dma_semaphore, #tpu.memory_space<semaphore_mem>>)
      %dma_wait3A_60 = arith.constant 0 : i32
      %dma_wait3A_61 = tpu.memref_slice %arg6[%arg0, %mul3A_2, %dma_wait3A_60] : memref<2x10000x128xf32, #tpu.memory_space<hbm>> -> memref<1x640x128xf32, #tpu.memory_space<hbm>>
      %dma_wait3A_62 = tpu.memref_squeeze %dma_wait3A_61 : memref<1x640x128xf32, #tpu.memory_space<hbm>> -> memref<640x128xf32, #tpu.memory_space<hbm>>
      %dma_wait3A_63 = arith.constant 0 : i32
      %dma_wait3A_64 = tpu.memref_slice %arg17[%mul3A_2, %dma_wait3A_63] : memref<10008x128xf32, #tpu.memory_space<vmem_shared>> -> memref<640x128xf32, #tpu.memory_space<vmem_shared>>
      tpu.wait_dma2 semaphore(%run_scoped3A : memref<!tpu.dma_semaphore, #tpu.memory_space<semaphore_mem>>) src(%dma_wait3A_64 : memref<640x128xf32, #tpu.memory_space<vmem_shared>>) dst(%dma_wait3A_62 : memref<640x128xf32, #tpu.memory_space<hbm>>)
      tpu.yield
    }) : () -> ()
    return
  }
}

module attributes {stable_mosaic.version = 14 : i64} {
  func.func @_stage_a0_body(%arg0: i32, %arg1: memref<1000x128xf32, #tpu.memory_space<vmem>>, %arg2: memref<1000x64xf32, #tpu.memory_space<vmem>>, %arg3: memref<128x128xf32, #tpu.memory_space<vmem>>, %arg4: memref<1x128xf32, #tpu.memory_space<vmem>>, %arg5: memref<128x128xf32, #tpu.memory_space<vmem>>, %arg6: memref<128x128xf32, #tpu.memory_space<vmem>>, %arg7: memref<1x128xf32, #tpu.memory_space<vmem>>, %arg8: memref<64x128xf32, #tpu.memory_space<vmem>>, %arg9: memref<1000x128xf32, #tpu.memory_space<vmem>>, %arg10: memref<1x128xf32, #tpu.memory_space<vmem>>) attributes {dimension_semantics = [#tpu.dimension_semantics<arbitrary>], iteration_bounds = array<i64: 10>, scalar_prefetch = 0 : i64, scratch_operands = 0 : i64, tpu.core_type = #tpu.core_type<tc>, window_params = [{transform_indices = @transform_0, window_bounds = array<i64: 1000, 128>}, {transform_indices = @transform_1, window_bounds = array<i64: 1000, 64>}, {pipeline_mode = #tpu.pipeline_mode<synchronous>, transform_indices = @transform_2, window_bounds = array<i64: 128, 128>}, {pipeline_mode = #tpu.pipeline_mode<synchronous>, transform_indices = @transform_3, window_bounds = array<i64: 1, 128>}, {pipeline_mode = #tpu.pipeline_mode<synchronous>, transform_indices = @transform_4, window_bounds = array<i64: 128, 128>}, {pipeline_mode = #tpu.pipeline_mode<synchronous>, transform_indices = @transform_5, window_bounds = array<i64: 128, 128>}, {pipeline_mode = #tpu.pipeline_mode<synchronous>, transform_indices = @transform_6, window_bounds = array<i64: 1, 128>}, {pipeline_mode = #tpu.pipeline_mode<synchronous>, transform_indices = @transform_7, window_bounds = array<i64: 64, 128>}, {transform_indices = @transform_8, window_bounds = array<i64: 1000, 128>}, {pipeline_mode = #tpu.pipeline_mode<synchronous>, transform_indices = @transform_9, window_bounds = array<i64: 1, 128>}]} {
    %get3A = arith.constant 0 : index
    %get3A_0 = arith.constant 0 : index
    %get3A_1 = vector.load %arg1[%get3A, %get3A_0] : memref<1000x128xf32, #tpu.memory_space<vmem>>, vector<1000x128xf32>
    %get3A_2 = arith.constant 0 : index
    %get3A_3 = arith.constant 0 : index
    %get3A_4 = vector.load %arg3[%get3A_2, %get3A_3] : memref<128x128xf32, #tpu.memory_space<vmem>>, vector<128x128xf32>
    %dot_general3A = arith.constant dense<0.000000e+00> : vector<1000x128xf32>
    %dot_general3A_5 = tpu.matmul %get3A_1, %get3A_4, %dot_general3A {dimension_numbers = #tpu.dot_dimension_numbers<[1], [0], [0], [1], [0, 0, 1, 1], [], []>, transpose_lhs_hint = false} : vector<1000x128xf32>, vector<128x128xf32>, vector<1000x128xf32> -> vector<1000x128xf32>
    %get3A_6 = arith.constant 0 : index
    %get3A_7 = arith.constant 0 : index
    %get3A_8 = vector.load %arg4[%get3A_6, %get3A_7] : memref<1x128xf32, #tpu.memory_space<vmem>>, vector<1x128xf32>
    %add3A = vector.broadcast %get3A_8 : vector<1x128xf32> to vector<1000x128xf32>
    %add3A_9 = arith.addf %dot_general3A_5, %add3A : vector<1000x128xf32>
    %cos3A = math.cos %add3A_9 : vector<1000x128xf32>
    %get3A_10 = arith.constant 0 : index
    %get3A_11 = arith.constant 0 : index
    %get3A_12 = vector.load %arg5[%get3A_10, %get3A_11] : memref<128x128xf32, #tpu.memory_space<vmem>>, vector<128x128xf32>
    %dot_general3A_13 = arith.constant dense<0.000000e+00> : vector<1000x128xf32>
    %dot_general3A_14 = tpu.matmul %cos3A, %get3A_12, %dot_general3A_13 {dimension_numbers = #tpu.dot_dimension_numbers<[1], [0], [0], [1], [0, 0, 1, 1], [], []>, transpose_lhs_hint = false} : vector<1000x128xf32>, vector<128x128xf32>, vector<1000x128xf32> -> vector<1000x128xf32>
    %sin3A = math.sin %add3A_9 : vector<1000x128xf32>
    %get3A_15 = arith.constant 0 : index
    %get3A_16 = arith.constant 0 : index
    %get3A_17 = vector.load %arg6[%get3A_15, %get3A_16] : memref<128x128xf32, #tpu.memory_space<vmem>>, vector<128x128xf32>
    %dot_general3A_18 = arith.constant dense<0.000000e+00> : vector<1000x128xf32>
    %dot_general3A_19 = tpu.matmul %sin3A, %get3A_17, %dot_general3A_18 {dimension_numbers = #tpu.dot_dimension_numbers<[1], [0], [0], [1], [0, 0, 1, 1], [], []>, transpose_lhs_hint = false} : vector<1000x128xf32>, vector<128x128xf32>, vector<1000x128xf32> -> vector<1000x128xf32>
    %add3A_20 = arith.addf %dot_general3A_14, %dot_general3A_19 : vector<1000x128xf32>
    %get3A_21 = arith.constant 0 : index
    %get3A_22 = arith.constant 0 : index
    %get3A_23 = vector.load %arg7[%get3A_21, %get3A_22] : memref<1x128xf32, #tpu.memory_space<vmem>>, vector<1x128xf32>
    %add3A_24 = vector.broadcast %get3A_23 : vector<1x128xf32> to vector<1000x128xf32>
    %add3A_25 = arith.addf %add3A_20, %add3A_24 : vector<1000x128xf32>
    %get3A_26 = arith.constant 0 : index
    %get3A_27 = arith.constant 0 : index
    %get3A_28 = vector.load %arg2[%get3A_26, %get3A_27] : memref<1000x64xf32, #tpu.memory_space<vmem>>, vector<1000x64xf32>
    %get3A_29 = arith.constant 0 : index
    %get3A_30 = arith.constant 0 : index
    %get3A_31 = vector.load %arg8[%get3A_29, %get3A_30] : memref<64x128xf32, #tpu.memory_space<vmem>>, vector<64x128xf32>
    %dot_general3A_32 = arith.constant dense<0.000000e+00> : vector<1000x128xf32>
    %dot_general3A_33 = tpu.matmul %get3A_28, %get3A_31, %dot_general3A_32 {dimension_numbers = #tpu.dot_dimension_numbers<[1], [0], [0], [1], [0, 0, 1, 1], [], []>, transpose_lhs_hint = false} : vector<1000x64xf32>, vector<64x128xf32>, vector<1000x128xf32> -> vector<1000x128xf32>
    %add3A_34 = arith.addf %add3A_25, %dot_general3A_33 : vector<1000x128xf32>
    %swap3A = arith.constant 0 : index
    %swap3A_35 = arith.constant 0 : index
    %swap3A_36 = vector.load %arg9[%swap3A, %swap3A_35] : memref<1000x128xf32, #tpu.memory_space<vmem>>, vector<1000x128xf32>
    tpu.vector_store %arg9[%swap3A, %swap3A_35], %add3A_34 {strides = array<i32>} : memref<1000x128xf32, #tpu.memory_space<vmem>>, vector<1000x128xf32>,
    %eq3A = arith.constant 0 : i32
    %eq3A_37 = arith.cmpi eq, %arg0, %eq3A : i32
    %convert_element_type3A = arith.extui %eq3A_37 : i1 to i32
    %cond3A = arith.constant 0 : i32
    %cond3A_38 = arith.cmpi ne, %convert_element_type3A, %cond3A : i32
    scf.if %cond3A_38 {
      %broadcast_in_dim3A_47 = arith.constant 0.000000e+00 : f32
      %broadcast_in_dim3A_48 = vector.broadcast %broadcast_in_dim3A_47 : f32 to vector<1x128xf32>
      %swap3A_49 = arith.constant 0 : index
      %swap3A_50 = arith.constant 0 : index
      %swap3A_51 = vector.load %arg10[%swap3A_49, %swap3A_50] : memref<1x128xf32, #tpu.memory_space<vmem>>, vector<1x128xf32>
      tpu.vector_store %arg10[%swap3A_49, %swap3A_50], %broadcast_in_dim3A_48 {strides = array<i32>} : memref<1x128xf32, #tpu.memory_space<vmem>>, vector<1x128xf32>,
    } else {
    }
    %get3A_39 = arith.constant 0 : index
    %get3A_40 = arith.constant 0 : index
    %get3A_41 = vector.load %arg10[%get3A_39, %get3A_40] : memref<1x128xf32, #tpu.memory_space<vmem>>, vector<1x128xf32>
    %reduce_sum3A = arith.constant dense<0.000000e+00> : vector<128xf32>
    %reduce_sum3A_42 = vector.multi_reduction <add>, %add3A_34, %reduce_sum3A [0] : vector<1000x128xf32> to vector<128xf32>
    %broadcast_in_dim3A = vector.shape_cast %reduce_sum3A_42 : vector<128xf32> to vector<1x128xf32>
    %add3A_43 = arith.addf %get3A_41, %broadcast_in_dim3A : vector<1x128xf32>
    %swap3A_44 = arith.constant 0 : index
    %swap3A_45 = arith.constant 0 : index
    %swap3A_46 = vector.load %arg10[%swap3A_44, %swap3A_45] : memref<1x128xf32, #tpu.memory_space<vmem>>, vector<1x128xf32>
    tpu.vector_store %arg10[%swap3A_44, %swap3A_45], %add3A_43 {strides = array<i32>} : memref<1x128xf32, #tpu.memory_space<vmem>>, vector<1x128xf32>,
    return
  }
  func.func @transform_0(%arg0: i32) -> (i32, i32) {
    %c0_i32 = arith.constant 0 : i32
    %c0_i32_0 = arith.constant 0 : i32
    return %arg0, %c0_i32 : i32, i32
  }
  func.func @transform_1(%arg0: i32) -> (i32, i32) {
    %c0_i32 = arith.constant 0 : i32
    %c0_i32_0 = arith.constant 0 : i32
    return %arg0, %c0_i32 : i32, i32
  }
  func.func @transform_2(%arg0: i32) -> (i32, i32) {
    %c0_i32 = arith.constant 0 : i32
    %c0_i32_0 = arith.constant 0 : i32
    %c0_i32_1 = arith.constant 0 : i32
    return %c0_i32, %c0_i32_0 : i32, i32
  }
  func.func @transform_3(%arg0: i32) -> (i32, i32) {
    %c0_i32 = arith.constant 0 : i32
    %c0_i32_0 = arith.constant 0 : i32
    %c0_i32_1 = arith.constant 0 : i32
    return %c0_i32, %c0_i32_0 : i32, i32
  }
  func.func @transform_4(%arg0: i32) -> (i32, i32) {
    %c0_i32 = arith.constant 0 : i32
    %c0_i32_0 = arith.constant 0 : i32
    %c0_i32_1 = arith.constant 0 : i32
    return %c0_i32, %c0_i32_0 : i32, i32
  }
  func.func @transform_5(%arg0: i32) -> (i32, i32) {
    %c0_i32 = arith.constant 0 : i32
    %c0_i32_0 = arith.constant 0 : i32
    %c0_i32_1 = arith.constant 0 : i32
    return %c0_i32, %c0_i32_0 : i32, i32
  }
  func.func @transform_6(%arg0: i32) -> (i32, i32) {
    %c0_i32 = arith.constant 0 : i32
    %c0_i32_0 = arith.constant 0 : i32
    %c0_i32_1 = arith.constant 0 : i32
    return %c0_i32, %c0_i32_0 : i32, i32
  }
  func.func @transform_7(%arg0: i32) -> (i32, i32) {
    %c0_i32 = arith.constant 0 : i32
    %c0_i32_0 = arith.constant 0 : i32
    %c0_i32_1 = arith.constant 0 : i32
    return %c0_i32, %c0_i32_0 : i32, i32
  }
  func.func @transform_8(%arg0: i32) -> (i32, i32) {
    %c0_i32 = arith.constant 0 : i32
    %c0_i32_0 = arith.constant 0 : i32
    return %arg0, %c0_i32 : i32, i32
  }
  func.func @transform_9(%arg0: i32) -> (i32, i32) {
    %c0_i32 = arith.constant 0 : i32
    %c0_i32_0 = arith.constant 0 : i32
    %c0_i32_1 = arith.constant 0 : i32
    return %c0_i32, %c0_i32_0 : i32, i32
  }
}

module attributes {stable_mosaic.version = 14 : i64} {
  func.func @_stage_ba_body(%arg0: i32, %arg1: memref<1000x128xf32, #tpu.memory_space<vmem>>, %arg2: memref<1000x128xf32, #tpu.memory_space<vmem>>, %arg3: memref<1000x128xf32, #tpu.memory_space<vmem>>, %arg4: memref<1000x1xf32, #tpu.memory_space<vmem>>, %arg5: memref<1000x1xf32, #tpu.memory_space<vmem>>, %arg6: memref<1x128xf32, #tpu.memory_space<vmem>>, %arg7: memref<128x128xf32, #tpu.memory_space<vmem>>, %arg8: memref<1x128xf32, #tpu.memory_space<vmem>>, %arg9: memref<128x128xf32, #tpu.memory_space<vmem>>, %arg10: memref<1000x64xf32, #tpu.memory_space<vmem>>, %arg11: memref<128x128xf32, #tpu.memory_space<vmem>>, %arg12: memref<128x128xf32, #tpu.memory_space<vmem>>, %arg13: memref<1x128xf32, #tpu.memory_space<vmem>>, %arg14: memref<64x128xf32, #tpu.memory_space<vmem>>, %arg15: memref<1000x128xf32, #tpu.memory_space<vmem>>, %arg16: memref<1x128xf32, #tpu.memory_space<vmem>>) attributes {dimension_semantics = [#tpu.dimension_semantics<arbitrary>], iteration_bounds = array<i64: 10>, scalar_prefetch = 0 : i64, scratch_operands = 0 : i64, tpu.core_type = #tpu.core_type<tc>, window_params = [{transform_indices = @transform_0, window_bounds = array<i64: 1000, 128>}, {transform_indices = @transform_1, window_bounds = array<i64: 1000, 128>}, {transform_indices = @transform_2, window_bounds = array<i64: 1000, 128>}, {transform_indices = @transform_3, window_bounds = array<i64: 1000, 1>}, {transform_indices = @transform_4, window_bounds = array<i64: 1000, 1>}, {pipeline_mode = #tpu.pipeline_mode<synchronous>, transform_indices = @transform_5, window_bounds = array<i64: 1, 128>}, {pipeline_mode = #tpu.pipeline_mode<synchronous>, transform_indices = @transform_6, window_bounds = array<i64: 128, 128>}, {pipeline_mode = #tpu.pipeline_mode<synchronous>, transform_indices = @transform_7, window_bounds = array<i64: 1, 128>}, {pipeline_mode = #tpu.pipeline_mode<synchronous>, transform_indices = @transform_8, window_bounds = array<i64: 128, 128>}, {transform_indices = @transform_9, window_bounds = array<i64: 1000, 64>}, {pipeline_mode = #tpu.pipeline_mode<synchronous>, transform_indices = @transform_10, window_bounds = array<i64: 128, 128>}, {pipeline_mode = #tpu.pipeline_mode<synchronous>, transform_indices = @transform_11, window_bounds = array<i64: 128, 128>}, {pipeline_mode = #tpu.pipeline_mode<synchronous>, transform_indices = @transform_12, window_bounds = array<i64: 1, 128>}, {pipeline_mode = #tpu.pipeline_mode<synchronous>, transform_indices = @transform_13, window_bounds = array<i64: 64, 128>}, {transform_indices = @transform_14, window_bounds = array<i64: 1000, 128>}, {pipeline_mode = #tpu.pipeline_mode<synchronous>, transform_indices = @transform_15, window_bounds = array<i64: 1, 128>}]} {
    %get3A = arith.constant 0 : index
    %get3A_0 = arith.constant 0 : index
    %get3A_1 = vector.load %arg4[%get3A, %get3A_0] : memref<1000x1xf32, #tpu.memory_space<vmem>>, vector<1000x1xf32>
    %get3A_2 = arith.constant 0 : index
    %get3A_3 = arith.constant 0 : index
    %get3A_4 = vector.load %arg5[%get3A_2, %get3A_3] : memref<1000x1xf32, #tpu.memory_space<vmem>>, vector<1000x1xf32>
    %add3A = arith.addf %get3A_1, %get3A_4 : vector<1000x1xf32>
    %max3A = arith.constant 1.000000e+00 : f32
    %max3A_5 = vector.broadcast %max3A : f32 to vector<1000x1xf32>
    %max3A_6 = arith.maximumf %add3A, %max3A_5 : vector<1000x1xf32>
    %get3A_7 = arith.constant 0 : index
    %get3A_8 = arith.constant 0 : index
    %get3A_9 = vector.load %arg2[%get3A_7, %get3A_8] : memref<1000x128xf32, #tpu.memory_space<vmem>>, vector<1000x128xf32>
    %get3A_10 = arith.constant 0 : index
    %get3A_11 = arith.constant 0 : index
    %get3A_12 = vector.load %arg3[%get3A_10, %get3A_11] : memref<1000x128xf32, #tpu.memory_space<vmem>>, vector<1000x128xf32>
    %add3A_13 = arith.addf %get3A_9, %get3A_12 : vector<1000x128xf32>
    %div3A = vector.broadcast %max3A_6 : vector<1000x1xf32> to vector<1000x128xf32>
    %div3A_14 = arith.divf %add3A_13, %div3A : vector<1000x128xf32>
    %get3A_15 = arith.constant 0 : index
    %get3A_16 = arith.constant 0 : index
    %get3A_17 = vector.load %arg7[%get3A_15, %get3A_16] : memref<128x128xf32, #tpu.memory_space<vmem>>, vector<128x128xf32>
    %dot_general3A = arith.constant dense<0.000000e+00> : vector<1000x128xf32>
    %dot_general3A_18 = tpu.matmul %div3A_14, %get3A_17, %dot_general3A {dimension_numbers = #tpu.dot_dimension_numbers<[1], [0], [0], [1], [0, 0, 1, 1], [], []>, transpose_lhs_hint = false} : vector<1000x128xf32>, vector<128x128xf32>, vector<1000x128xf32> -> vector<1000x128xf32>
    %get3A_19 = arith.constant 0 : index
    %get3A_20 = arith.constant 0 : index
    %get3A_21 = vector.load %arg8[%get3A_19, %get3A_20] : memref<1x128xf32, #tpu.memory_space<vmem>>, vector<1x128xf32>
    %add3A_22 = vector.broadcast %get3A_21 : vector<1x128xf32> to vector<1000x128xf32>
    %add3A_23 = arith.addf %dot_general3A_18, %add3A_22 : vector<1000x128xf32>
    %get3A_24 = arith.constant 0 : index
    %get3A_25 = arith.constant 0 : index
    %get3A_26 = vector.load %arg6[%get3A_24, %get3A_25] : memref<1x128xf32, #tpu.memory_space<vmem>>, vector<1x128xf32>
    %mul3A = arith.constant 9.99999974E-5 : f32
    %mul3A_27 = vector.broadcast %mul3A : f32 to vector<1x128xf32>
    %mul3A_28 = arith.mulf %get3A_26, %mul3A_27 : vector<1x128xf32>
    %get3A_29 = arith.constant 0 : index
    %get3A_30 = arith.constant 0 : index
    %get3A_31 = vector.load %arg9[%get3A_29, %get3A_30] : memref<128x128xf32, #tpu.memory_space<vmem>>, vector<128x128xf32>
    %dot_general3A_32 = arith.constant dense<0.000000e+00> : vector<1x128xf32>
    %dot_general3A_33 = tpu.matmul %mul3A_28, %get3A_31, %dot_general3A_32 {dimension_numbers = #tpu.dot_dimension_numbers<[1], [0], [0], [1], [0, 0, 1, 1], [], []>, transpose_lhs_hint = false} : vector<1x128xf32>, vector<128x128xf32>, vector<1x128xf32> -> vector<1x128xf32>
    %get3A_34 = arith.constant 0 : index
    %get3A_35 = arith.constant 0 : index
    %get3A_36 = vector.load %arg1[%get3A_34, %get3A_35] : memref<1000x128xf32, #tpu.memory_space<vmem>>, vector<1000x128xf32>
    %add3A_37 = arith.addf %get3A_36, %add3A_23 : vector<1000x128xf32>
    %add3A_38 = vector.broadcast %dot_general3A_33 : vector<1x128xf32> to vector<1000x128xf32>
    %add3A_39 = arith.addf %add3A_37, %add3A_38 : vector<1000x128xf32>
    %max3A_40 = arith.constant 0.000000e+00 : f32
    %max3A_41 = vector.broadcast %max3A_40 : f32 to vector<1000x128xf32>
    %max3A_42 = arith.maximumf %add3A_39, %max3A_41 : vector<1000x128xf32>
    %cos3A = math.cos %max3A_42 : vector<1000x128xf32>
    %get3A_43 = arith.constant 0 : index
    %get3A_44 = arith.constant 0 : index
    %get3A_45 = vector.load %arg11[%get3A_43, %get3A_44] : memref<128x128xf32, #tpu.memory_space<vmem>>, vector<128x128xf32>
    %dot_general3A_46 = arith.constant dense<0.000000e+00> : vector<1000x128xf32>
    %dot_general3A_47 = tpu.matmul %cos3A, %get3A_45, %dot_general3A_46 {dimension_numbers = #tpu.dot_dimension_numbers<[1], [0], [0], [1], [0, 0, 1, 1], [], []>, transpose_lhs_hint = false} : vector<1000x128xf32>, vector<128x128xf32>, vector<1000x128xf32> -> vector<1000x128xf32>
    %sin3A = math.sin %max3A_42 : vector<1000x128xf32>
    %get3A_48 = arith.constant 0 : index
    %get3A_49 = arith.constant 0 : index
    %get3A_50 = vector.load %arg12[%get3A_48, %get3A_49] : memref<128x128xf32, #tpu.memory_space<vmem>>, vector<128x128xf32>
    %dot_general3A_51 = arith.constant dense<0.000000e+00> : vector<1000x128xf32>
    %dot_general3A_52 = tpu.matmul %sin3A, %get3A_50, %dot_general3A_51 {dimension_numbers = #tpu.dot_dimension_numbers<[1], [0], [0], [1], [0, 0, 1, 1], [], []>, transpose_lhs_hint = false} : vector<1000x128xf32>, vector<128x128xf32>, vector<1000x128xf32> -> vector<1000x128xf32>
    %add3A_53 = arith.addf %dot_general3A_47, %dot_general3A_52 : vector<1000x128xf32>
    %get3A_54 = arith.constant 0 : index
    %get3A_55 = arith.constant 0 : index
    %get3A_56 = vector.load %arg13[%get3A_54, %get3A_55] : memref<1x128xf32, #tpu.memory_space<vmem>>, vector<1x128xf32>
    %add3A_57 = vector.broadcast %get3A_56 : vector<1x128xf32> to vector<1000x128xf32>
    %add3A_58 = arith.addf %add3A_53, %add3A_57 : vector<1000x128xf32>
    %get3A_59 = arith.constant 0 : index
    %get3A_60 = arith.constant 0 : index
    %get3A_61 = vector.load %arg10[%get3A_59, %get3A_60] : memref<1000x64xf32, #tpu.memory_space<vmem>>, vector<1000x64xf32>
    %get3A_62 = arith.constant 0 : index
    %get3A_63 = arith.constant 0 : index
    %get3A_64 = vector.load %arg14[%get3A_62, %get3A_63] : memref<64x128xf32, #tpu.memory_space<vmem>>, vector<64x128xf32>
    %dot_general3A_65 = arith.constant dense<0.000000e+00> : vector<1000x128xf32>
    %dot_general3A_66 = tpu.matmul %get3A_61, %get3A_64, %dot_general3A_65 {dimension_numbers = #tpu.dot_dimension_numbers<[1], [0], [0], [1], [0, 0, 1, 1], [], []>, transpose_lhs_hint = false} : vector<1000x64xf32>, vector<64x128xf32>, vector<1000x128xf32> -> vector<1000x128xf32>
    %add3A_67 = arith.addf %add3A_58, %dot_general3A_66 : vector<1000x128xf32>
    %swap3A = arith.constant 0 : index
    %swap3A_68 = arith.constant 0 : index
    %swap3A_69 = vector.load %arg15[%swap3A, %swap3A_68] : memref<1000x128xf32, #tpu.memory_space<vmem>>, vector<1000x128xf32>
    tpu.vector_store %arg15[%swap3A, %swap3A_68], %add3A_67 {strides = array<i32>} : memref<1000x128xf32, #tpu.memory_space<vmem>>, vector<1000x128xf32>,
    %eq3A = arith.constant 0 : i32
    %eq3A_70 = arith.cmpi eq, %arg0, %eq3A : i32
    %convert_element_type3A = arith.extui %eq3A_70 : i1 to i32
    %cond3A = arith.constant 0 : i32
    %cond3A_71 = arith.cmpi ne, %convert_element_type3A, %cond3A : i32
    scf.if %cond3A_71 {
      %broadcast_in_dim3A_80 = arith.constant 0.000000e+00 : f32
      %broadcast_in_dim3A_81 = vector.broadcast %broadcast_in_dim3A_80 : f32 to vector<1x128xf32>
      %swap3A_82 = arith.constant 0 : index
      %swap3A_83 = arith.constant 0 : index
      %swap3A_84 = vector.load %arg16[%swap3A_82, %swap3A_83] : memref<1x128xf32, #tpu.memory_space<vmem>>, vector<1x128xf32>
      tpu.vector_store %arg16[%swap3A_82, %swap3A_83], %broadcast_in_dim3A_81 {strides = array<i32>} : memref<1x128xf32, #tpu.memory_space<vmem>>, vector<1x128xf32>,
    } else {
    }
    %get3A_72 = arith.constant 0 : index
    %get3A_73 = arith.constant 0 : index
    %get3A_74 = vector.load %arg16[%get3A_72, %get3A_73] : memref<1x128xf32, #tpu.memory_space<vmem>>, vector<1x128xf32>
    %reduce_sum3A = arith.constant dense<0.000000e+00> : vector<128xf32>
    %reduce_sum3A_75 = vector.multi_reduction <add>, %add3A_67, %reduce_sum3A [0] : vector<1000x128xf32> to vector<128xf32>
    %broadcast_in_dim3A = vector.shape_cast %reduce_sum3A_75 : vector<128xf32> to vector<1x128xf32>
    %add3A_76 = arith.addf %get3A_74, %broadcast_in_dim3A : vector<1x128xf32>
    %swap3A_77 = arith.constant 0 : index
    %swap3A_78 = arith.constant 0 : index
    %swap3A_79 = vector.load %arg16[%swap3A_77, %swap3A_78] : memref<1x128xf32, #tpu.memory_space<vmem>>, vector<1x128xf32>
    tpu.vector_store %arg16[%swap3A_77, %swap3A_78], %add3A_76 {strides = array<i32>} : memref<1x128xf32, #tpu.memory_space<vmem>>, vector<1x128xf32>,
    return
  }
  func.func @transform_0(%arg0: i32) -> (i32, i32) {
    %c0_i32 = arith.constant 0 : i32
    %c0_i32_0 = arith.constant 0 : i32
    return %arg0, %c0_i32 : i32, i32
  }
  func.func @transform_1(%arg0: i32) -> (i32, i32) {
    %c0_i32 = arith.constant 0 : i32
    %c0_i32_0 = arith.constant 0 : i32
    return %arg0, %c0_i32 : i32, i32
  }
  func.func @transform_2(%arg0: i32) -> (i32, i32) {
    %c0_i32 = arith.constant 0 : i32
    %c0_i32_0 = arith.constant 0 : i32
    return %arg0, %c0_i32 : i32, i32
  }
  func.func @transform_3(%arg0: i32) -> (i32, i32) {
    %c0_i32 = arith.constant 0 : i32
    %c0_i32_0 = arith.constant 0 : i32
    return %arg0, %c0_i32 : i32, i32
  }
  func.func @transform_4(%arg0: i32) -> (i32, i32) {
    %c0_i32 = arith.constant 0 : i32
    %c0_i32_0 = arith.constant 0 : i32
    return %arg0, %c0_i32 : i32, i32
  }
  func.func @transform_5(%arg0: i32) -> (i32, i32) {
    %c0_i32 = arith.constant 0 : i32
    %c0_i32_0 = arith.constant 0 : i32
    %c0_i32_1 = arith.constant 0 : i32
    return %c0_i32, %c0_i32_0 : i32, i32
  }
  func.func @transform_6(%arg0: i32) -> (i32, i32) {
    %c0_i32 = arith.constant 0 : i32
    %c0_i32_0 = arith.constant 0 : i32
    %c0_i32_1 = arith.constant 0 : i32
    return %c0_i32, %c0_i32_0 : i32, i32
  }
  func.func @transform_7(%arg0: i32) -> (i32, i32) {
    %c0_i32 = arith.constant 0 : i32
    %c0_i32_0 = arith.constant 0 : i32
    %c0_i32_1 = arith.constant 0 : i32
    return %c0_i32, %c0_i32_0 : i32, i32
  }
  func.func @transform_8(%arg0: i32) -> (i32, i32) {
    %c0_i32 = arith.constant 0 : i32
    %c0_i32_0 = arith.constant 0 : i32
    %c0_i32_1 = arith.constant 0 : i32
    return %c0_i32, %c0_i32_0 : i32, i32
  }
  func.func @transform_9(%arg0: i32) -> (i32, i32) {
    %c0_i32 = arith.constant 0 : i32
    %c0_i32_0 = arith.constant 0 : i32
    return %arg0, %c0_i32 : i32, i32
  }
  func.func @transform_10(%arg0: i32) -> (i32, i32) {
    %c0_i32 = arith.constant 0 : i32
    %c0_i32_0 = arith.constant 0 : i32
    %c0_i32_1 = arith.constant 0 : i32
    return %c0_i32, %c0_i32_0 : i32, i32
  }
  func.func @transform_11(%arg0: i32) -> (i32, i32) {
    %c0_i32 = arith.constant 0 : i32
    %c0_i32_0 = arith.constant 0 : i32
    %c0_i32_1 = arith.constant 0 : i32
    return %c0_i32, %c0_i32_0 : i32, i32
  }
  func.func @transform_12(%arg0: i32) -> (i32, i32) {
    %c0_i32 = arith.constant 0 : i32
    %c0_i32_0 = arith.constant 0 : i32
    %c0_i32_1 = arith.constant 0 : i32
    return %c0_i32, %c0_i32_0 : i32, i32
  }
  func.func @transform_13(%arg0: i32) -> (i32, i32) {
    %c0_i32 = arith.constant 0 : i32
    %c0_i32_0 = arith.constant 0 : i32
    %c0_i32_1 = arith.constant 0 : i32
    return %c0_i32, %c0_i32_0 : i32, i32
  }
  func.func @transform_14(%arg0: i32) -> (i32, i32) {
    %c0_i32 = arith.constant 0 : i32
    %c0_i32_0 = arith.constant 0 : i32
    return %arg0, %c0_i32 : i32, i32
  }
  func.func @transform_15(%arg0: i32) -> (i32, i32) {
    %c0_i32 = arith.constant 0 : i32
    %c0_i32_0 = arith.constant 0 : i32
    %c0_i32_1 = arith.constant 0 : i32
    return %c0_i32, %c0_i32_0 : i32, i32
  }
}

module attributes {stable_mosaic.version = 14 : i64} {
  func.func @_stage_bf_body(%arg0: i32, %arg1: memref<1000x128xf32, #tpu.memory_space<vmem>>, %arg2: memref<1000x128xf32, #tpu.memory_space<vmem>>, %arg3: memref<1000x128xf32, #tpu.memory_space<vmem>>, %arg4: memref<1000x1xf32, #tpu.memory_space<vmem>>, %arg5: memref<1000x1xf32, #tpu.memory_space<vmem>>, %arg6: memref<1x128xf32, #tpu.memory_space<vmem>>, %arg7: memref<128x128xf32, #tpu.memory_space<vmem>>, %arg8: memref<1x128xf32, #tpu.memory_space<vmem>>, %arg9: memref<128x128xf32, #tpu.memory_space<vmem>>, %arg10: memref<128x128xf32, #tpu.memory_space<vmem>>, %arg11: memref<1x128xf32, #tpu.memory_space<vmem>>, %arg12: memref<1000x128xf32, #tpu.memory_space<vmem>>) attributes {dimension_semantics = [#tpu.dimension_semantics<arbitrary>], iteration_bounds = array<i64: 10>, scalar_prefetch = 0 : i64, scratch_operands = 0 : i64, tpu.core_type = #tpu.core_type<tc>, window_params = [{transform_indices = @transform_0, window_bounds = array<i64: 1000, 128>}, {transform_indices = @transform_1, window_bounds = array<i64: 1000, 128>}, {transform_indices = @transform_2, window_bounds = array<i64: 1000, 128>}, {transform_indices = @transform_3, window_bounds = array<i64: 1000, 1>}, {transform_indices = @transform_4, window_bounds = array<i64: 1000, 1>}, {pipeline_mode = #tpu.pipeline_mode<synchronous>, transform_indices = @transform_5, window_bounds = array<i64: 1, 128>}, {pipeline_mode = #tpu.pipeline_mode<synchronous>, transform_indices = @transform_6, window_bounds = array<i64: 128, 128>}, {pipeline_mode = #tpu.pipeline_mode<synchronous>, transform_indices = @transform_7, window_bounds = array<i64: 1, 128>}, {pipeline_mode = #tpu.pipeline_mode<synchronous>, transform_indices = @transform_8, window_bounds = array<i64: 128, 128>}, {pipeline_mode = #tpu.pipeline_mode<synchronous>, transform_indices = @transform_9, window_bounds = array<i64: 128, 128>}, {pipeline_mode = #tpu.pipeline_mode<synchronous>, transform_indices = @transform_10, window_bounds = array<i64: 1, 128>}, {transform_indices = @transform_11, window_bounds = array<i64: 1000, 128>}]} {
    %get3A = arith.constant 0 : index
    %get3A_0 = arith.constant 0 : index
    %get3A_1 = vector.load %arg4[%get3A, %get3A_0] : memref<1000x1xf32, #tpu.memory_space<vmem>>, vector<1000x1xf32>
    %get3A_2 = arith.constant 0 : index
    %get3A_3 = arith.constant 0 : index
    %get3A_4 = vector.load %arg5[%get3A_2, %get3A_3] : memref<1000x1xf32, #tpu.memory_space<vmem>>, vector<1000x1xf32>
    %add3A = arith.addf %get3A_1, %get3A_4 : vector<1000x1xf32>
    %max3A = arith.constant 1.000000e+00 : f32
    %max3A_5 = vector.broadcast %max3A : f32 to vector<1000x1xf32>
    %max3A_6 = arith.maximumf %add3A, %max3A_5 : vector<1000x1xf32>
    %get3A_7 = arith.constant 0 : index
    %get3A_8 = arith.constant 0 : index
    %get3A_9 = vector.load %arg2[%get3A_7, %get3A_8] : memref<1000x128xf32, #tpu.memory_space<vmem>>, vector<1000x128xf32>
    %get3A_10 = arith.constant 0 : index
    %get3A_11 = arith.constant 0 : index
    %get3A_12 = vector.load %arg3[%get3A_10, %get3A_11] : memref<1000x128xf32, #tpu.memory_space<vmem>>, vector<1000x128xf32>
    %add3A_13 = arith.addf %get3A_9, %get3A_12 : vector<1000x128xf32>
    %div3A = vector.broadcast %max3A_6 : vector<1000x1xf32> to vector<1000x128xf32>
    %div3A_14 = arith.divf %add3A_13, %div3A : vector<1000x128xf32>
    %get3A_15 = arith.constant 0 : index
    %get3A_16 = arith.constant 0 : index
    %get3A_17 = vector.load %arg7[%get3A_15, %get3A_16] : memref<128x128xf32, #tpu.memory_space<vmem>>, vector<128x128xf32>
    %dot_general3A = arith.constant dense<0.000000e+00> : vector<1000x128xf32>
    %dot_general3A_18 = tpu.matmul %div3A_14, %get3A_17, %dot_general3A {dimension_numbers = #tpu.dot_dimension_numbers<[1], [0], [0], [1], [0, 0, 1, 1], [], []>, transpose_lhs_hint = false} : vector<1000x128xf32>, vector<128x128xf32>, vector<1000x128xf32> -> vector<1000x128xf32>
    %get3A_19 = arith.constant 0 : index
    %get3A_20 = arith.constant 0 : index
    %get3A_21 = vector.load %arg8[%get3A_19, %get3A_20] : memref<1x128xf32, #tpu.memory_space<vmem>>, vector<1x128xf32>
    %add3A_22 = vector.broadcast %get3A_21 : vector<1x128xf32> to vector<1000x128xf32>
    %add3A_23 = arith.addf %dot_general3A_18, %add3A_22 : vector<1000x128xf32>
    %get3A_24 = arith.constant 0 : index
    %get3A_25 = arith.constant 0 : index
    %get3A_26 = vector.load %arg6[%get3A_24, %get3A_25] : memref<1x128xf32, #tpu.memory_space<vmem>>, vector<1x128xf32>
    %mul3A = arith.constant 9.99999974E-5 : f32
    %mul3A_27 = vector.broadcast %mul3A : f32 to vector<1x128xf32>
    %mul3A_28 = arith.mulf %get3A_26, %mul3A_27 : vector<1x128xf32>
    %get3A_29 = arith.constant 0 : index
    %get3A_30 = arith.constant 0 : index
    %get3A_31 = vector.load %arg9[%get3A_29, %get3A_30] : memref<128x128xf32, #tpu.memory_space<vmem>>, vector<128x128xf32>
    %dot_general3A_32 = arith.constant dense<0.000000e+00> : vector<1x128xf32>
    %dot_general3A_33 = tpu.matmul %mul3A_28, %get3A_31, %dot_general3A_32 {dimension_numbers = #tpu.dot_dimension_numbers<[1], [0], [0], [1], [0, 0, 1, 1], [], []>, transpose_lhs_hint = false} : vector<1x128xf32>, vector<128x128xf32>, vector<1x128xf32> -> vector<1x128xf32>
    %get3A_34 = arith.constant 0 : index
    %get3A_35 = arith.constant 0 : index
    %get3A_36 = vector.load %arg1[%get3A_34, %get3A_35] : memref<1000x128xf32, #tpu.memory_space<vmem>>, vector<1000x128xf32>
    %add3A_37 = arith.addf %get3A_36, %add3A_23 : vector<1000x128xf32>
    %add3A_38 = vector.broadcast %dot_general3A_33 : vector<1x128xf32> to vector<1000x128xf32>
    %add3A_39 = arith.addf %add3A_37, %add3A_38 : vector<1000x128xf32>
    %max3A_40 = arith.constant 0.000000e+00 : f32
    %max3A_41 = vector.broadcast %max3A_40 : f32 to vector<1000x128xf32>
    %max3A_42 = arith.maximumf %add3A_39, %max3A_41 : vector<1000x128xf32>
    %get3A_43 = arith.constant 0 : index
    %get3A_44 = arith.constant 0 : index
    %get3A_45 = vector.load %arg10[%get3A_43, %get3A_44] : memref<128x128xf32, #tpu.memory_space<vmem>>, vector<128x128xf32>
    %dot_general3A_46 = arith.constant dense<0.000000e+00> : vector<1000x128xf32>
    %dot_general3A_47 = tpu.matmul %max3A_42, %get3A_45, %dot_general3A_46 {dimension_numbers = #tpu.dot_dimension_numbers<[1], [0], [0], [1], [0, 0, 1, 1], [], []>, transpose_lhs_hint = false} : vector<1000x128xf32>, vector<128x128xf32>, vector<1000x128xf32> -> vector<1000x128xf32>
    %get3A_48 = arith.constant 0 : index
    %get3A_49 = arith.constant 0 : index
    %get3A_50 = vector.load %arg11[%get3A_48, %get3A_49] : memref<1x128xf32, #tpu.memory_space<vmem>>, vector<1x128xf32>
    %add3A_51 = vector.broadcast %get3A_50 : vector<1x128xf32> to vector<1000x128xf32>
    %add3A_52 = arith.addf %dot_general3A_47, %add3A_51 : vector<1000x128xf32>
    %swap3A = arith.constant 0 : index
    %swap3A_53 = arith.constant 0 : index
    %swap3A_54 = vector.load %arg12[%swap3A, %swap3A_53] : memref<1000x128xf32, #tpu.memory_space<vmem>>, vector<1000x128xf32>
    tpu.vector_store %arg12[%swap3A, %swap3A_53], %add3A_52 {strides = array<i32>} : memref<1000x128xf32, #tpu.memory_space<vmem>>, vector<1000x128xf32>,
    return
  }
  func.func @transform_0(%arg0: i32) -> (i32, i32) {
    %c0_i32 = arith.constant 0 : i32
    %c0_i32_0 = arith.constant 0 : i32
    return %arg0, %c0_i32 : i32, i32
  }
  func.func @transform_1(%arg0: i32) -> (i32, i32) {
    %c0_i32 = arith.constant 0 : i32
    %c0_i32_0 = arith.constant 0 : i32
    return %arg0, %c0_i32 : i32, i32
  }
  func.func @transform_2(%arg0: i32) -> (i32, i32) {
    %c0_i32 = arith.constant 0 : i32
    %c0_i32_0 = arith.constant 0 : i32
    return %arg0, %c0_i32 : i32, i32
  }
  func.func @transform_3(%arg0: i32) -> (i32, i32) {
    %c0_i32 = arith.constant 0 : i32
    %c0_i32_0 = arith.constant 0 : i32
    return %arg0, %c0_i32 : i32, i32
  }
  func.func @transform_4(%arg0: i32) -> (i32, i32) {
    %c0_i32 = arith.constant 0 : i32
    %c0_i32_0 = arith.constant 0 : i32
    return %arg0, %c0_i32 : i32, i32
  }
  func.func @transform_5(%arg0: i32) -> (i32, i32) {
    %c0_i32 = arith.constant 0 : i32
    %c0_i32_0 = arith.constant 0 : i32
    %c0_i32_1 = arith.constant 0 : i32
    return %c0_i32, %c0_i32_0 : i32, i32
  }
  func.func @transform_6(%arg0: i32) -> (i32, i32) {
    %c0_i32 = arith.constant 0 : i32
    %c0_i32_0 = arith.constant 0 : i32
    %c0_i32_1 = arith.constant 0 : i32
    return %c0_i32, %c0_i32_0 : i32, i32
  }
  func.func @transform_7(%arg0: i32) -> (i32, i32) {
    %c0_i32 = arith.constant 0 : i32
    %c0_i32_0 = arith.constant 0 : i32
    %c0_i32_1 = arith.constant 0 : i32
    return %c0_i32, %c0_i32_0 : i32, i32
  }
  func.func @transform_8(%arg0: i32) -> (i32, i32) {
    %c0_i32 = arith.constant 0 : i32
    %c0_i32_0 = arith.constant 0 : i32
    %c0_i32_1 = arith.constant 0 : i32
    return %c0_i32, %c0_i32_0 : i32, i32
  }
  func.func @transform_9(%arg0: i32) -> (i32, i32) {
    %c0_i32 = arith.constant 0 : i32
    %c0_i32_0 = arith.constant 0 : i32
    %c0_i32_1 = arith.constant 0 : i32
    return %c0_i32, %c0_i32_0 : i32, i32
  }
  func.func @transform_10(%arg0: i32) -> (i32, i32) {
    %c0_i32 = arith.constant 0 : i32
    %c0_i32_0 = arith.constant 0 : i32
    %c0_i32_1 = arith.constant 0 : i32
    return %c0_i32, %c0_i32_0 : i32, i32
  }
  func.func @transform_11(%arg0: i32) -> (i32, i32) {
    %c0_i32 = arith.constant 0 : i32
    %c0_i32_0 = arith.constant 0 : i32
    return %arg0, %c0_i32 : i32, i32
  }
}

</mosaic_0001>

<sc_bundles>
// kernel: kernel.10.cloned.1.call-start
scs
__scs_entry_jumppad:
0x0: {  	(pc) =	sbr.rel $0x88, $3  }
0x1: {  	(tag) =	ssettag $0x0;
	lr =	simm.s32 $0x1  }
0x2: {  	[smem:$0x3F85] =	sst lr;
	_ =	strace $0xD0000000  }
0x3: {  	_ = 	snop  }
0x4: {  	_ = 	snop  }
0x5: {  	_ = 	snop  }
0x6: {  	_ = 	snop  }
0x7: {  	_ = 	snop  }
__scs_overlays_trampoline_lowered:
0x8: {  	[smem:$0x3F94] =	sst s0  }
0x9: {  	[smem:$0x3F95] =	sst s1  }
0xa: {  	[smem:$0x3F96] =	sst s2  }
0xb: {  	[smem:$0x3F97] =	sst s3  }
0xc: {  	[smem:$0x3F98] =	sst s4  }
0xd: {  	[smem:$0x3F99] =	sst s5  }
0xe: {  	[smem:$0x3F9A] =	sst s6  }
0xf: {  	[smem:$0x3F9B] =	sst s7  }
0x10: {  	[smem:$0x3F9C] =	sst s8  }
0x11: {  	[smem:$0x3F9D] =	sst s9;
	s0 =	simm.s32 @!p0 $0x0  }
0x12: {  	s1 =	sld [smem:$0x3F83];
	s0 =	simm.s32 @p0 $0x1  }
0x13: {  	[smem:$0x3F9E] =	sst s0;
	s0 =	simm.s32 @!p1 $0x0  }
0x14: {  	s2 =	sld [smem:$0x3F82];
	s0 =	simm.s32 @p1 $0x1  }
0x15: {  	[smem:$0x3F9F] =	sst s0;
	s0 =	simm.s32 @!p2 $0x0  }
0x16: {  	s3 =	sld [smem:$0x3FDB];
	s0 =	simm.s32 @p2 $0x1  }
0x17: {  	s4 =	simm.s32 $0x1BF5;
	[smem:$0x3FA1] =	sst s0  }
0x18: {  	s0 =	sld [smem:$0x3F84];
	_ =	swait.ge [sflag:s4], $0x0  }
0x19: {  	s7 =	sld [smem:$0x3F85]  }
0x1a: {  	s8 =	sadd.s32 $0xFFFFE003, lr  }
0x1b: {  	s9 =	sadd.s32 $0xFFFFFEF7, lr;
	s5 =	simm.s32 $0xFFFFFFFF;
	p2 =	slt.u32 s8, $0xFFFFF086  }
0x1c: {  	p1 =	slt.u32 s9, $0xF7A;
	s5 =	simm.s32 @!p2 $0x0  }
0x1d: {  	s5 =	simm.s32 @p1 $0x1;
	p0 =	seq.s32 s7, s2  }
0x1e: {  	s7 =	smul.u32 @!p0 $0xF7A, s2;
	p2 =	seq.s32 @!p0 s5, $0x0  }
0x1f: {  	s9 =	smul.u32 $0xF7A, s1;
	s8 =	simm.s32 @!p0 $0x1BF5;
	p2 =	por !p2, p0  }
0x20: {  	[sflag:s8] =	ssyncset.s32 @!p0 $0xFFFFF086;
	s6 =	sadd.s32 @!p0 s3, s7;
	s7 =	simm.s32 @!p0 $0x108  }
0x21: {  	s3 =	sadd.s32 s3, s9;
	s6 =	sadd.s32 @!p0 $0x88, s6;
	s7 =	simm.s32 @p2 $0x1082  }
0x22: {  	[simem:s7], [sflag:s8] =	dma.local @!p0 [hbm:s6], $0xF7A  }
0x23: {  	s9 =	sor.u32 $0xD0000000, s2;
	s6 =	simm.s32 $0x108;
	_ =	swait.ge @!p0 [sflag:s8], $0x0  }
0x24: {  	s3 =	sadd.s32 $0x88, s3;
	s6 =	simm.s32 @!p1 $0x1082;
	[sflag:s4] =	ssyncset.s32 $0xFFFFF086  }
0x25: {  	[simem:s6], [sflag:s4] =	dma.local [hbm:s3], $0xF7A  }
0x26: {  	[smem:$0x3F85] =	sst s1;
	(tag) =	ssettag s2;
	_ =	strace s9  }
0x27: {  	s1 =	sld [smem:$0x3F95]  }
0x28: {  	s2 =	sld [smem:$0x3F96]  }
0x29: {  	s4 =	sld [smem:$0x3F98]  }
0x2a: {  	p0 =	seq.s32 s5, $0x0;
	s5 =	sld [smem:$0x3F99]  }
0x2b: {  	s6 =	sld [smem:$0x3F9A]  }
0x2c: {  	s7 =	sld [smem:$0x3F9B]  }
0x2d: {  	s3 =	simm.s32 $0x108;
	s8 =	sld [smem:$0x3F9C]  }
0x2e: {  	s3 =	simm.s32 @!p0 $0x1082;
	s9 =	sld [smem:$0x3F9D]  }
0x2f: {  	lr =	sadd.s32 s0, s3;
	s0 =	sld [smem:$0x3F94]  }
0x30: {  	s3 =	sld [smem:$0x3F97]  }
0x31: {  	[smem:$0x3FA0] =	sst s10  }
0x32: {  	s10 =	sld [smem:$0x3F9E];
	_ =	sdelay $0x3  }
0x33: {  	p0 =	seq.s32 s10, $0x1;
	s10 =	sld [smem:$0x3FA0];
	_ =	sdelay $0x3  }
0x34: {  	[smem:$0x3FA0] =	sst s10  }
0x35: {  	s10 =	sld [smem:$0x3F9F];
	_ =	sdelay $0x3  }
0x36: {  	p1 =	seq.s32 s10, $0x1;
	s10 =	sld [smem:$0x3FA0];
	_ =	sdelay $0x3  }
0x37: {  	[smem:$0x3FA0] =	sst s10  }
0x38: {  	s10 =	sld [smem:$0x3FA1]  }
0x39: {  	_ = 	snop;
	(pc) =	sbr.ind lr, $3  }
0x3a: {  	_ = 	snop  }
0x3b: {  	_ = 	snop  }
0x3c: {  	p2 =	seq.s32 s10, $0x1;
	s10 =	sld [smem:$0x3FA0]  }
0x3d: {  	_ =	shalt  }
0x3e: {  	_ =	shalt  }
0x3f: {  	_ =	shalt  }
0x40: {  	_ =	shalt  }
0x41: {  	_ =	shalt  }
0x42: {  	_ =	shalt  }
0x43: {  	_ =	shalt  }
0x44: {  	_ =	shalt  }
0x45: {  	_ =	shalt  }
0x46: {  	_ =	shalt  }
0x47: {  	_ =	shalt  }
0x48: {  	_ =	shalt  }
0x49: {  	_ =	shalt  }
0x4a: {  	_ =	shalt  }
0x4b: {  	_ =	shalt  }
0x4c: {  	_ =	shalt  }
0x4d: {  	_ =	shalt  }
0x4e: {  	_ =	shalt  }
0x4f: {  	_ =	shalt  }
0x50: {  	_ =	shalt  }
0x51: {  	_ =	shalt  }
0x52: {  	_ =	shalt  }
0x53: {  	_ =	shalt  }
0x54: {  	_ =	shalt  }
0x55: {  	_ =	shalt  }
0x56: {  	_ =	shalt  }
0x57: {  	_ =	shalt  }
0x58: {  	_ =	shalt  }
0x59: {  	_ =	shalt  }
0x5a: {  	_ =	shalt  }
0x5b: {  	_ =	shalt  }
0x5c: {  	_ =	shalt  }
0x5d: {  	_ =	shalt  }
0x5e: {  	_ =	shalt  }
0x5f: {  	_ =	shalt  }
0x60: {  	_ =	shalt  }
0x61: {  	_ =	shalt  }
0x62: {  	_ =	shalt  }
0x63: {  	_ =	shalt  }
0x64: {  	_ =	shalt  }
0x65: {  	_ =	shalt  }
0x66: {  	_ =	shalt  }
0x67: {  	_ =	shalt  }
0x68: {  	_ =	shalt  }
0x69: {  	_ =	shalt  }
0x6a: {  	_ =	shalt  }
0x6b: {  	_ =	shalt  }
0x6c: {  	_ =	shalt  }
0x6d: {  	_ =	shalt  }
0x6e: {  	_ =	shalt  }
0x6f: {  	_ =	shalt  }
0x70: {  	_ =	shalt  }
0x71: {  	_ =	shalt  }
0x72: {  	_ =	shalt  }
0x73: {  	_ =	shalt  }
0x74: {  	_ =	shalt  }
0x75: {  	_ =	shalt  }
0x76: {  	_ =	shalt  }
0x77: {  	_ =	shalt  }
0x78: {  	_ =	shalt  }
0x79: {  	_ =	shalt  }
0x7a: {  	_ =	shalt  }
0x7b: {  	_ =	shalt  }
0x7c: {  	_ =	shalt  }
0x7d: {  	_ =	shalt  }
0x7e: {  	_ =	shalt  }
0x7f: {  	_ =	shalt  }
0x80: {  	_ =	shalt  }
0x81: {  	_ =	shalt  }
0x82: {  	_ =	shalt  }
0x83: {  	_ =	shalt  }
0x84: {  	_ =	shalt  }
0x85: {  	_ =	shalt  }
0x86: {  	_ =	shalt  }
0x87: {  	_ =	shalt  }
.Lfunc_end0:
.L_simem_size_0:
called_computation_lowered:
.L_overlay_start_0:
0x88: {  	s2 =	sld [smem:$0x3FD9]  }
0x89: {  	s3 =	sld [smem:$0x3FFE];
	_ =	sdelay $0x1  }
0x8a: {  	s1 =	srdreg.scid  }
0x8b: {  	s0 =	sand.u32 $0x1, s1  }
0x8c: {  	s16 =	sshll.u32 s0, $0xA;
	s2 =	sadd.s32 s3, s2  }
0x8d: {  	s2 =	sadd.s32 s2, s16  }
0x8e: {  	[smem:$0x3FAC] =	sst s2  }
0x8f: {  	_ = 	snop  }
0x90: {  	(tm) =	ssettm $0x1  }
0x91: {  	s17 =	sld [smem:$0x3FFB];
	_ =	sdelay $0x3  }
0x92: {  	_ =	strace s17  }
0x93: {  	s2 =	sld [smem:$0x3FFC];
	_ =	sdelay $0x3  }
0x94: {  	_ =	strace s2  }
0x95: {  	s2 =	sld [smem:$0x3FFD];
	_ =	sdelay $0x3  }
0x96: {  	_ =	strace s2  }
0x97: {  	_ =	strace $0x8FFFFFFF  }
0x98: {  	s18 =	sld [smem:$0x3FDB];
	_ =	sdelay $0x1  }
0x99: {  	s19 =	simm.s32 $_scs_section_size  }
0x9a: {  	s4 =	simm.s32 $_size__tile_overlayer_lowered;
	s5 =	simm.s32 $_tile_overlayer_lowered  }
0x9b: {  	s22 =	simm.s32 $0x1BFF;
	s21 =	sshll.u32 s5, $0x1;
	s2 =	sadd.s32 s19, s18  }
0x9c: {  	s6 =	simm.s32 $0x0;
	s20 =	sshll.u32 s4, $0x1;
	s4 =	sadd.s32 s21, s2  }
0x9d: {  	[timem:s6], [sflag:s22] =	dma.local [hbm:s4], s20  }
0x9e: {  	_ =	swait.ge [sflag:s22], s20  }
0x9f: {  	s3 =	ssub.s32 $0x0, s20;
	[sflag:s22] =	ssyncset.done $0x0  }
0xa0: {  	[sflag:s22] =	ssyncadd.s32 s3;
	_ =	sdelay $0x1  }
0xa1: {  	s23 =	simm.s32 $0x1B8B  }
0xa2: {  	_ =	swait.ge [sflag:s23], $0x1  }
0xa3: {  	[sflag:s23] =	ssyncset.done $0x0  }
0xa4: {  	s25 =	simm.s32 $0x1B8E;
	s24 =	sld [smem:$0x3FFE];
	[sflag:s23] =	ssyncadd.s32 $0xFFFFFFFF  }
0xa5: {  	s26 =	simm.s32 $execute0_lowered;
	[smem:$0x3FD2] =	sst s25  }
0xa6: {  	s4 =	sshll.u32 s26, $0x1;
	_ =	strace $0x80000046;
	[dreg:$0x1] =	wrdreg $0xFFFFFFFF  }
0xa7: {  	s28 =	simm.s32 $_size_execute0_lowered;
	s2 =	sadd.s32 s2, s4;
	[dreg:$0x0] =	wrdreg $0x0  }
0xa8: {  	s4 =	sshll.u32 s28, $0x1;
	[dreg:$0x2] =	wrdreg s2  }
0xa9: {  	[dreg:$0x3] =	wrdreg s4  }
0xaa: {  	[dreg:$0x4] =	wrdreg $0xC0  }
0xab: {  	_ =	task [dreg:s6], $0x5FFFF  }
0xac: {  	[dreg:$0x1] =	wrdreg $0xFFFFFFFF  }
0xad: {  	[dreg:$0x0] =	wrdreg $0x60  }
0xae: {  	[dreg:$0x2] =	wrdreg s24  }
0xaf: {  	[dreg:$0x3] =	wrdreg $0x68000  }
0xb0: {  	[dreg:$0x4] =	wrdreg $0x9  }
0xb1: {  	_ =	task.clear_ibuf [dreg:s6], $0x5FFFF;
	_ =	strace $0x90000046  }
0xb2: {  	s29 =	simm.s32 $0x9;
	_ =	strace $0x80000048  }
0xb3: {  	_ =	swait.ge [sflag:s29], $0x1  }
0xb4: {  	[sflag:s29] =	ssyncadd.s32 $0xFFFFFFFF  }
0xb5: {  	_ =	strace $0x90000048  }
0xb6: {  	_ =	sfence  }
0xb7: {  	s30 =	sld [smem:$0x0];
	_ =	sdelay $0x2  }
0xb8: {  	s31 =	sshll.u32 s1, $0xD;
	s1 =	sshrl.u32 s1, $0x2  }
0xb9: {  	s3 =	sand.u32 $0x4000, s31;
	s1 =	sadd.s32 s1, s30  }
0xba: {  	s0 =	sor.u32 s3, s0;
	s1 =	sshll.u32 s1, $0x11  }
0xbb: {  	s0 =	sor.u32 s1, s0  }
0xbc: {  	s0 =	sadd.s32 $0x8F2B, s0  }
0xbd: {  	[sflag:s0] =	ssyncadd.remote.s32 $0x1  }
0xbe: {  	_ =	sfence.sel $0xFFFF  }
0xbf: {  	[dreg:$0x0] =	wrdreg $0xFFFFFFFF;
	(pc) =	sbr.abs _section_cstart, $3  }
0xc0: {  	[dreg:$0x1] =	wrdreg $0xFFFFFFFF  }
0xc1: {  	_ =	task.clear_ibuf [dreg:s6], $0x2FFFF;
	_ =	strace $0x9FFFFFFF  }
0xc2: {  	(tm) =	ssettm $0x7FFFFFFF  }
0xc3: {  	_ =	shalt  }
tec
execute0_lowered:
.L_overlay_start_1:
0x0: {  	(tag) =	ssettag $0x1  }
0x1: {  	s5 =	rddreg [dreg:$0x0]  }
0x2: {  	s2 =	rddreg [dreg:$0x1]  }
0x3: {  	s0 =	rddreg [dreg:$0x2]  }
0x4: {  	s1 =	stileid.u32;
	s4 =	srdreg.scid;
	s3 =	simm.s32 $0x0  }
0x5: {  	s13 =	simm.s32 $0x50;
	s14 =	simm.s32 $0x80;
	s15 =	simm.s32 $0x1  }
0x6: {  	s16 =	simm.s32 $0x2;
	s17 =	simm.s32 $0x3E00;
	s18 =	simm.s32 $0x0  }
0x7: {  	s6 =	smul.u32 $0x13800, s1;
	s7 =	sand.u32 $0x1, s4;
	[smem:$0x7FF] =	sst s3  }
0x8: {  	s8 =	sshll.u32 s1, $0xB;
	s10 =	smul.u32 $0x4E000, s1;
	s31 =	sshll.u32 s1, $0x6  }
0x9: {  	s4 =	smul.u32 $0x138800, s7;
	_ =	strace $0x80000047;
	s8 =	sadd.s32 s8, s5  }
0xa: {  	s30 =	ssub.s32 $0x2, s7;
	s7 =	sshll.u32 s7, $0xF;
	s9 =	sshrl.u32 s6, $0x3  }
0xb: {  	s11 =	sshrl.u32 s30, $0x1;
	s10 =	sshrl.u32 s10, $0x2;
	s7 =	sadd.s32 s7, s8  }
0xc: {  	s4 =	sadd.s32 s6, s4;
	s28 =	sadd.s32 s9, s5;
	s11 =	ssub.s32 s30, s11  }
0xd: {  	s12 =	sadd.s32 s10, s2;
	s6 =	sadd.s32 $0x1B200, s7;
	s10 =	simm.s32 $0x3  }
0xe: {  	s29 =	sshrl.u32 s4, $0x3;
	s4 =	sadd.s32 $0x2B200, s5;
	s8 =	smax.u32 s11, $0x1  }
0xf: {  	s11 =	sor.u32 $0x1C03, s31;
	s12 =	sshrl.u32 s12, $0x3;
	s9 =	sadd.s32 s29, s5  }
0x10: {  	s5 =	sadd.s32 $0x2B800, s28;
	s7 =	sadd.s32 $0x52A00, s9;
	s9 =	simm.s32 $0x4000  }
.LBB2_1:
0x11: {  	[tilespmem:s9], [sflag:$0x3] =	stream.linear.gather [hbm4b:s4+s3], $0x2800, $0x38;
	[tilespmem:$0x1A0C0] =	vst v63  }
0x12: {  	_ =	swait.ge [sflag:s10], $0x2800  }
0x13: {  	[sflag:s10] =	ssyncset.done $0x0  }
0x14: {  	[sflag:s10] =	ssyncadd.s32 $0xFFFFD800  }
0x15: {  	[spmem:s12], [sflag:s11] =	dma.local [hbm:s5], $0x2880  }
0x16: {  	_ =	swait.ge [sflag:s10], $0x2880  }
0x17: {  	[sflag:s10] =	ssyncset.done $0x0  }
0x18: {  	[sflag:s10] =	ssyncadd.s32 $0xFFFFD780  }
0x19: {  	[tilespmem:s3], [sflag:$0x3] =	stream.linear.gather [hbm4b:s6+s3], $0x3E80, $0x38;
	[tilespmem:$0x1A0C0] =	vst v63  }
0x1a: {  	_ =	swait.ge [sflag:s10], $0x3E80  }
0x1b: {  	[sflag:s10] =	ssyncset.done $0x0  }
0x1c: {  	[sflag:s10] =	ssyncadd.s32 $0xFFFFC180  }
0x1d: {  	[bflag:$0x0] =	sbarrier.arrive $0xFFFF  }
0x1e: {  	[spmem:s2] =	stream.indirect.scatter.add.f32 [tilespmem:s9], [sflag:$0x1], $0x80, s3, s13, $0xb8;
	[tilespmem:$0x1A0C0] =	vst v63  }
0x1f: {  	_ = 	snop  }
0x20: {  	[spmem:s2] =	stream.indirect.scatter.add.f32 [tilespmem:s9], [sflag:$0x2], $0x80, s14, s13, $0xb8;
	[tilespmem:$0x1A0C0] =	vst v63  }
0x21: {  	_ =	swait.ge [sflag:s15], $0x2800  }
0x22: {  	[sflag:s15] =	ssyncset.done $0x0  }
0x23: {  	s19 =	simm.s32 $0x100;
	[sflag:s15] =	ssyncadd.s32 $0xFFFFD800  }
0x24: {  	[spmem:s2] =	stream.indirect.scatter.add.f32 [tilespmem:s9], [sflag:$0x1], $0x80, s19, s13, $0xb8;
	[tilespmem:$0x1A0C0] =	vst v63  }
0x25: {  	_ =	swait.ge [sflag:s16], $0x2800  }
0x26: {  	[sflag:s16] =	ssyncset.done $0x0  }
0x27: {  	s20 =	simm.s32 $0x180;
	s19 =	simm.s32 $0xFFFF1000;
	[sflag:s16] =	ssyncadd.s32 $0xFFFFD800  }
.LBB2_2:
0x28: {  	[spmem:s2] =	stream.indirect.scatter.add.f32 [tilespmem:s9], [sflag:$0x2], $0x80, s20, s13, $0xb8;
	[tilespmem:$0x1A0C0] =	vst v63  }
0x29: {  	s20 =	smov.u32 s19  }
0x2a: {  	p0 =	sne.s32 s19, $0xFFFFFC00;
	s19 =	sadd.s32 $0x400, s19;
	_ =	swait.ge [sflag:s15], $0x2800  }
0x2b: {  	s20 =	sshra.s32 s20, $0x2;
	[sflag:s15] =	ssyncset.done $0x0  }
.Ltmp0:
0x2c: {  	s21 =	sadd.s32 $0x3E00, s20;
	[sflag:s15] =	ssyncadd.s32 $0xFFFFD800;
	(pc) =	sbr.rel @p0 .LBB2_2-.Ltmp0, $4  }
0x2d: {  	[spmem:s2] =	stream.indirect.scatter.add.f32 [tilespmem:s9], [sflag:$0x1], $0x80, s21, s13, $0xb8;
	[tilespmem:$0x1A0C0] =	vst v63  }
0x2e: {  	_ =	swait.ge [sflag:s16], $0x2800  }
0x2f: {  	[sflag:s16] =	ssyncset.done $0x0  }
0x30: {  	s20 =	sadd.s32 $0x3E80, s20;
	[sflag:s16] =	ssyncadd.s32 $0xFFFFD800  }
0x31: {  	[spmem:s2] =	stream.indirect.scatter.add.f32 [tilespmem:s9], [sflag:$0x2], $0x80, s20, s13, $0xb8;
	[tilespmem:$0x1A0C0] =	vst v63  }
0x32: {  	_ =	swait.ge [sflag:s15], $0x2800  }
0x33: {  	[sflag:s15] =	ssyncset.done $0x0  }
0x34: {  	[sflag:s15] =	ssyncadd.s32 $0xFFFFD800  }
0x35: {  	[spmem:s2] =	stream.indirect.scatter.add.f32 [tilespmem:s9], [sflag:$0x1], $0x80, s17, s13, $0xb8;
	[tilespmem:$0x1A0C0] =	vst v63  }
0x36: {  	_ =	swait.ge [sflag:s15], $0x2800  }
0x37: {  	[sflag:s15] =	ssyncset.done $0x0  }
0x38: {  	[sflag:s15] =	ssyncadd.s32 $0xFFFFD800  }
0x39: {  	_ =	swait.ge [sflag:s16], $0x2800  }
0x3a: {  	s18 =	sadd.s32 $0x1, s18;
	[sflag:s16] =	ssyncset.done $0x0  }
0x3b: {  	p0 =	sne.s32 s18, s8;
	[sflag:s16] =	ssyncadd.s32 $0xFFFFD800  }
.Ltmp1:
0x3c: {  	[bflag:$0x0] =	sbarrier.arrive $0xFFFF;
	(pc) =	sbr.rel @p0 .LBB2_1-.Ltmp1, $4  }
0x3d: {  	[hbm:s7], [sflag:s11] =	dma.local [spmem:s12], $0x2800  }
0x3e: {  	_ =	swait.ge [sflag:s10], $0x2800  }
0x3f: {  	[sflag:s10] =	ssyncset.done $0x0  }
0x40: {  	[sflag:s10] =	ssyncadd.s32 $0xFFFFD800  }
0x41: {  	_ =	sfence.sel $0x180000  }
0x42: {  	[bflag:$0x0] =	sbarrier.arrive $0xFFFF  }
0x43: {  	p0 =	sne.s32 s1, $0x0;
	_ =	strace $0x90000047  }
0x44: {  	s0 =	sadd.s32 @!p0 $0x100000, s0;
	[bflag:$0x2] =	sbarrier.arrive $0xFFFF  }
0x45: {  	[sflag:s0] =	ssyncadd.tile.s32 @!p0 $0x1;
	_ =	shalt  }
.Lfunc_end2:
_tile_overlayer_lowered:
.L_overlay_start_2:
0x46: {  	(tag) =	ssettag $0x2  }
0x47: {  	s0 =	rddreg [dreg:$0x0];
	s2 =	stileid.u32  }
0x48: {  	s1 =	rddreg [dreg:$0x1];
	p0 =	sne.s32 s2, $0x0  }
0x49: {  	s3 =	rddreg [dreg:$0x2];
	[bflag:$0x3] =	sbarrier.arrive $0xFFFF;
	s2 =	simm.s32 @!p0 $0x1C03  }
0x4a: {  	[timem:s3], [sflag:s2] =	dma.local @!p0 [hbm:s0], s1  }
0x4b: {  	s0 =	simm.s32 @!p0 $0x3  }
0x4c: {  	_ =	swait.ge @!p0 [sflag:s0], s1  }
0x4d: {  	s1 =	ssub.s32 @!p0 $0x0, s1;
	[sflag:s0] =	ssyncset.done @!p0 $0x0  }
0x4e: {  	[sflag:s0] =	ssyncadd.s32 @!p0 s1  }
0x4f: {  	[bflag:$0x3] =	sbarrier.arrive $0xFFFF  }
0x50: {  	_ =	shalt  }

// kernel: kernel.13.cloned.1.call-start
scs
__scs_entry_jumppad:
0x0: {  	(pc) =	sbr.rel $0x88, $3  }
0x1: {  	(tag) =	ssettag $0x0;
	lr =	simm.s32 $0x1  }
0x2: {  	[smem:$0x3F85] =	sst lr;
	_ =	strace $0xD0000000  }
0x3: {  	_ = 	snop  }
0x4: {  	_ = 	snop  }
0x5: {  	_ = 	snop  }
0x6: {  	_ = 	snop  }
0x7: {  	_ = 	snop  }
__scs_overlays_trampoline_lowered:
0x8: {  	[smem:$0x3F94] =	sst s0  }
0x9: {  	[smem:$0x3F95] =	sst s1  }
0xa: {  	[smem:$0x3F96] =	sst s2  }
0xb: {  	[smem:$0x3F97] =	sst s3  }
0xc: {  	[smem:$0x3F98] =	sst s4  }
0xd: {  	[smem:$0x3F99] =	sst s5  }
0xe: {  	[smem:$0x3F9A] =	sst s6  }
0xf: {  	[smem:$0x3F9B] =	sst s7  }
0x10: {  	[smem:$0x3F9C] =	sst s8  }
0x11: {  	[smem:$0x3F9D] =	sst s9;
	s0 =	simm.s32 @!p0 $0x0  }
0x12: {  	s1 =	sld [smem:$0x3F83];
	s0 =	simm.s32 @p0 $0x1  }
0x13: {  	[smem:$0x3F9E] =	sst s0;
	s0 =	simm.s32 @!p1 $0x0  }
0x14: {  	s2 =	sld [smem:$0x3F82];
	s0 =	simm.s32 @p1 $0x1  }
0x15: {  	[smem:$0x3F9F] =	sst s0;
	s0 =	simm.s32 @!p2 $0x0  }
0x16: {  	s3 =	sld [smem:$0x3FDB];
	s0 =	simm.s32 @p2 $0x1  }
0x17: {  	s4 =	simm.s32 $0x1BF5;
	[smem:$0x3FA1] =	sst s0  }
0x18: {  	s0 =	sld [smem:$0x3F84];
	_ =	swait.ge [sflag:s4], $0x0  }
0x19: {  	s7 =	sld [smem:$0x3F85]  }
0x1a: {  	s8 =	sadd.s32 $0xFFFFE003, lr  }
0x1b: {  	s9 =	sadd.s32 $0xFFFFFEF7, lr;
	s5 =	simm.s32 $0xFFFFFFFF;
	p2 =	slt.u32 s8, $0xFFFFF086  }
0x1c: {  	p1 =	slt.u32 s9, $0xF7A;
	s5 =	simm.s32 @!p2 $0x0  }
0x1d: {  	s5 =	simm.s32 @p1 $0x1;
	p0 =	seq.s32 s7, s2  }
0x1e: {  	s7 =	smul.u32 @!p0 $0xF7A, s2;
	p2 =	seq.s32 @!p0 s5, $0x0  }
0x1f: {  	s9 =	smul.u32 $0xF7A, s1;
	s8 =	simm.s32 @!p0 $0x1BF5;
	p2 =	por !p2, p0  }
0x20: {  	[sflag:s8] =	ssyncset.s32 @!p0 $0xFFFFF086;
	s6 =	sadd.s32 @!p0 s3, s7;
	s7 =	simm.s32 @!p0 $0x108  }
0x21: {  	s3 =	sadd.s32 s3, s9;
	s6 =	sadd.s32 @!p0 $0x88, s6;
	s7 =	simm.s32 @p2 $0x1082  }
0x22: {  	[simem:s7], [sflag:s8] =	dma.local @!p0 [hbm:s6], $0xF7A  }
0x23: {  	s9 =	sor.u32 $0xD0000000, s2;
	s6 =	simm.s32 $0x108;
	_ =	swait.ge @!p0 [sflag:s8], $0x0  }
0x24: {  	s3 =	sadd.s32 $0x88, s3;
	s6 =	simm.s32 @!p1 $0x1082;
	[sflag:s4] =	ssyncset.s32 $0xFFFFF086  }
0x25: {  	[simem:s6], [sflag:s4] =	dma.local [hbm:s3], $0xF7A  }
0x26: {  	[smem:$0x3F85] =	sst s1;
	(tag) =	ssettag s2;
	_ =	strace s9  }
0x27: {  	s1 =	sld [smem:$0x3F95]  }
0x28: {  	s2 =	sld [smem:$0x3F96]  }
0x29: {  	s4 =	sld [smem:$0x3F98]  }
0x2a: {  	p0 =	seq.s32 s5, $0x0;
	s5 =	sld [smem:$0x3F99]  }
0x2b: {  	s6 =	sld [smem:$0x3F9A]  }
0x2c: {  	s7 =	sld [smem:$0x3F9B]  }
0x2d: {  	s3 =	simm.s32 $0x108;
	s8 =	sld [smem:$0x3F9C]  }
0x2e: {  	s3 =	simm.s32 @!p0 $0x1082;
	s9 =	sld [smem:$0x3F9D]  }
0x2f: {  	lr =	sadd.s32 s0, s3;
	s0 =	sld [smem:$0x3F94]  }
0x30: {  	s3 =	sld [smem:$0x3F97]  }
0x31: {  	[smem:$0x3FA0] =	sst s10  }
0x32: {  	s10 =	sld [smem:$0x3F9E];
	_ =	sdelay $0x3  }
0x33: {  	p0 =	seq.s32 s10, $0x1;
	s10 =	sld [smem:$0x3FA0];
	_ =	sdelay $0x3  }
0x34: {  	[smem:$0x3FA0] =	sst s10  }
0x35: {  	s10 =	sld [smem:$0x3F9F];
	_ =	sdelay $0x3  }
0x36: {  	p1 =	seq.s32 s10, $0x1;
	s10 =	sld [smem:$0x3FA0];
	_ =	sdelay $0x3  }
0x37: {  	[smem:$0x3FA0] =	sst s10  }
0x38: {  	s10 =	sld [smem:$0x3FA1]  }
0x39: {  	_ = 	snop;
	(pc) =	sbr.ind lr, $3  }
0x3a: {  	_ = 	snop  }
0x3b: {  	_ = 	snop  }
0x3c: {  	p2 =	seq.s32 s10, $0x1;
	s10 =	sld [smem:$0x3FA0]  }
0x3d: {  	_ =	shalt  }
0x3e: {  	_ =	shalt  }
0x3f: {  	_ =	shalt  }
0x40: {  	_ =	shalt  }
0x41: {  	_ =	shalt  }
0x42: {  	_ =	shalt  }
0x43: {  	_ =	shalt  }
0x44: {  	_ =	shalt  }
0x45: {  	_ =	shalt  }
0x46: {  	_ =	shalt  }
0x47: {  	_ =	shalt  }
0x48: {  	_ =	shalt  }
0x49: {  	_ =	shalt  }
0x4a: {  	_ =	shalt  }
0x4b: {  	_ =	shalt  }
0x4c: {  	_ =	shalt  }
0x4d: {  	_ =	shalt  }
0x4e: {  	_ =	shalt  }
0x4f: {  	_ =	shalt  }
0x50: {  	_ =	shalt  }
0x51: {  	_ =	shalt  }
0x52: {  	_ =	shalt  }
0x53: {  	_ =	shalt  }
0x54: {  	_ =	shalt  }
0x55: {  	_ =	shalt  }
0x56: {  	_ =	shalt  }
0x57: {  	_ =	shalt  }
0x58: {  	_ =	shalt  }
0x59: {  	_ =	shalt  }
0x5a: {  	_ =	shalt  }
0x5b: {  	_ =	shalt  }
0x5c: {  	_ =	shalt  }
0x5d: {  	_ =	shalt  }
0x5e: {  	_ =	shalt  }
0x5f: {  	_ =	shalt  }
0x60: {  	_ =	shalt  }
0x61: {  	_ =	shalt  }
0x62: {  	_ =	shalt  }
0x63: {  	_ =	shalt  }
0x64: {  	_ =	shalt  }
0x65: {  	_ =	shalt  }
0x66: {  	_ =	shalt  }
0x67: {  	_ =	shalt  }
0x68: {  	_ =	shalt  }
0x69: {  	_ =	shalt  }
0x6a: {  	_ =	shalt  }
0x6b: {  	_ =	shalt  }
0x6c: {  	_ =	shalt  }
0x6d: {  	_ =	shalt  }
0x6e: {  	_ =	shalt  }
0x6f: {  	_ =	shalt  }
0x70: {  	_ =	shalt  }
0x71: {  	_ =	shalt  }
0x72: {  	_ =	shalt  }
0x73: {  	_ =	shalt  }
0x74: {  	_ =	shalt  }
0x75: {  	_ =	shalt  }
0x76: {  	_ =	shalt  }
0x77: {  	_ =	shalt  }
0x78: {  	_ =	shalt  }
0x79: {  	_ =	shalt  }
0x7a: {  	_ =	shalt  }
0x7b: {  	_ =	shalt  }
0x7c: {  	_ =	shalt  }
0x7d: {  	_ =	shalt  }
0x7e: {  	_ =	shalt  }
0x7f: {  	_ =	shalt  }
0x80: {  	_ =	shalt  }
0x81: {  	_ =	shalt  }
0x82: {  	_ =	shalt  }
0x83: {  	_ =	shalt  }
0x84: {  	_ =	shalt  }
0x85: {  	_ =	shalt  }
0x86: {  	_ =	shalt  }
0x87: {  	_ =	shalt  }
.Lfunc_end0:
.L_simem_size_0:
called_computation.1_lowered:
.L_overlay_start_0:
0x88: {  	s2 =	sld [smem:$0x3FD9]  }
0x89: {  	s3 =	sld [smem:$0x3FFE];
	_ =	sdelay $0x1  }
0x8a: {  	s1 =	srdreg.scid  }
0x8b: {  	s0 =	sand.u32 $0x1, s1  }
0x8c: {  	s17 =	sshll.u32 s0, $0xA;
	s2 =	sadd.s32 s3, s2  }
0x8d: {  	s2 =	sadd.s32 s2, s17  }
0x8e: {  	[smem:$0x3FAC] =	sst s2  }
0x8f: {  	_ = 	snop  }
0x90: {  	s18 =	sld [smem:$0x3FD0];
	(tm) =	ssettm $0x1  }
0x91: {  	s19 =	sld [smem:$0x3FFB];
	_ =	sdelay $0x3  }
0x92: {  	_ =	strace s19  }
0x93: {  	s2 =	sld [smem:$0x3FFC];
	_ =	sdelay $0x3  }
0x94: {  	_ =	strace s2  }
0x95: {  	s2 =	sld [smem:$0x3FFD];
	_ =	sdelay $0x3  }
0x96: {  	_ =	strace s2  }
0x97: {  	_ =	strace $0x8FFFFFFF  }
0x98: {  	s20 =	sld [smem:$0x3FDB];
	_ =	sdelay $0x1  }
0x99: {  	s4 =	simm.s32 $_scs_section_size  }
0x9a: {  	s5 =	simm.s32 $_size__tile_overlayer_lowered;
	s6 =	simm.s32 $_tile_overlayer_lowered  }
0x9b: {  	s7 =	simm.s32 $0x1BFF;
	s21 =	sshll.u32 s6, $0x1;
	s4 =	sadd.s32 s4, s20  }
0x9c: {  	s22 =	simm.s32 $0x0;
	s5 =	sshll.u32 s5, $0x1;
	s6 =	sadd.s32 s21, s4  }
0x9d: {  	[timem:s22], [sflag:s7] =	dma.local [hbm:s6], s5  }
0x9e: {  	_ =	swait.ge [sflag:s7], s5  }
0x9f: {  	s5 =	ssub.s32 $0x0, s5;
	[sflag:s7] =	ssyncset.done $0x0  }
0xa0: {  	[sflag:s7] =	ssyncadd.s32 s5;
	_ =	sdelay $0x1  }
0xa1: {  	s23 =	simm.s32 $0x1B8B  }
0xa2: {  	_ =	swait.ge [sflag:s23], $0x1  }
0xa3: {  	[sflag:s23] =	ssyncset.done $0x0  }
0xa4: {  	[sflag:s23] =	ssyncadd.s32 $0xFFFFFFFF  }
0xa5: {  	s5 =	sld [smem:$0x0]  }
0xa6: {  	s6 =	sand.u32 $0xFFFFFFFE, s1  }
0xa7: {  	p0 =	sne.s32 s1, s6  }
0xa8: {  	s6 =	sshll.u32 @p0 s6, $0xE  }
0xa9: {  	s6 =	sadd.s32 @p0 $0x11B8D, s6;
	s7 =	sshll.u32 @p0 s5, $0x11  }
0xaa: {  	s6 =	sor.u32 @p0 s7, s6  }
0xab: {  	[sflag:s6] =	ssyncadd.remote.s32 @p0 $0x1;
	_ =	sdelay $0x1  }
0xac: {  	s6 =	simm.s32 @p0 $0x1B8D  }
0xad: {  	_ =	swait.eq @p0 [sflag:s6], $0x1  }
0xae: {  	[sflag:s6] =	ssyncadd.s32 @p0 $0xFFFFFFFF  }
0xaf: {  	s7 =	sshll.u32 @!p0 s1, $0xE  }
0xb0: {  	s7 =	sor.u32 @!p0 $0x4000, s7;
	s6 =	simm.s32 @!p0 $0x1B8D  }
0xb1: {  	s5 =	sshll.u32 @!p0 s5, $0x11;
	s7 =	sadd.s32 @!p0 $0x11B8D, s7;
	_ =	swait.eq @!p0 [sflag:s6], $0x1  }
0xb2: {  	s5 =	sor.u32 @!p0 s5, s7;
	[sflag:s6] =	ssyncadd.s32 @!p0 $0xFFFFFFFF  }
0xb3: {  	s25 =	simm.s32 $0x1B8E;
	s24 =	sld [smem:$0x3FFE];
	[sflag:s5] =	ssyncadd.remote.s32 @!p0 $0x1  }
0xb4: {  	s26 =	simm.s32 $execute0_lowered;
	[smem:$0x3FD2] =	sst s25  }
0xb5: {  	s6 =	sshll.u32 s26, $0x1;
	_ =	strace $0x80000049;
	[dreg:$0x1] =	wrdreg $0xFFFFFFFF  }
0xb6: {  	s28 =	simm.s32 $_size_execute0_lowered;
	s4 =	sadd.s32 s4, s6;
	[dreg:$0x0] =	wrdreg $0x0  }
0xb7: {  	s6 =	sshll.u32 s28, $0x1;
	[dreg:$0x2] =	wrdreg s4  }
0xb8: {  	[dreg:$0x3] =	wrdreg s6  }
0xb9: {  	[dreg:$0x4] =	wrdreg $0xC0  }
0xba: {  	_ =	task [dreg:s22], $0x5FFFF  }
0xbb: {  	[dreg:$0x1] =	wrdreg $0xFFFFFFFF  }
0xbc: {  	[dreg:$0x0] =	wrdreg $0x60  }
0xbd: {  	[dreg:$0x2] =	wrdreg s18  }
0xbe: {  	[dreg:$0x3] =	wrdreg s24  }
0xbf: {  	[dreg:$0x4] =	wrdreg $0x52000  }
0xc0: {  	[dreg:$0x5] =	wrdreg $0xA  }
0xc1: {  	_ =	task.clear_ibuf [dreg:s22], $0x6FFFF;
	_ =	strace $0x90000049  }
0xc2: {  	s29 =	simm.s32 $0xA;
	_ =	strace $0x8000004B  }
0xc3: {  	_ =	swait.ge [sflag:s29], $0x1  }
0xc4: {  	[sflag:s29] =	ssyncadd.s32 $0xFFFFFFFF  }
0xc5: {  	_ =	strace $0x9000004B  }
0xc6: {  	_ =	sfence  }
0xc7: {  	s30 =	sld [smem:$0x0];
	_ =	sdelay $0x2  }
0xc8: {  	s31 =	sshll.u32 s1, $0xD;
	s1 =	sshrl.u32 s1, $0x2  }
0xc9: {  	s4 =	sand.u32 $0x4000, s31;
	s1 =	sadd.s32 s1, s30  }
0xca: {  	s0 =	sor.u32 s4, s0;
	s1 =	sshll.u32 s1, $0x11  }
0xcb: {  	s0 =	sor.u32 s1, s0  }
0xcc: {  	s0 =	sadd.s32 $0x8F2B, s0  }
0xcd: {  	[sflag:s0] =	ssyncadd.remote.s32 $0x1  }
0xce: {  	_ =	sfence.sel $0xFFFF  }
0xcf: {  	[dreg:$0x0] =	wrdreg $0xFFFFFFFF;
	(pc) =	sbr.abs _section_cstart, $3  }
0xd0: {  	[dreg:$0x1] =	wrdreg $0xFFFFFFFF  }
0xd1: {  	_ =	task.clear_ibuf [dreg:s22], $0x2FFFF;
	_ =	strace $0x9FFFFFFF  }
0xd2: {  	(tm) =	ssettm $0x7FFFFFFF  }
0xd3: {  	_ =	shalt  }
tec
execute0_lowered:
.L_overlay_start_1:
0x0: {  	(tag) =	ssettag $0x1  }
0x1: {  	s2 =	rddreg [dreg:$0x0]  }
0x2: {  	s0 =	rddreg [dreg:$0x1]  }
0x3: {  	s3 =	rddreg [dreg:$0x2];
	s12 =	stileid.u32  }
0x4: {  	s1 =	srdreg.scid;
	s4 =	simm.s32 $0x0;
	s28 =	simm.s32 $0x2A00  }
0x5: {  	s29 =	simm.s32 $0x1;
	s30 =	simm.s32 $0x3;
	s31 =	simm.s32 $0x2  }
0x6: {  	s6 =	smul.u32 $0x13800, s12;
	s1 =	sand.u32 $0x1, s1;
	[smem:$0x7FF] =	sst s4  }
0x7: {  	s5 =	sadd.s32 $0x7600, s0;
	s10 =	smul.u32 $0x4E000, s12;
	s22 =	sshll.u32 s12, $0x6  }
0x8: {  	s7 =	smul.u32 $0x138800, s1;
	_ =	strace $0x8000004A;
	s9 =	ssub.s32 $0x2, s1  }
0x9: {  	s11 =	sshll.u32 s1, $0x4;
	s1 =	smul.u32 $0x27100, s1;
	s8 =	sshrl.u32 s6, $0x3  }
0xa: {  	s19 =	sshrl.u32 s9, $0x1;
	s11 =	sor.u32 s12, s11;
	s20 =	sshrl.u32 s10, $0x2  }
0xb: {  	s12 =	smul.u32 $0x2710, s12;
	s7 =	sadd.s32 s6, s7;
	s6 =	sadd.s32 $0x11400, s0  }
0xc: {  	s8 =	sadd.s32 s8, s0;
	s21 =	smul.u32 $0x2710, s11;
	s7 =	sshrl.u32 s7, $0x3  }
0xd: {  	s8 =	sadd.s32 $0x2B800, s8;
	s1 =	sadd.s32 s12, s1;
	s0 =	sadd.s32 s7, s0  }
0xe: {  	s7 =	ssub.s32 s9, s19;
	s9 =	sadd.s32 s20, s3;
	[dreg:$0x4] =	wrdreg s8  }
0xf: {  	s13 =	sshrl.u32 s21, $0x3;
	s8 =	sor.u32 $0x1C05, s22;
	s15 =	sadd.s32 $0xF0, s1  }
0x10: {  	s19 =	sadd.s32 $0xA0, s1;
	s21 =	simm.s32 $0x5;
	s22 =	simm.s32 $0x80  }
0x11: {  	s1 =	simm.s32 $0x0;
	s10 =	sadd.s32 s5, s13;
	s14 =	sadd.s32 $0xA, s13  }
0x12: {  	s23 =	sadd.s32 s6, s13;
	s26 =	sadd.s32 $0x4D8, s13;
	s18 =	sshrl.u32 s15, $0x3  }
0x13: {  	s15 =	sadd.s32 $0xC7E00, s0;
	s16 =	smax.u32 s7, $0x1;
	[dreg:$0x5] =	wrdreg s10  }
0x14: {  	s20 =	sshrl.u32 s9, $0x3;
	s0 =	simm.s32 $0x4;
	[dreg:$0x6] =	wrdreg s23  }
0x15: {  	s24 =	sadd.s32 s5, s14;
	s25 =	sadd.s32 s6, s14;
	s13 =	sadd.s32 s5, s26  }
0x16: {  	s14 =	sadd.s32 s6, s26;
	s17 =	sadd.s32 s18, s6;
	s18 =	sadd.s32 s18, s5  }
0x17: {  	s23 =	simm.s32 $0x50;
	s26 =	simm.s32 $0x180;
	[dreg:$0x7] =	wrdreg s24  }
0x18: {  	[dreg:$0x8] =	wrdreg s25;
	s24 =	simm.s32 $0x200;
	s25 =	simm.s32 $0x100  }
.LBB2_1:
0x19: {  	s7 =	rddreg [dreg:$0x4]  }
0x1a: {  	[spmem:s20], [sflag:s8] =	dma.local [hbm:s7], $0x2880  }
0x1b: {  	_ =	swait.ge [sflag:s21], $0x2880  }
0x1c: {  	[sflag:s21] =	ssyncset.done $0x0  }
0x1d: {  	[sflag:s21] =	ssyncadd.s32 $0xFFFFD780  }
0x1e: {  	[bflag:$0x0] =	sbarrier.arrive $0xFFFF  }
0x1f: {  	s10 =	rddreg [dreg:$0x5]  }
0x20: {  	[tilespmem:s4], [sflag:$0x5] =	stream.linear.gather [hbm4b:s10+s4], $0x50, $0x38;
	[tilespmem:$0x18AC0] =	vst v63  }
0x21: {  	_ =	swait.ge [sflag:s21], $0x50  }
0x22: {  	[sflag:s21] =	ssyncset.done $0x0  }
0x23: {  	s11 =	rddreg [dreg:$0x6];
	[sflag:s21] =	ssyncadd.s32 $0xFFFFFFB0  }
0x24: {  	[tilespmem:s22], [sflag:$0x5] =	stream.linear.gather [hbm4b:s11+s4], $0x50, $0x38;
	[tilespmem:$0x18AC0] =	vst v63  }
0x25: {  	_ =	swait.ge [sflag:s21], $0x50  }
0x26: {  	[sflag:s21] =	ssyncset.done $0x0  }
0x27: {  	[sflag:s21] =	ssyncadd.s32 $0xFFFFFFB0  }
0x28: {  	[tilespmem:s24], [sflag:$0x1] =	stream.indirect.gather [hbm4b:s2+s23], $0x80, s4, s23, $0xb8;
	[tilespmem:$0x18AC0] =	vst v63  }
0x29: {  	s12 =	rddreg [dreg:$0x7]  }
0x2a: {  	[tilespmem:s25], [sflag:$0x5] =	stream.linear.gather [hbm4b:s12+s4], $0x50, $0x38;
	[tilespmem:$0x18AC0] =	vst v63  }
0x2b: {  	_ =	swait.ge [sflag:s21], $0x50  }
0x2c: {  	[sflag:s21] =	ssyncset.done $0x0  }
0x2d: {  	s9 =	rddreg [dreg:$0x8];
	[sflag:s21] =	ssyncadd.s32 $0xFFFFFFB0  }
0x2e: {  	[tilespmem:s26], [sflag:$0x5] =	stream.linear.gather [hbm4b:s9+s4], $0x50, $0x38;
	[tilespmem:$0x18AC0] =	vst v63  }
0x2f: {  	_ =	swait.ge [sflag:s21], $0x50  }
0x30: {  	[sflag:s21] =	ssyncset.done $0x0  }
0x31: {  	[sflag:s21] =	ssyncadd.s32 $0xFFFFFFB0  }
0x32: {  	[tilespmem:s28], [sflag:$0x2] =	stream.indirect.gather [hbm4b:s2+s23], $0x80, s25, s23, $0xb8;
	[tilespmem:$0x18AC0] =	vst v63  }
0x33: {  	_ =	swait.ge [sflag:s29], $0x2800  }
0x34: {  	[sflag:s29] =	ssyncset.done $0x0  }
0x35: {  	[sflag:s29] =	ssyncadd.s32 $0xFFFFD800  }
0x36: {  	[spmem:s3] =	stream.indirect.scatter.add.f32 [tilespmem:s24], [sflag:$0x3], $0x80, s22, s23, $0xb8;
	[tilespmem:$0x18AC0] =	vst v63  }
0x37: {  	_ =	swait.ge [sflag:s30], $0x2800  }
0x38: {  	s10 =	sshrl.u32 s19, $0x3;
	[sflag:s30] =	ssyncset.done $0x0  }
0x39: {  	s9 =	sadd.s32 s5, s10;
	[sflag:s30] =	ssyncadd.s32 $0xFFFFD800  }
0x3a: {  	[tilespmem:s4], [sflag:$0x5] =	stream.linear.gather [hbm4b:s9+s4], $0x50, $0x38;
	[tilespmem:$0x18AC0] =	vst v63  }
0x3b: {  	_ =	swait.ge [sflag:s21], $0x50  }
0x3c: {  	[sflag:s21] =	ssyncset.done $0x0  }
0x3d: {  	s7 =	sadd.s32 s6, s10;
	[sflag:s21] =	ssyncadd.s32 $0xFFFFFFB0  }
0x3e: {  	[tilespmem:s22], [sflag:$0x5] =	stream.linear.gather [hbm4b:s7+s4], $0x50, $0x38;
	[tilespmem:$0x18AC0] =	vst v63  }
0x3f: {  	_ =	swait.ge [sflag:s21], $0x50  }
0x40: {  	[sflag:s21] =	ssyncset.done $0x0  }
0x41: {  	[sflag:s21] =	ssyncadd.s32 $0xFFFFFFB0  }
0x42: {  	[tilespmem:s24], [sflag:$0x1] =	stream.indirect.gather [hbm4b:s2+s23], $0x80, s4, s23, $0xb8;
	[tilespmem:$0x18AC0] =	vst v63  }
0x43: {  	_ =	swait.ge [sflag:s31], $0x2800  }
0x44: {  	[sflag:s31] =	ssyncset.done $0x0  }
0x45: {  	[sflag:s31] =	ssyncadd.s32 $0xFFFFD800  }
0x46: {  	[spmem:s3] =	stream.indirect.scatter.add.f32 [tilespmem:s28], [sflag:$0x4], $0x80, s26, s23, $0xb8;
	[tilespmem:$0x18AC0] =	vst v63  }
0x47: {  	_ =	swait.ge [sflag:s0], $0x2800  }
0x48: {  	[sflag:s0] =	ssyncset.done $0x0  }
0x49: {  	s11 =	sadd.s32 $0x0, s18;
	[sflag:s0] =	ssyncadd.s32 $0xFFFFD800  }
0x4a: {  	[tilespmem:s25], [sflag:$0x5] =	stream.linear.gather [hbm4b:s11+s4], $0x50, $0x38;
	[tilespmem:$0x18AC0] =	vst v63  }
0x4b: {  	_ =	swait.ge [sflag:s21], $0x50  }
0x4c: {  	[sflag:s21] =	ssyncset.done $0x0  }
0x4d: {  	s12 =	sadd.s32 $0x0, s17;
	[sflag:s21] =	ssyncadd.s32 $0xFFFFFFB0  }
0x4e: {  	[tilespmem:s26], [sflag:$0x5] =	stream.linear.gather [hbm4b:s12+s4], $0x50, $0x38;
	[tilespmem:$0x18AC0] =	vst v63  }
0x4f: {  	_ =	swait.ge [sflag:s21], $0x50  }
0x50: {  	[sflag:s21] =	ssyncset.done $0x0  }
0x51: {  	[sflag:s21] =	ssyncadd.s32 $0xFFFFFFB0  }
0x52: {  	[tilespmem:s28], [sflag:$0x2] =	stream.indirect.gather [hbm4b:s2+s23], $0x80, s25, s23, $0xb8;
	[tilespmem:$0x18AC0] =	vst v63  }
0x53: {  	_ =	swait.ge [sflag:s29], $0x2800  }
0x54: {  	[sflag:s29] =	ssyncset.done $0x0  }
0x55: {  	s9 =	sadd.s32 $0xA0, s19;
	s7 =	simm.s32 $0x14;
	[sflag:s29] =	ssyncadd.s32 $0xFFFFD800  }
.LBB2_2:
0x56: {  	[spmem:s3] =	stream.indirect.scatter.add.f32 [tilespmem:s24], [sflag:$0x3], $0x80, s22, s23, $0xb8;
	[tilespmem:$0x18AC0] =	vst v63  }
0x57: {  	s10 =	smov.u32 s7  }
0x58: {  	p0 =	sne.s32 s7, $0x4B0;
	s7 =	sadd.s32 $0x14, s7;
	_ =	swait.ge [sflag:s30], $0x2800  }
0x59: {  	s11 =	sshrl.u32 s9, $0x3;
	[sflag:s30] =	ssyncset.done $0x0  }
0x5a: {  	s12 =	sadd.s32 s5, s11;
	[sflag:s30] =	ssyncadd.s32 $0xFFFFD800  }
0x5b: {  	[tilespmem:s4], [sflag:$0x5] =	stream.linear.gather [hbm4b:s12+s4], $0x50, $0x38;
	[tilespmem:$0x18AC0] =	vst v63  }
0x5c: {  	_ =	swait.ge [sflag:s21], $0x50  }
0x5d: {  	[sflag:s21] =	ssyncset.done $0x0  }
0x5e: {  	s11 =	sadd.s32 s6, s11;
	[sflag:s21] =	ssyncadd.s32 $0xFFFFFFB0  }
0x5f: {  	[tilespmem:s22], [sflag:$0x5] =	stream.linear.gather [hbm4b:s11+s4], $0x50, $0x38;
	[tilespmem:$0x18AC0] =	vst v63  }
0x60: {  	_ =	swait.ge [sflag:s21], $0x50  }
0x61: {  	[sflag:s21] =	ssyncset.done $0x0  }
0x62: {  	[sflag:s21] =	ssyncadd.s32 $0xFFFFFFB0  }
0x63: {  	[tilespmem:s24], [sflag:$0x1] =	stream.indirect.gather [hbm4b:s2+s23], $0x80, s4, s23, $0xb8;
	[tilespmem:$0x18AC0] =	vst v63  }
0x64: {  	_ =	swait.ge [sflag:s31], $0x2800  }
0x65: {  	[sflag:s31] =	ssyncset.done $0x0  }
0x66: {  	[sflag:s31] =	ssyncadd.s32 $0xFFFFD800  }
0x67: {  	[spmem:s3] =	stream.indirect.scatter.add.f32 [tilespmem:s28], [sflag:$0x4], $0x80, s26, s23, $0xb8;
	[tilespmem:$0x18AC0] =	vst v63  }
0x68: {  	_ =	swait.ge [sflag:s0], $0x2800  }
0x69: {  	[sflag:s0] =	ssyncset.done $0x0  }
0x6a: {  	s11 =	sadd.s32 s10, s18;
	[sflag:s0] =	ssyncadd.s32 $0xFFFFD800  }
0x6b: {  	[tilespmem:s25], [sflag:$0x5] =	stream.linear.gather [hbm4b:s11+s4], $0x50, $0x38;
	[tilespmem:$0x18AC0] =	vst v63  }
0x6c: {  	_ =	swait.ge [sflag:s21], $0x50  }
0x6d: {  	[sflag:s21] =	ssyncset.done $0x0  }
0x6e: {  	s10 =	sadd.s32 s10, s17;
	[sflag:s21] =	ssyncadd.s32 $0xFFFFFFB0  }
0x6f: {  	[tilespmem:s26], [sflag:$0x5] =	stream.linear.gather [hbm4b:s10+s4], $0x50, $0x38;
	[tilespmem:$0x18AC0] =	vst v63  }
0x70: {  	_ =	swait.ge [sflag:s21], $0x50  }
0x71: {  	[sflag:s21] =	ssyncset.done $0x0  }
.Ltmp0:
0x72: {  	[sflag:s21] =	ssyncadd.s32 $0xFFFFFFB0;
	(pc) =	sbr.rel @p0 .LBB2_2-.Ltmp0, $4  }
0x73: {  	[tilespmem:s28], [sflag:$0x2] =	stream.indirect.gather [hbm4b:s2+s23], $0x80, s25, s23, $0xb8;
	[tilespmem:$0x18AC0] =	vst v63  }
0x74: {  	_ =	swait.ge [sflag:s29], $0x2800  }
0x75: {  	[sflag:s29] =	ssyncset.done $0x0  }
0x76: {  	s9 =	sadd.s32 $0xA0, s9;
	[sflag:s29] =	ssyncadd.s32 $0xFFFFD800  }
0x77: {  	[spmem:s3] =	stream.indirect.scatter.add.f32 [tilespmem:s24], [sflag:$0x3], $0x80, s22, s23, $0xb8;
	[tilespmem:$0x18AC0] =	vst v63  }
0x78: {  	_ =	swait.ge [sflag:s30], $0x2800  }
0x79: {  	[sflag:s30] =	ssyncset.done $0x0  }
0x7a: {  	[sflag:s30] =	ssyncadd.s32 $0xFFFFD800  }
0x7b: {  	[tilespmem:s4], [sflag:$0x5] =	stream.linear.gather [hbm4b:s13+s4], $0x50, $0x38;
	[tilespmem:$0x18AC0] =	vst v63  }
0x7c: {  	_ =	swait.ge [sflag:s21], $0x50  }
0x7d: {  	[sflag:s21] =	ssyncset.done $0x0  }
0x7e: {  	[sflag:s21] =	ssyncadd.s32 $0xFFFFFFB0  }
0x7f: {  	[tilespmem:s22], [sflag:$0x5] =	stream.linear.gather [hbm4b:s14+s4], $0x50, $0x38;
	[tilespmem:$0x18AC0] =	vst v63  }
0x80: {  	_ =	swait.ge [sflag:s21], $0x50  }
0x81: {  	[sflag:s21] =	ssyncset.done $0x0  }
0x82: {  	[sflag:s21] =	ssyncadd.s32 $0xFFFFFFB0  }
0x83: {  	[tilespmem:s24], [sflag:$0x1] =	stream.indirect.gather [hbm4b:s2+s23], $0x80, s4, s23, $0xb8;
	[tilespmem:$0x18AC0] =	vst v63  }
0x84: {  	_ =	swait.ge [sflag:s31], $0x2800  }
0x85: {  	[sflag:s31] =	ssyncset.done $0x0  }
0x86: {  	[sflag:s31] =	ssyncadd.s32 $0xFFFFD800  }
0x87: {  	[spmem:s3] =	stream.indirect.scatter.add.f32 [tilespmem:s28], [sflag:$0x4], $0x80, s26, s23, $0xb8;
	[tilespmem:$0x18AC0] =	vst v63  }
0x88: {  	_ =	swait.ge [sflag:s0], $0x2800  }
0x89: {  	[sflag:s0] =	ssyncset.done $0x0  }
0x8a: {  	[sflag:s0] =	ssyncadd.s32 $0xFFFFD800  }
0x8b: {  	_ =	swait.ge [sflag:s29], $0x2800  }
0x8c: {  	[sflag:s29] =	ssyncset.done $0x0  }
0x8d: {  	[sflag:s29] =	ssyncadd.s32 $0xFFFFD800  }
0x8e: {  	[spmem:s3] =	stream.indirect.scatter.add.f32 [tilespmem:s24], [sflag:$0x3], $0x80, s22, s23, $0xb8;
	[tilespmem:$0x18AC0] =	vst v63  }
0x8f: {  	_ =	swait.ge [sflag:s30], $0x2800  }
0x90: {  	s1 =	sadd.s32 $0x1, s1;
	[sflag:s30] =	ssyncset.done $0x0  }
0x91: {  	p0 =	sne.s32 s1, s16;
	[sflag:s30] =	ssyncadd.s32 $0xFFFFD800  }
.Ltmp1:
0x92: {  	[bflag:$0x0] =	sbarrier.arrive $0xFFFF;
	(pc) =	sbr.rel @p0 .LBB2_1-.Ltmp1, $4  }
0x93: {  	[hbm:s15], [sflag:s8] =	dma.local [spmem:s20], $0x2800  }
0x94: {  	_ =	swait.ge [sflag:s21], $0x2800  }
0x95: {  	[sflag:s21] =	ssyncset.done $0x0  }
0x96: {  	[sflag:s21] =	ssyncadd.s32 $0xFFFFD800  }
0x97: {  	_ =	sfence.sel $0x180000  }
0x98: {  	[bflag:$0x0] =	sbarrier.arrive $0xFFFF  }
0x99: {  	_ =	strace $0x9000004A  }
0x9a: {  	s0 =	stileid.u32;
	[bflag:$0x2] =	sbarrier.arrive $0xFFFF  }
0x9b: {  	p0 =	sne.s32 s0, $0x0;
	s0 =	rddreg [dreg:$0x3]  }
0x9c: {  	s0 =	sadd.s32 @!p0 $0x100000, s0  }
0x9d: {  	[sflag:s0] =	ssyncadd.tile.s32 @!p0 $0x1;
	_ =	shalt  }
.Lfunc_end2:
_tile_overlayer_lowered:
.L_overlay_start_2:
0x9e: {  	(tag) =	ssettag $0x2  }
0x9f: {  	s0 =	rddreg [dreg:$0x0];
	s2 =	stileid.u32  }
0xa0: {  	s1 =	rddreg [dreg:$0x1];
	p0 =	sne.s32 s2, $0x0  }
0xa1: {  	s3 =	rddreg [dreg:$0x2];
	[bflag:$0x3] =	sbarrier.arrive $0xFFFF;
	s2 =	simm.s32 @!p0 $0x1C05  }
0xa2: {  	[timem:s3], [sflag:s2] =	dma.local @!p0 [hbm:s0], s1  }
0xa3: {  	s0 =	simm.s32 @!p0 $0x5  }
0xa4: {  	_ =	swait.ge @!p0 [sflag:s0], s1  }
0xa5: {  	s1 =	ssub.s32 @!p0 $0x0, s1;
	[sflag:s0] =	ssyncset.done @!p0 $0x0  }
0xa6: {  	[sflag:s0] =	ssyncadd.s32 @!p0 s1  }
0xa7: {  	[bflag:$0x3] =	sbarrier.arrive $0xFFFF  }
0xa8: {  	_ =	shalt  }

// kernel: kernel.16.cloned.1.call-start
scs
__scs_entry_jumppad:
0x0: {  	(pc) =	sbr.rel $0x88, $3  }
0x1: {  	(tag) =	ssettag $0x0;
	lr =	simm.s32 $0x1  }
0x2: {  	[smem:$0x3F85] =	sst lr;
	_ =	strace $0xD0000000  }
0x3: {  	_ = 	snop  }
0x4: {  	_ = 	snop  }
0x5: {  	_ = 	snop  }
0x6: {  	_ = 	snop  }
0x7: {  	_ = 	snop  }
__scs_overlays_trampoline_lowered:
0x8: {  	[smem:$0x3F94] =	sst s0  }
0x9: {  	[smem:$0x3F95] =	sst s1  }
0xa: {  	[smem:$0x3F96] =	sst s2  }
0xb: {  	[smem:$0x3F97] =	sst s3  }
0xc: {  	[smem:$0x3F98] =	sst s4  }
0xd: {  	[smem:$0x3F99] =	sst s5  }
0xe: {  	[smem:$0x3F9A] =	sst s6  }
0xf: {  	[smem:$0x3F9B] =	sst s7  }
0x10: {  	[smem:$0x3F9C] =	sst s8  }
0x11: {  	[smem:$0x3F9D] =	sst s9;
	s0 =	simm.s32 @!p0 $0x0  }
0x12: {  	s1 =	sld [smem:$0x3F83];
	s0 =	simm.s32 @p0 $0x1  }
0x13: {  	[smem:$0x3F9E] =	sst s0;
	s0 =	simm.s32 @!p1 $0x0  }
0x14: {  	s2 =	sld [smem:$0x3F82];
	s0 =	simm.s32 @p1 $0x1  }
0x15: {  	[smem:$0x3F9F] =	sst s0;
	s0 =	simm.s32 @!p2 $0x0  }
0x16: {  	s3 =	sld [smem:$0x3FDB];
	s0 =	simm.s32 @p2 $0x1  }
0x17: {  	s4 =	simm.s32 $0x1BF5;
	[smem:$0x3FA1] =	sst s0  }
0x18: {  	s0 =	sld [smem:$0x3F84];
	_ =	swait.ge [sflag:s4], $0x0  }
0x19: {  	s7 =	sld [smem:$0x3F85]  }
0x1a: {  	s8 =	sadd.s32 $0xFFFFE003, lr  }
0x1b: {  	s9 =	sadd.s32 $0xFFFFFEF7, lr;
	s5 =	simm.s32 $0xFFFFFFFF;
	p2 =	slt.u32 s8, $0xFFFFF086  }
0x1c: {  	p1 =	slt.u32 s9, $0xF7A;
	s5 =	simm.s32 @!p2 $0x0  }
0x1d: {  	s5 =	simm.s32 @p1 $0x1;
	p0 =	seq.s32 s7, s2  }
0x1e: {  	s7 =	smul.u32 @!p0 $0xF7A, s2;
	p2 =	seq.s32 @!p0 s5, $0x0  }
0x1f: {  	s9 =	smul.u32 $0xF7A, s1;
	s8 =	simm.s32 @!p0 $0x1BF5;
	p2 =	por !p2, p0  }
0x20: {  	[sflag:s8] =	ssyncset.s32 @!p0 $0xFFFFF086;
	s6 =	sadd.s32 @!p0 s3, s7;
	s7 =	simm.s32 @!p0 $0x108  }
0x21: {  	s3 =	sadd.s32 s3, s9;
	s6 =	sadd.s32 @!p0 $0x88, s6;
	s7 =	simm.s32 @p2 $0x1082  }
0x22: {  	[simem:s7], [sflag:s8] =	dma.local @!p0 [hbm:s6], $0xF7A  }
0x23: {  	s9 =	sor.u32 $0xD0000000, s2;
	s6 =	simm.s32 $0x108;
	_ =	swait.ge @!p0 [sflag:s8], $0x0  }
0x24: {  	s3 =	sadd.s32 $0x88, s3;
	s6 =	simm.s32 @!p1 $0x1082;
	[sflag:s4] =	ssyncset.s32 $0xFFFFF086  }
0x25: {  	[simem:s6], [sflag:s4] =	dma.local [hbm:s3], $0xF7A  }
0x26: {  	[smem:$0x3F85] =	sst s1;
	(tag) =	ssettag s2;
	_ =	strace s9  }
0x27: {  	s1 =	sld [smem:$0x3F95]  }
0x28: {  	s2 =	sld [smem:$0x3F96]  }
0x29: {  	s4 =	sld [smem:$0x3F98]  }
0x2a: {  	p0 =	seq.s32 s5, $0x0;
	s5 =	sld [smem:$0x3F99]  }
0x2b: {  	s6 =	sld [smem:$0x3F9A]  }
0x2c: {  	s7 =	sld [smem:$0x3F9B]  }
0x2d: {  	s3 =	simm.s32 $0x108;
	s8 =	sld [smem:$0x3F9C]  }
0x2e: {  	s3 =	simm.s32 @!p0 $0x1082;
	s9 =	sld [smem:$0x3F9D]  }
0x2f: {  	lr =	sadd.s32 s0, s3;
	s0 =	sld [smem:$0x3F94]  }
0x30: {  	s3 =	sld [smem:$0x3F97]  }
0x31: {  	[smem:$0x3FA0] =	sst s10  }
0x32: {  	s10 =	sld [smem:$0x3F9E];
	_ =	sdelay $0x3  }
0x33: {  	p0 =	seq.s32 s10, $0x1;
	s10 =	sld [smem:$0x3FA0];
	_ =	sdelay $0x3  }
0x34: {  	[smem:$0x3FA0] =	sst s10  }
0x35: {  	s10 =	sld [smem:$0x3F9F];
	_ =	sdelay $0x3  }
0x36: {  	p1 =	seq.s32 s10, $0x1;
	s10 =	sld [smem:$0x3FA0];
	_ =	sdelay $0x3  }
0x37: {  	[smem:$0x3FA0] =	sst s10  }
0x38: {  	s10 =	sld [smem:$0x3FA1]  }
0x39: {  	_ = 	snop;
	(pc) =	sbr.ind lr, $3  }
0x3a: {  	_ = 	snop  }
0x3b: {  	_ = 	snop  }
0x3c: {  	p2 =	seq.s32 s10, $0x1;
	s10 =	sld [smem:$0x3FA0]  }
0x3d: {  	_ =	shalt  }
0x3e: {  	_ =	shalt  }
0x3f: {  	_ =	shalt  }
0x40: {  	_ =	shalt  }
0x41: {  	_ =	shalt  }
0x42: {  	_ =	shalt  }
0x43: {  	_ =	shalt  }
0x44: {  	_ =	shalt  }
0x45: {  	_ =	shalt  }
0x46: {  	_ =	shalt  }
0x47: {  	_ =	shalt  }
0x48: {  	_ =	shalt  }
0x49: {  	_ =	shalt  }
0x4a: {  	_ =	shalt  }
0x4b: {  	_ =	shalt  }
0x4c: {  	_ =	shalt  }
0x4d: {  	_ =	shalt  }
0x4e: {  	_ =	shalt  }
0x4f: {  	_ =	shalt  }
0x50: {  	_ =	shalt  }
0x51: {  	_ =	shalt  }
0x52: {  	_ =	shalt  }
0x53: {  	_ =	shalt  }
0x54: {  	_ =	shalt  }
0x55: {  	_ =	shalt  }
0x56: {  	_ =	shalt  }
0x57: {  	_ =	shalt  }
0x58: {  	_ =	shalt  }
0x59: {  	_ =	shalt  }
0x5a: {  	_ =	shalt  }
0x5b: {  	_ =	shalt  }
0x5c: {  	_ =	shalt  }
0x5d: {  	_ =	shalt  }
0x5e: {  	_ =	shalt  }
0x5f: {  	_ =	shalt  }
0x60: {  	_ =	shalt  }
0x61: {  	_ =	shalt  }
0x62: {  	_ =	shalt  }
0x63: {  	_ =	shalt  }
0x64: {  	_ =	shalt  }
0x65: {  	_ =	shalt  }
0x66: {  	_ =	shalt  }
0x67: {  	_ =	shalt  }
0x68: {  	_ =	shalt  }
0x69: {  	_ =	shalt  }
0x6a: {  	_ =	shalt  }
0x6b: {  	_ =	shalt  }
0x6c: {  	_ =	shalt  }
0x6d: {  	_ =	shalt  }
0x6e: {  	_ =	shalt  }
0x6f: {  	_ =	shalt  }
0x70: {  	_ =	shalt  }
0x71: {  	_ =	shalt  }
0x72: {  	_ =	shalt  }
0x73: {  	_ =	shalt  }
0x74: {  	_ =	shalt  }
0x75: {  	_ =	shalt  }
0x76: {  	_ =	shalt  }
0x77: {  	_ =	shalt  }
0x78: {  	_ =	shalt  }
0x79: {  	_ =	shalt  }
0x7a: {  	_ =	shalt  }
0x7b: {  	_ =	shalt  }
0x7c: {  	_ =	shalt  }
0x7d: {  	_ =	shalt  }
0x7e: {  	_ =	shalt  }
0x7f: {  	_ =	shalt  }
0x80: {  	_ =	shalt  }
0x81: {  	_ =	shalt  }
0x82: {  	_ =	shalt  }
0x83: {  	_ =	shalt  }
0x84: {  	_ =	shalt  }
0x85: {  	_ =	shalt  }
0x86: {  	_ =	shalt  }
0x87: {  	_ =	shalt  }
.Lfunc_end0:
.L_simem_size_0:
called_computation.2_lowered:
.L_overlay_start_0:
0x88: {  	s2 =	sld [smem:$0x3FD9]  }
0x89: {  	s3 =	sld [smem:$0x3FFE];
	_ =	sdelay $0x1  }
0x8a: {  	s1 =	srdreg.scid  }
0x8b: {  	s0 =	sand.u32 $0x1, s1  }
0x8c: {  	s17 =	sshll.u32 s0, $0xA;
	s2 =	sadd.s32 s3, s2  }
0x8d: {  	s2 =	sadd.s32 s2, s17  }
0x8e: {  	[smem:$0x3FAC] =	sst s2  }
0x8f: {  	_ = 	snop  }
0x90: {  	s2 =	sld [smem:$0x3FD0];
	(tm) =	ssettm $0x1  }
0x91: {  	s18 =	sld [smem:$0x3FFB];
	_ =	sdelay $0x3  }
0x92: {  	_ =	strace s18  }
0x93: {  	s3 =	sld [smem:$0x3FFC];
	_ =	sdelay $0x3  }
0x94: {  	_ =	strace s3  }
0x95: {  	s3 =	sld [smem:$0x3FFD];
	_ =	sdelay $0x3  }
0x96: {  	_ =	strace s3  }
0x97: {  	_ =	strace $0x8FFFFFFF  }
0x98: {  	s19 =	sld [smem:$0x3FDB];
	_ =	sdelay $0x1  }
0x99: {  	s4 =	simm.s32 $_scs_section_size  }
0x9a: {  	s5 =	simm.s32 $_size__tile_overlayer_lowered;
	s6 =	simm.s32 $_tile_overlayer_lowered  }
0x9b: {  	s22 =	simm.s32 $0x1BFF;
	s21 =	sshll.u32 s6, $0x1;
	s3 =	sadd.s32 s4, s19  }
0x9c: {  	s7 =	simm.s32 $0x0;
	s20 =	sshll.u32 s5, $0x1;
	s5 =	sadd.s32 s21, s3  }
0x9d: {  	[timem:s7], [sflag:s22] =	dma.local [hbm:s5], s20  }
0x9e: {  	_ =	swait.ge [sflag:s22], s20  }
0x9f: {  	s4 =	ssub.s32 $0x0, s20;
	[sflag:s22] =	ssyncset.done $0x0  }
0xa0: {  	[sflag:s22] =	ssyncadd.s32 s4;
	_ =	sdelay $0x1  }
0xa1: {  	s23 =	simm.s32 $0x1B8B  }
0xa2: {  	_ =	swait.ge [sflag:s23], $0x1  }
0xa3: {  	[sflag:s23] =	ssyncset.done $0x0  }
0xa4: {  	s25 =	simm.s32 $0x1B8E;
	s24 =	sld [smem:$0x3FFE];
	[sflag:s23] =	ssyncadd.s32 $0xFFFFFFFF  }
0xa5: {  	s26 =	simm.s32 $execute0_lowered;
	[smem:$0x3FD2] =	sst s25  }
0xa6: {  	s5 =	sshll.u32 s26, $0x1;
	_ =	strace $0x8000004C;
	[dreg:$0x1] =	wrdreg $0xFFFFFFFF  }
0xa7: {  	s28 =	simm.s32 $_size_execute0_lowered;
	s3 =	sadd.s32 s3, s5;
	[dreg:$0x0] =	wrdreg $0x0  }
0xa8: {  	s5 =	sshll.u32 s28, $0x1;
	[dreg:$0x2] =	wrdreg s3  }
0xa9: {  	[dreg:$0x3] =	wrdreg s5  }
0xaa: {  	[dreg:$0x4] =	wrdreg $0xC0  }
0xab: {  	_ =	task [dreg:s7], $0x5FFFF  }
0xac: {  	[dreg:$0x1] =	wrdreg $0xFFFFFFFF  }
0xad: {  	[dreg:$0x0] =	wrdreg $0x60  }
0xae: {  	[dreg:$0x2] =	wrdreg s2  }
0xaf: {  	[dreg:$0x3] =	wrdreg s24  }
0xb0: {  	[dreg:$0x4] =	wrdreg $0x52000  }
0xb1: {  	[dreg:$0x5] =	wrdreg $0x9  }
0xb2: {  	_ =	task.clear_ibuf [dreg:s7], $0x6FFFF;
	_ =	strace $0x9000004C  }
0xb3: {  	s29 =	simm.s32 $0x9;
	_ =	strace $0x8000004E  }
0xb4: {  	_ =	swait.ge [sflag:s29], $0x1  }
0xb5: {  	[sflag:s29] =	ssyncadd.s32 $0xFFFFFFFF  }
0xb6: {  	_ =	strace $0x9000004E  }
0xb7: {  	_ =	sfence  }
0xb8: {  	s30 =	sld [smem:$0x0];
	_ =	sdelay $0x2  }
0xb9: {  	s31 =	sshll.u32 s1, $0xD;
	s1 =	sshrl.u32 s1, $0x2  }
0xba: {  	s3 =	sand.u32 $0x4000, s31;
	s1 =	sadd.s32 s1, s30  }
0xbb: {  	s0 =	sor.u32 s3, s0;
	s1 =	sshll.u32 s1, $0x11  }
0xbc: {  	s0 =	sor.u32 s1, s0  }
0xbd: {  	s0 =	sadd.s32 $0x8F2B, s0  }
0xbe: {  	[sflag:s0] =	ssyncadd.remote.s32 $0x1  }
0xbf: {  	_ =	sfence.sel $0xFFFF  }
0xc0: {  	[dreg:$0x0] =	wrdreg $0xFFFFFFFF;
	(pc) =	sbr.abs _section_cstart, $3  }
0xc1: {  	[dreg:$0x1] =	wrdreg $0xFFFFFFFF  }
0xc2: {  	_ =	task.clear_ibuf [dreg:s7], $0x2FFFF;
	_ =	strace $0x9FFFFFFF  }
0xc3: {  	(tm) =	ssettm $0x7FFFFFFF  }
tec
execute0_lowered:
.L_overlay_start_1:
0x0: {  	(tag) =	ssettag $0x1  }
0x1: {  	s2 =	rddreg [dreg:$0x0]  }
0x2: {  	s0 =	rddreg [dreg:$0x1]  }
0x3: {  	s3 =	rddreg [dreg:$0x2];
	s12 =	stileid.u32  }
0x4: {  	s1 =	srdreg.scid;
	s4 =	simm.s32 $0x0;
	s28 =	simm.s32 $0x2A00  }
0x5: {  	s29 =	simm.s32 $0x1;
	s30 =	simm.s32 $0x3;
	s31 =	simm.s32 $0x2  }
0x6: {  	s6 =	smul.u32 $0x13800, s12;
	s1 =	sand.u32 $0x1, s1;
	[smem:$0x7FF] =	sst s4  }
0x7: {  	s5 =	sadd.s32 $0x7600, s0;
	s10 =	smul.u32 $0x4E000, s12;
	s22 =	sshll.u32 s12, $0x6  }
0x8: {  	s7 =	smul.u32 $0x138800, s1;
	_ =	strace $0x8000004D;
	s9 =	ssub.s32 $0x2, s1  }
0x9: {  	s11 =	sshll.u32 s1, $0x4;
	s1 =	smul.u32 $0x27100, s1;
	s8 =	sshrl.u32 s6, $0x3  }
0xa: {  	s19 =	sshrl.u32 s9, $0x1;
	s11 =	sor.u32 s12, s11;
	s20 =	sshrl.u32 s10, $0x2  }
0xb: {  	s12 =	smul.u32 $0x2710, s12;
	s7 =	sadd.s32 s6, s7;
	s6 =	sadd.s32 $0x11400, s0  }
0xc: {  	s8 =	sadd.s32 s8, s0;
	s21 =	smul.u32 $0x2710, s11;
	s7 =	sshrl.u32 s7, $0x3  }
0xd: {  	s8 =	sadd.s32 $0x2B800, s8;
	s1 =	sadd.s32 s12, s1;
	s0 =	sadd.s32 s7, s0  }
0xe: {  	s7 =	ssub.s32 s9, s19;
	s9 =	sadd.s32 s20, s3;
	[dreg:$0x4] =	wrdreg s8  }
0xf: {  	s13 =	sshrl.u32 s21, $0x3;
	s8 =	sor.u32 $0x1C05, s22;
	s15 =	sadd.s32 $0xF0, s1  }
0x10: {  	s19 =	sadd.s32 $0xA0, s1;
	s21 =	simm.s32 $0x5;
	s22 =	simm.s32 $0x80  }
0x11: {  	s1 =	simm.s32 $0x0;
	s10 =	sadd.s32 s5, s13;
	s14 =	sadd.s32 $0xA, s13  }
0x12: {  	s23 =	sadd.s32 s6, s13;
	s26 =	sadd.s32 $0x4D8, s13;
	s18 =	sshrl.u32 s15, $0x3  }
0x13: {  	s15 =	sadd.s32 $0x52A00, s0;
	s16 =	smax.u32 s7, $0x1;
	[dreg:$0x5] =	wrdreg s10  }
0x14: {  	s20 =	sshrl.u32 s9, $0x3;
	s0 =	simm.s32 $0x4;
	[dreg:$0x6] =	wrdreg s23  }
0x15: {  	s24 =	sadd.s32 s5, s14;
	s25 =	sadd.s32 s6, s14;
	s13 =	sadd.s32 s5, s26  }
0x16: {  	s14 =	sadd.s32 s6, s26;
	s17 =	sadd.s32 s18, s6;
	s18 =	sadd.s32 s18, s5  }
0x17: {  	s23 =	simm.s32 $0x50;
	s26 =	simm.s32 $0x180;
	[dreg:$0x7] =	wrdreg s24  }
0x18: {  	[dreg:$0x8] =	wrdreg s25;
	s24 =	simm.s32 $0x200;
	s25 =	simm.s32 $0x100  }
.LBB2_1:
0x19: {  	s7 =	rddreg [dreg:$0x4]  }
0x1a: {  	[spmem:s20], [sflag:s8] =	dma.local [hbm:s7], $0x2880  }
0x1b: {  	_ =	swait.ge [sflag:s21], $0x2880  }
0x1c: {  	[sflag:s21] =	ssyncset.done $0x0  }
0x1d: {  	[sflag:s21] =	ssyncadd.s32 $0xFFFFD780  }
0x1e: {  	[bflag:$0x0] =	sbarrier.arrive $0xFFFF  }
0x1f: {  	s10 =	rddreg [dreg:$0x5]  }
0x20: {  	[tilespmem:s4], [sflag:$0x5] =	stream.linear.gather [hbm4b:s10+s4], $0x50, $0x38;
	[tilespmem:$0x18AC0] =	vst v63  }
0x21: {  	_ =	swait.ge [sflag:s21], $0x50  }
0x22: {  	[sflag:s21] =	ssyncset.done $0x0  }
0x23: {  	s11 =	rddreg [dreg:$0x6];
	[sflag:s21] =	ssyncadd.s32 $0xFFFFFFB0  }
0x24: {  	[tilespmem:s22], [sflag:$0x5] =	stream.linear.gather [hbm4b:s11+s4], $0x50, $0x38;
	[tilespmem:$0x18AC0] =	vst v63  }
0x25: {  	_ =	swait.ge [sflag:s21], $0x50  }
0x26: {  	[sflag:s21] =	ssyncset.done $0x0  }
0x27: {  	[sflag:s21] =	ssyncadd.s32 $0xFFFFFFB0  }
0x28: {  	[tilespmem:s24], [sflag:$0x1] =	stream.indirect.gather [hbm4b:s2+s23], $0x80, s4, s23, $0xb8;
	[tilespmem:$0x18AC0] =	vst v63  }
0x29: {  	s12 =	rddreg [dreg:$0x7]  }
0x2a: {  	[tilespmem:s25], [sflag:$0x5] =	stream.linear.gather [hbm4b:s12+s4], $0x50, $0x38;
	[tilespmem:$0x18AC0] =	vst v63  }
0x2b: {  	_ =	swait.ge [sflag:s21], $0x50  }
0x2c: {  	[sflag:s21] =	ssyncset.done $0x0  }
0x2d: {  	s9 =	rddreg [dreg:$0x8];
	[sflag:s21] =	ssyncadd.s32 $0xFFFFFFB0  }
0x2e: {  	[tilespmem:s26], [sflag:$0x5] =	stream.linear.gather [hbm4b:s9+s4], $0x50, $0x38;
	[tilespmem:$0x18AC0] =	vst v63  }
0x2f: {  	_ =	swait.ge [sflag:s21], $0x50  }
0x30: {  	[sflag:s21] =	ssyncset.done $0x0  }
0x31: {  	[sflag:s21] =	ssyncadd.s32 $0xFFFFFFB0  }
0x32: {  	[tilespmem:s28], [sflag:$0x2] =	stream.indirect.gather [hbm4b:s2+s23], $0x80, s25, s23, $0xb8;
	[tilespmem:$0x18AC0] =	vst v63  }
0x33: {  	_ =	swait.ge [sflag:s29], $0x2800  }
0x34: {  	[sflag:s29] =	ssyncset.done $0x0  }
0x35: {  	[sflag:s29] =	ssyncadd.s32 $0xFFFFD800  }
0x36: {  	[spmem:s3] =	stream.indirect.scatter.add.f32 [tilespmem:s24], [sflag:$0x3], $0x80, s22, s23, $0xb8;
	[tilespmem:$0x18AC0] =	vst v63  }
0x37: {  	_ =	swait.ge [sflag:s30], $0x2800  }
0x38: {  	s10 =	sshrl.u32 s19, $0x3;
	[sflag:s30] =	ssyncset.done $0x0  }
0x39: {  	s9 =	sadd.s32 s5, s10;
	[sflag:s30] =	ssyncadd.s32 $0xFFFFD800  }
0x3a: {  	[tilespmem:s4], [sflag:$0x5] =	stream.linear.gather [hbm4b:s9+s4], $0x50, $0x38;
	[tilespmem:$0x18AC0] =	vst v63  }
0x3b: {  	_ =	swait.ge [sflag:s21], $0x50  }
0x3c: {  	[sflag:s21] =	ssyncset.done $0x0  }
0x3d: {  	s7 =	sadd.s32 s6, s10;
	[sflag:s21] =	ssyncadd.s32 $0xFFFFFFB0  }
0x3e: {  	[tilespmem:s22], [sflag:$0x5] =	stream.linear.gather [hbm4b:s7+s4], $0x50, $0x38;
	[tilespmem:$0x18AC0] =	vst v63  }
0x3f: {  	_ =	swait.ge [sflag:s21], $0x50  }
0x40: {  	[sflag:s21] =	ssyncset.done $0x0  }
0x41: {  	[sflag:s21] =	ssyncadd.s32 $0xFFFFFFB0  }
0x42: {  	[tilespmem:s24], [sflag:$0x1] =	stream.indirect.gather [hbm4b:s2+s23], $0x80, s4, s23, $0xb8;
	[tilespmem:$0x18AC0] =	vst v63  }
0x43: {  	_ =	swait.ge [sflag:s31], $0x2800  }
0x44: {  	[sflag:s31] =	ssyncset.done $0x0  }
0x45: {  	[sflag:s31] =	ssyncadd.s32 $0xFFFFD800  }
0x46: {  	[spmem:s3] =	stream.indirect.scatter.add.f32 [tilespmem:s28], [sflag:$0x4], $0x80, s26, s23, $0xb8;
	[tilespmem:$0x18AC0] =	vst v63  }
0x47: {  	_ =	swait.ge [sflag:s0], $0x2800  }
0x48: {  	[sflag:s0] =	ssyncset.done $0x0  }
0x49: {  	s11 =	sadd.s32 $0x0, s18;
	[sflag:s0] =	ssyncadd.s32 $0xFFFFD800  }
0x4a: {  	[tilespmem:s25], [sflag:$0x5] =	stream.linear.gather [hbm4b:s11+s4], $0x50, $0x38;
	[tilespmem:$0x18AC0] =	vst v63  }
0x4b: {  	_ =	swait.ge [sflag:s21], $0x50  }
0x4c: {  	[sflag:s21] =	ssyncset.done $0x0  }
0x4d: {  	s12 =	sadd.s32 $0x0, s17;
	[sflag:s21] =	ssyncadd.s32 $0xFFFFFFB0  }
0x4e: {  	[tilespmem:s26], [sflag:$0x5] =	stream.linear.gather [hbm4b:s12+s4], $0x50, $0x38;
	[tilespmem:$0x18AC0] =	vst v63  }
0x4f: {  	_ =	swait.ge [sflag:s21], $0x50  }
0x50: {  	[sflag:s21] =	ssyncset.done $0x0  }
0x51: {  	[sflag:s21] =	ssyncadd.s32 $0xFFFFFFB0  }
0x52: {  	[tilespmem:s28], [sflag:$0x2] =	stream.indirect.gather [hbm4b:s2+s23], $0x80, s25, s23, $0xb8;
	[tilespmem:$0x18AC0] =	vst v63  }
0x53: {  	_ =	swait.ge [sflag:s29], $0x2800  }
0x54: {  	[sflag:s29] =	ssyncset.done $0x0  }
0x55: {  	s9 =	sadd.s32 $0xA0, s19;
	s7 =	simm.s32 $0x14;
	[sflag:s29] =	ssyncadd.s32 $0xFFFFD800  }
.LBB2_2:
0x56: {  	[spmem:s3] =	stream.indirect.scatter.add.f32 [tilespmem:s24], [sflag:$0x3], $0x80, s22, s23, $0xb8;
	[tilespmem:$0x18AC0] =	vst v63  }
0x57: {  	s10 =	smov.u32 s7  }
0x58: {  	p0 =	sne.s32 s7, $0x4B0;
	s7 =	sadd.s32 $0x14, s7;
	_ =	swait.ge [sflag:s30], $0x2800  }
0x59: {  	s11 =	sshrl.u32 s9, $0x3;
	[sflag:s30] =	ssyncset.done $0x0  }
0x5a: {  	s12 =	sadd.s32 s5, s11;
	[sflag:s30] =	ssyncadd.s32 $0xFFFFD800  }
0x5b: {  	[tilespmem:s4], [sflag:$0x5] =	stream.linear.gather [hbm4b:s12+s4], $0x50, $0x38;
	[tilespmem:$0x18AC0] =	vst v63  }
0x5c: {  	_ =	swait.ge [sflag:s21], $0x50  }
0x5d: {  	[sflag:s21] =	ssyncset.done $0x0  }
0x5e: {  	s11 =	sadd.s32 s6, s11;
	[sflag:s21] =	ssyncadd.s32 $0xFFFFFFB0  }
0x5f: {  	[tilespmem:s22], [sflag:$0x5] =	stream.linear.gather [hbm4b:s11+s4], $0x50, $0x38;
	[tilespmem:$0x18AC0] =	vst v63  }
0x60: {  	_ =	swait.ge [sflag:s21], $0x50  }
0x61: {  	[sflag:s21] =	ssyncset.done $0x0  }
0x62: {  	[sflag:s21] =	ssyncadd.s32 $0xFFFFFFB0  }
0x63: {  	[tilespmem:s24], [sflag:$0x1] =	stream.indirect.gather [hbm4b:s2+s23], $0x80, s4, s23, $0xb8;
	[tilespmem:$0x18AC0] =	vst v63  }
0x64: {  	_ =	swait.ge [sflag:s31], $0x2800  }
0x65: {  	[sflag:s31] =	ssyncset.done $0x0  }
0x66: {  	[sflag:s31] =	ssyncadd.s32 $0xFFFFD800  }
0x67: {  	[spmem:s3] =	stream.indirect.scatter.add.f32 [tilespmem:s28], [sflag:$0x4], $0x80, s26, s23, $0xb8;
	[tilespmem:$0x18AC0] =	vst v63  }
0x68: {  	_ =	swait.ge [sflag:s0], $0x2800  }
0x69: {  	[sflag:s0] =	ssyncset.done $0x0  }
0x6a: {  	s11 =	sadd.s32 s10, s18;
	[sflag:s0] =	ssyncadd.s32 $0xFFFFD800  }
0x6b: {  	[tilespmem:s25], [sflag:$0x5] =	stream.linear.gather [hbm4b:s11+s4], $0x50, $0x38;
	[tilespmem:$0x18AC0] =	vst v63  }
0x6c: {  	_ =	swait.ge [sflag:s21], $0x50  }
0x6d: {  	[sflag:s21] =	ssyncset.done $0x0  }
0x6e: {  	s10 =	sadd.s32 s10, s17;
	[sflag:s21] =	ssyncadd.s32 $0xFFFFFFB0  }
0x6f: {  	[tilespmem:s26], [sflag:$0x5] =	stream.linear.gather [hbm4b:s10+s4], $0x50, $0x38;
	[tilespmem:$0x18AC0] =	vst v63  }
0x70: {  	_ =	swait.ge [sflag:s21], $0x50  }
0x71: {  	[sflag:s21] =	ssyncset.done $0x0  }
.Ltmp0:
0x72: {  	[sflag:s21] =	ssyncadd.s32 $0xFFFFFFB0;
	(pc) =	sbr.rel @p0 .LBB2_2-.Ltmp0, $4  }
0x73: {  	[tilespmem:s28], [sflag:$0x2] =	stream.indirect.gather [hbm4b:s2+s23], $0x80, s25, s23, $0xb8;
	[tilespmem:$0x18AC0] =	vst v63  }
0x74: {  	_ =	swait.ge [sflag:s29], $0x2800  }
0x75: {  	[sflag:s29] =	ssyncset.done $0x0  }
0x76: {  	s9 =	sadd.s32 $0xA0, s9;
	[sflag:s29] =	ssyncadd.s32 $0xFFFFD800  }
0x77: {  	[spmem:s3] =	stream.indirect.scatter.add.f32 [tilespmem:s24], [sflag:$0x3], $0x80, s22, s23, $0xb8;
	[tilespmem:$0x18AC0] =	vst v63  }
0x78: {  	_ =	swait.ge [sflag:s30], $0x2800  }
0x79: {  	[sflag:s30] =	ssyncset.done $0x0  }
0x7a: {  	[sflag:s30] =	ssyncadd.s32 $0xFFFFD800  }
0x7b: {  	[tilespmem:s4], [sflag:$0x5] =	stream.linear.gather [hbm4b:s13+s4], $0x50, $0x38;
	[tilespmem:$0x18AC0] =	vst v63  }
0x7c: {  	_ =	swait.ge [sflag:s21], $0x50  }
0x7d: {  	[sflag:s21] =	ssyncset.done $0x0  }
0x7e: {  	[sflag:s21] =	ssyncadd.s32 $0xFFFFFFB0  }
0x7f: {  	[tilespmem:s22], [sflag:$0x5] =	stream.linear.gather [hbm4b:s14+s4], $0x50, $0x38;
	[tilespmem:$0x18AC0] =	vst v63  }
0x80: {  	_ =	swait.ge [sflag:s21], $0x50  }
0x81: {  	[sflag:s21] =	ssyncset.done $0x0  }
0x82: {  	[sflag:s21] =	ssyncadd.s32 $0xFFFFFFB0  }
0x83: {  	[tilespmem:s24], [sflag:$0x1] =	stream.indirect.gather [hbm4b:s2+s23], $0x80, s4, s23, $0xb8;
	[tilespmem:$0x18AC0] =	vst v63  }
0x84: {  	_ =	swait.ge [sflag:s31], $0x2800  }
0x85: {  	[sflag:s31] =	ssyncset.done $0x0  }
0x86: {  	[sflag:s31] =	ssyncadd.s32 $0xFFFFD800  }
0x87: {  	[spmem:s3] =	stream.indirect.scatter.add.f32 [tilespmem:s28], [sflag:$0x4], $0x80, s26, s23, $0xb8;
	[tilespmem:$0x18AC0] =	vst v63  }
0x88: {  	_ =	swait.ge [sflag:s0], $0x2800  }
0x89: {  	[sflag:s0] =	ssyncset.done $0x0  }
0x8a: {  	[sflag:s0] =	ssyncadd.s32 $0xFFFFD800  }
0x8b: {  	_ =	swait.ge [sflag:s29], $0x2800  }
0x8c: {  	[sflag:s29] =	ssyncset.done $0x0  }
0x8d: {  	[sflag:s29] =	ssyncadd.s32 $0xFFFFD800  }
0x8e: {  	[spmem:s3] =	stream.indirect.scatter.add.f32 [tilespmem:s24], [sflag:$0x3], $0x80, s22, s23, $0xb8;
	[tilespmem:$0x18AC0] =	vst v63  }
0x8f: {  	_ =	swait.ge [sflag:s30], $0x2800  }
0x90: {  	s1 =	sadd.s32 $0x1, s1;
	[sflag:s30] =	ssyncset.done $0x0  }
0x91: {  	p0 =	sne.s32 s1, s16;
	[sflag:s30] =	ssyncadd.s32 $0xFFFFD800  }
.Ltmp1:
0x92: {  	[bflag:$0x0] =	sbarrier.arrive $0xFFFF;
	(pc) =	sbr.rel @p0 .LBB2_1-.Ltmp1, $4  }
0x93: {  	[hbm:s15], [sflag:s8] =	dma.local [spmem:s20], $0x2800  }
0x94: {  	_ =	swait.ge [sflag:s21], $0x2800  }
0x95: {  	[sflag:s21] =	ssyncset.done $0x0  }
0x96: {  	[sflag:s21] =	ssyncadd.s32 $0xFFFFD800  }
0x97: {  	_ =	sfence.sel $0x180000  }
0x98: {  	[bflag:$0x0] =	sbarrier.arrive $0xFFFF  }
0x99: {  	_ =	strace $0x9000004D  }
0x9a: {  	s0 =	stileid.u32;
	[bflag:$0x2] =	sbarrier.arrive $0xFFFF  }
0x9b: {  	p0 =	sne.s32 s0, $0x0;
	s0 =	rddreg [dreg:$0x3]  }
0x9c: {  	s0 =	sadd.s32 @!p0 $0x100000, s0  }
0x9d: {  	[sflag:s0] =	ssyncadd.tile.s32 @!p0 $0x1;
	_ =	shalt  }
.Lfunc_end2:
_tile_overlayer_lowered:
.L_overlay_start_2:
0x9e: {  	(tag) =	ssettag $0x2  }
0x9f: {  	s0 =	rddreg [dreg:$0x0];
	s2 =	stileid.u32  }
0xa0: {  	s1 =	rddreg [dreg:$0x1];
	p0 =	sne.s32 s2, $0x0  }
0xa1: {  	s3 =	rddreg [dreg:$0x2];
	[bflag:$0x3] =	sbarrier.arrive $0xFFFF;
	s2 =	simm.s32 @!p0 $0x1C05  }
0xa2: {  	[timem:s3], [sflag:s2] =	dma.local @!p0 [hbm:s0], s1  }
0xa3: {  	s0 =	simm.s32 @!p0 $0x5  }
0xa4: {  	_ =	swait.ge @!p0 [sflag:s0], s1  }
0xa5: {  	s1 =	ssub.s32 @!p0 $0x0, s1;
	[sflag:s0] =	ssyncset.done @!p0 $0x0  }
0xa6: {  	[sflag:s0] =	ssyncadd.s32 @!p0 s1  }
0xa7: {  	[bflag:$0x3] =	sbarrier.arrive $0xFFFF  }
0xa8: {  	_ =	shalt  }

// kernel: kernel.19.cloned.1.call-start
scs
__scs_entry_jumppad:
0x0: {  	(pc) =	sbr.rel $0x88, $3  }
0x1: {  	(tag) =	ssettag $0x0;
	lr =	simm.s32 $0x1  }
0x2: {  	[smem:$0x3F85] =	sst lr;
	_ =	strace $0xD0000000  }
0x3: {  	_ = 	snop  }
0x4: {  	_ = 	snop  }
0x5: {  	_ = 	snop  }
0x6: {  	_ = 	snop  }
0x7: {  	_ = 	snop  }
__scs_overlays_trampoline_lowered:
0x8: {  	[smem:$0x3F94] =	sst s0  }
0x9: {  	[smem:$0x3F95] =	sst s1  }
0xa: {  	[smem:$0x3F96] =	sst s2  }
0xb: {  	[smem:$0x3F97] =	sst s3  }
0xc: {  	[smem:$0x3F98] =	sst s4  }
0xd: {  	[smem:$0x3F99] =	sst s5  }
0xe: {  	[smem:$0x3F9A] =	sst s6  }
0xf: {  	[smem:$0x3F9B] =	sst s7  }
0x10: {  	[smem:$0x3F9C] =	sst s8  }
0x11: {  	[smem:$0x3F9D] =	sst s9;
	s0 =	simm.s32 @!p0 $0x0  }
0x12: {  	s1 =	sld [smem:$0x3F83];
	s0 =	simm.s32 @p0 $0x1  }
0x13: {  	[smem:$0x3F9E] =	sst s0;
	s0 =	simm.s32 @!p1 $0x0  }
0x14: {  	s2 =	sld [smem:$0x3F82];
	s0 =	simm.s32 @p1 $0x1  }
0x15: {  	[smem:$0x3F9F] =	sst s0;
	s0 =	simm.s32 @!p2 $0x0  }
0x16: {  	s3 =	sld [smem:$0x3FDB];
	s0 =	simm.s32 @p2 $0x1  }
0x17: {  	s4 =	simm.s32 $0x1BF5;
	[smem:$0x3FA1] =	sst s0  }
0x18: {  	s0 =	sld [smem:$0x3F84];
	_ =	swait.ge [sflag:s4], $0x0  }
0x19: {  	s7 =	sld [smem:$0x3F85]  }
0x1a: {  	s8 =	sadd.s32 $0xFFFFE003, lr  }
0x1b: {  	s9 =	sadd.s32 $0xFFFFFEF7, lr;
	s5 =	simm.s32 $0xFFFFFFFF;
	p2 =	slt.u32 s8, $0xFFFFF086  }
0x1c: {  	p1 =	slt.u32 s9, $0xF7A;
	s5 =	simm.s32 @!p2 $0x0  }
0x1d: {  	s5 =	simm.s32 @p1 $0x1;
	p0 =	seq.s32 s7, s2  }
0x1e: {  	s7 =	smul.u32 @!p0 $0xF7A, s2;
	p2 =	seq.s32 @!p0 s5, $0x0  }
0x1f: {  	s9 =	smul.u32 $0xF7A, s1;
	s8 =	simm.s32 @!p0 $0x1BF5;
	p2 =	por !p2, p0  }
0x20: {  	[sflag:s8] =	ssyncset.s32 @!p0 $0xFFFFF086;
	s6 =	sadd.s32 @!p0 s3, s7;
	s7 =	simm.s32 @!p0 $0x108  }
0x21: {  	s3 =	sadd.s32 s3, s9;
	s6 =	sadd.s32 @!p0 $0x88, s6;
	s7 =	simm.s32 @p2 $0x1082  }
0x22: {  	[simem:s7], [sflag:s8] =	dma.local @!p0 [hbm:s6], $0xF7A  }
0x23: {  	s9 =	sor.u32 $0xD0000000, s2;
	s6 =	simm.s32 $0x108;
	_ =	swait.ge @!p0 [sflag:s8], $0x0  }
0x24: {  	s3 =	sadd.s32 $0x88, s3;
	s6 =	simm.s32 @!p1 $0x1082;
	[sflag:s4] =	ssyncset.s32 $0xFFFFF086  }
0x25: {  	[simem:s6], [sflag:s4] =	dma.local [hbm:s3], $0xF7A  }
0x26: {  	[smem:$0x3F85] =	sst s1;
	(tag) =	ssettag s2;
	_ =	strace s9  }
0x27: {  	s1 =	sld [smem:$0x3F95]  }
0x28: {  	s2 =	sld [smem:$0x3F96]  }
0x29: {  	s4 =	sld [smem:$0x3F98]  }
0x2a: {  	p0 =	seq.s32 s5, $0x0;
	s5 =	sld [smem:$0x3F99]  }
0x2b: {  	s6 =	sld [smem:$0x3F9A]  }
0x2c: {  	s7 =	sld [smem:$0x3F9B]  }
0x2d: {  	s3 =	simm.s32 $0x108;
	s8 =	sld [smem:$0x3F9C]  }
0x2e: {  	s3 =	simm.s32 @!p0 $0x1082;
	s9 =	sld [smem:$0x3F9D]  }
0x2f: {  	lr =	sadd.s32 s0, s3;
	s0 =	sld [smem:$0x3F94]  }
0x30: {  	s3 =	sld [smem:$0x3F97]  }
0x31: {  	[smem:$0x3FA0] =	sst s10  }
0x32: {  	s10 =	sld [smem:$0x3F9E];
	_ =	sdelay $0x3  }
0x33: {  	p0 =	seq.s32 s10, $0x1;
	s10 =	sld [smem:$0x3FA0];
	_ =	sdelay $0x3  }
0x34: {  	[smem:$0x3FA0] =	sst s10  }
0x35: {  	s10 =	sld [smem:$0x3F9F];
	_ =	sdelay $0x3  }
0x36: {  	p1 =	seq.s32 s10, $0x1;
	s10 =	sld [smem:$0x3FA0];
	_ =	sdelay $0x3  }
0x37: {  	[smem:$0x3FA0] =	sst s10  }
0x38: {  	s10 =	sld [smem:$0x3FA1]  }
0x39: {  	_ = 	snop;
	(pc) =	sbr.ind lr, $3  }
0x3a: {  	_ = 	snop  }
0x3b: {  	_ = 	snop  }
0x3c: {  	p2 =	seq.s32 s10, $0x1;
	s10 =	sld [smem:$0x3FA0]  }
0x3d: {  	_ =	shalt  }
0x3e: {  	_ =	shalt  }
0x3f: {  	_ =	shalt  }
0x40: {  	_ =	shalt  }
0x41: {  	_ =	shalt  }
0x42: {  	_ =	shalt  }
0x43: {  	_ =	shalt  }
0x44: {  	_ =	shalt  }
0x45: {  	_ =	shalt  }
0x46: {  	_ =	shalt  }
0x47: {  	_ =	shalt  }
0x48: {  	_ =	shalt  }
0x49: {  	_ =	shalt  }
0x4a: {  	_ =	shalt  }
0x4b: {  	_ =	shalt  }
0x4c: {  	_ =	shalt  }
0x4d: {  	_ =	shalt  }
0x4e: {  	_ =	shalt  }
0x4f: {  	_ =	shalt  }
0x50: {  	_ =	shalt  }
0x51: {  	_ =	shalt  }
0x52: {  	_ =	shalt  }
0x53: {  	_ =	shalt  }
0x54: {  	_ =	shalt  }
0x55: {  	_ =	shalt  }
0x56: {  	_ =	shalt  }
0x57: {  	_ =	shalt  }
0x58: {  	_ =	shalt  }
0x59: {  	_ =	shalt  }
0x5a: {  	_ =	shalt  }
0x5b: {  	_ =	shalt  }
0x5c: {  	_ =	shalt  }
0x5d: {  	_ =	shalt  }
0x5e: {  	_ =	shalt  }
0x5f: {  	_ =	shalt  }
0x60: {  	_ =	shalt  }
0x61: {  	_ =	shalt  }
0x62: {  	_ =	shalt  }
0x63: {  	_ =	shalt  }
0x64: {  	_ =	shalt  }
0x65: {  	_ =	shalt  }
0x66: {  	_ =	shalt  }
0x67: {  	_ =	shalt  }
0x68: {  	_ =	shalt  }
0x69: {  	_ =	shalt  }
0x6a: {  	_ =	shalt  }
0x6b: {  	_ =	shalt  }
0x6c: {  	_ =	shalt  }
0x6d: {  	_ =	shalt  }
0x6e: {  	_ =	shalt  }
0x6f: {  	_ =	shalt  }
0x70: {  	_ =	shalt  }
0x71: {  	_ =	shalt  }
0x72: {  	_ =	shalt  }
0x73: {  	_ =	shalt  }
0x74: {  	_ =	shalt  }
0x75: {  	_ =	shalt  }
0x76: {  	_ =	shalt  }
0x77: {  	_ =	shalt  }
0x78: {  	_ =	shalt  }
0x79: {  	_ =	shalt  }
0x7a: {  	_ =	shalt  }
0x7b: {  	_ =	shalt  }
0x7c: {  	_ =	shalt  }
0x7d: {  	_ =	shalt  }
0x7e: {  	_ =	shalt  }
0x7f: {  	_ =	shalt  }
0x80: {  	_ =	shalt  }
0x81: {  	_ =	shalt  }
0x82: {  	_ =	shalt  }
0x83: {  	_ =	shalt  }
0x84: {  	_ =	shalt  }
0x85: {  	_ =	shalt  }
0x86: {  	_ =	shalt  }
0x87: {  	_ =	shalt  }
.Lfunc_end0:
.L_simem_size_0:
called_computation.3_lowered:
.L_overlay_start_0:
0x88: {  	s2 =	sld [smem:$0x3FD9]  }
0x89: {  	s3 =	sld [smem:$0x3FFE];
	_ =	sdelay $0x1  }
0x8a: {  	s1 =	srdreg.scid  }
0x8b: {  	s0 =	sand.u32 $0x1, s1  }
0x8c: {  	s17 =	sshll.u32 s0, $0xA;
	s2 =	sadd.s32 s3, s2  }
0x8d: {  	s2 =	sadd.s32 s2, s17  }
0x8e: {  	[smem:$0x3FAC] =	sst s2  }
0x8f: {  	_ = 	snop  }
0x90: {  	s2 =	sld [smem:$0x3FD0];
	(tm) =	ssettm $0x1  }
0x91: {  	s18 =	sld [smem:$0x3FFB];
	_ =	sdelay $0x3  }
0x92: {  	_ =	strace s18  }
0x93: {  	s3 =	sld [smem:$0x3FFC];
	_ =	sdelay $0x3  }
0x94: {  	_ =	strace s3  }
0x95: {  	s3 =	sld [smem:$0x3FFD];
	_ =	sdelay $0x3  }
0x96: {  	_ =	strace s3  }
0x97: {  	_ =	strace $0x8FFFFFFF  }
0x98: {  	s19 =	sld [smem:$0x3FDB];
	_ =	sdelay $0x1  }
0x99: {  	s4 =	simm.s32 $_scs_section_size  }
0x9a: {  	s5 =	simm.s32 $_size__tile_overlayer_lowered;
	s6 =	simm.s32 $_tile_overlayer_lowered  }
0x9b: {  	s22 =	simm.s32 $0x1BFF;
	s21 =	sshll.u32 s6, $0x1;
	s3 =	sadd.s32 s4, s19  }
0x9c: {  	s7 =	simm.s32 $0x0;
	s20 =	sshll.u32 s5, $0x1;
	s5 =	sadd.s32 s21, s3  }
0x9d: {  	[timem:s7], [sflag:s22] =	dma.local [hbm:s5], s20  }
0x9e: {  	_ =	swait.ge [sflag:s22], s20  }
0x9f: {  	s4 =	ssub.s32 $0x0, s20;
	[sflag:s22] =	ssyncset.done $0x0  }
0xa0: {  	[sflag:s22] =	ssyncadd.s32 s4;
	_ =	sdelay $0x1  }
0xa1: {  	s23 =	simm.s32 $0x1B8B  }
0xa2: {  	_ =	swait.ge [sflag:s23], $0x1  }
0xa3: {  	[sflag:s23] =	ssyncset.done $0x0  }
0xa4: {  	s25 =	simm.s32 $0x1B8E;
	s24 =	sld [smem:$0x3FFE];
	[sflag:s23] =	ssyncadd.s32 $0xFFFFFFFF  }
0xa5: {  	s26 =	simm.s32 $execute0_lowered;
	[smem:$0x3FD2] =	sst s25  }
0xa6: {  	s5 =	sshll.u32 s26, $0x1;
	_ =	strace $0x8000004F;
	[dreg:$0x1] =	wrdreg $0xFFFFFFFF  }
0xa7: {  	s28 =	simm.s32 $_size_execute0_lowered;
	s3 =	sadd.s32 s3, s5;
	[dreg:$0x0] =	wrdreg $0x0  }
0xa8: {  	s5 =	sshll.u32 s28, $0x1;
	[dreg:$0x2] =	wrdreg s3  }
0xa9: {  	[dreg:$0x3] =	wrdreg s5  }
0xaa: {  	[dreg:$0x4] =	wrdreg $0xC0  }
0xab: {  	_ =	task [dreg:s7], $0x5FFFF  }
0xac: {  	[dreg:$0x1] =	wrdreg $0xFFFFFFFF  }
0xad: {  	[dreg:$0x0] =	wrdreg $0x60  }
0xae: {  	[dreg:$0x2] =	wrdreg s2  }
0xaf: {  	[dreg:$0x3] =	wrdreg s24  }
0xb0: {  	[dreg:$0x4] =	wrdreg $0x52000  }
0xb1: {  	[dreg:$0x5] =	wrdreg $0x9  }
0xb2: {  	_ =	task.clear_ibuf [dreg:s7], $0x6FFFF;
	_ =	strace $0x9000004F  }
0xb3: {  	s29 =	simm.s32 $0x9;
	_ =	strace $0x80000051  }
0xb4: {  	_ =	swait.ge [sflag:s29], $0x1  }
0xb5: {  	[sflag:s29] =	ssyncadd.s32 $0xFFFFFFFF  }
0xb6: {  	_ =	strace $0x90000051  }
0xb7: {  	_ =	sfence  }
0xb8: {  	s30 =	sld [smem:$0x0];
	_ =	sdelay $0x2  }
0xb9: {  	s31 =	sshll.u32 s1, $0xD;
	s1 =	sshrl.u32 s1, $0x2  }
0xba: {  	s3 =	sand.u32 $0x4000, s31;
	s1 =	sadd.s32 s1, s30  }
0xbb: {  	s0 =	sor.u32 s3, s0;
	s1 =	sshll.u32 s1, $0x11  }
0xbc: {  	s0 =	sor.u32 s1, s0  }
0xbd: {  	s0 =	sadd.s32 $0x8F2B, s0  }
0xbe: {  	[sflag:s0] =	ssyncadd.remote.s32 $0x1  }
0xbf: {  	_ =	sfence.sel $0xFFFF  }
0xc0: {  	[dreg:$0x0] =	wrdreg $0xFFFFFFFF;
	(pc) =	sbr.abs _section_cstart, $3  }
0xc1: {  	[dreg:$0x1] =	wrdreg $0xFFFFFFFF  }
0xc2: {  	_ =	task.clear_ibuf [dreg:s7], $0x2FFFF;
	_ =	strace $0x9FFFFFFF  }
0xc3: {  	(tm) =	ssettm $0x7FFFFFFF  }
tec
execute0_lowered:
.L_overlay_start_1:
0x0: {  	(tag) =	ssettag $0x1  }
0x1: {  	s2 =	rddreg [dreg:$0x0]  }
0x2: {  	s0 =	rddreg [dreg:$0x1]  }
0x3: {  	s3 =	rddreg [dreg:$0x2];
	s12 =	stileid.u32  }
0x4: {  	s1 =	srdreg.scid;
	s4 =	simm.s32 $0x0;
	s28 =	simm.s32 $0x2A00  }
0x5: {  	s29 =	simm.s32 $0x1;
	s30 =	simm.s32 $0x3;
	s31 =	simm.s32 $0x2  }
0x6: {  	s6 =	smul.u32 $0x13800, s12;
	s1 =	sand.u32 $0x1, s1;
	[smem:$0x7FF] =	sst s4  }
0x7: {  	s5 =	sadd.s32 $0x7600, s0;
	s10 =	smul.u32 $0x4E000, s12;
	s22 =	sshll.u32 s12, $0x6  }
0x8: {  	s7 =	smul.u32 $0x138800, s1;
	_ =	strace $0x80000050;
	s9 =	ssub.s32 $0x2, s1  }
0x9: {  	s11 =	sshll.u32 s1, $0x4;
	s1 =	smul.u32 $0x27100, s1;
	s8 =	sshrl.u32 s6, $0x3  }
0xa: {  	s19 =	sshrl.u32 s9, $0x1;
	s11 =	sor.u32 s12, s11;
	s20 =	sshrl.u32 s10, $0x2  }
0xb: {  	s12 =	smul.u32 $0x2710, s12;
	s7 =	sadd.s32 s6, s7;
	s6 =	sadd.s32 $0x11400, s0  }
0xc: {  	s8 =	sadd.s32 s8, s0;
	s21 =	smul.u32 $0x2710, s11;
	s7 =	sshrl.u32 s7, $0x3  }
0xd: {  	s8 =	sadd.s32 $0x2B800, s8;
	s1 =	sadd.s32 s12, s1;
	s0 =	sadd.s32 s7, s0  }
0xe: {  	s7 =	ssub.s32 s9, s19;
	s9 =	sadd.s32 s20, s3;
	[dreg:$0x4] =	wrdreg s8  }
0xf: {  	s13 =	sshrl.u32 s21, $0x3;
	s8 =	sor.u32 $0x1C05, s22;
	s15 =	sadd.s32 $0xF0, s1  }
0x10: {  	s19 =	sadd.s32 $0xA0, s1;
	s21 =	simm.s32 $0x5;
	s22 =	simm.s32 $0x80  }
0x11: {  	s1 =	simm.s32 $0x0;
	s10 =	sadd.s32 s5, s13;
	s14 =	sadd.s32 $0xA, s13  }
0x12: {  	s23 =	sadd.s32 s6, s13;
	s26 =	sadd.s32 $0x4D8, s13;
	s18 =	sshrl.u32 s15, $0x3  }
0x13: {  	s15 =	sadd.s32 $0x52A00, s0;
	s16 =	smax.u32 s7, $0x1;
	[dreg:$0x5] =	wrdreg s10  }
0x14: {  	s20 =	sshrl.u32 s9, $0x3;
	s0 =	simm.s32 $0x4;
	[dreg:$0x6] =	wrdreg s23  }
0x15: {  	s24 =	sadd.s32 s5, s14;
	s25 =	sadd.s32 s6, s14;
	s13 =	sadd.s32 s5, s26  }
0x16: {  	s14 =	sadd.s32 s6, s26;
	s17 =	sadd.s32 s18, s6;
	s18 =	sadd.s32 s18, s5  }
0x17: {  	s23 =	simm.s32 $0x50;
	s26 =	simm.s32 $0x180;
	[dreg:$0x7] =	wrdreg s24  }
0x18: {  	[dreg:$0x8] =	wrdreg s25;
	s24 =	simm.s32 $0x200;
	s25 =	simm.s32 $0x100  }
.LBB2_1:
0x19: {  	s7 =	rddreg [dreg:$0x4]  }
0x1a: {  	[spmem:s20], [sflag:s8] =	dma.local [hbm:s7], $0x2880  }
0x1b: {  	_ =	swait.ge [sflag:s21], $0x2880  }
0x1c: {  	[sflag:s21] =	ssyncset.done $0x0  }
0x1d: {  	[sflag:s21] =	ssyncadd.s32 $0xFFFFD780  }
0x1e: {  	[bflag:$0x0] =	sbarrier.arrive $0xFFFF  }
0x1f: {  	s10 =	rddreg [dreg:$0x5]  }
0x20: {  	[tilespmem:s4], [sflag:$0x5] =	stream.linear.gather [hbm4b:s10+s4], $0x50, $0x38;
	[tilespmem:$0x18AC0] =	vst v63  }
0x21: {  	_ =	swait.ge [sflag:s21], $0x50  }
0x22: {  	[sflag:s21] =	ssyncset.done $0x0  }
0x23: {  	s11 =	rddreg [dreg:$0x6];
	[sflag:s21] =	ssyncadd.s32 $0xFFFFFFB0  }
0x24: {  	[tilespmem:s22], [sflag:$0x5] =	stream.linear.gather [hbm4b:s11+s4], $0x50, $0x38;
	[tilespmem:$0x18AC0] =	vst v63  }
0x25: {  	_ =	swait.ge [sflag:s21], $0x50  }
0x26: {  	[sflag:s21] =	ssyncset.done $0x0  }
0x27: {  	[sflag:s21] =	ssyncadd.s32 $0xFFFFFFB0  }
0x28: {  	[tilespmem:s24], [sflag:$0x1] =	stream.indirect.gather [hbm4b:s2+s23], $0x80, s4, s23, $0xb8;
	[tilespmem:$0x18AC0] =	vst v63  }
0x29: {  	s12 =	rddreg [dreg:$0x7]  }
0x2a: {  	[tilespmem:s25], [sflag:$0x5] =	stream.linear.gather [hbm4b:s12+s4], $0x50, $0x38;
	[tilespmem:$0x18AC0] =	vst v63  }
0x2b: {  	_ =	swait.ge [sflag:s21], $0x50  }
0x2c: {  	[sflag:s21] =	ssyncset.done $0x0  }
0x2d: {  	s9 =	rddreg [dreg:$0x8];
	[sflag:s21] =	ssyncadd.s32 $0xFFFFFFB0  }
0x2e: {  	[tilespmem:s26], [sflag:$0x5] =	stream.linear.gather [hbm4b:s9+s4], $0x50, $0x38;
	[tilespmem:$0x18AC0] =	vst v63  }
0x2f: {  	_ =	swait.ge [sflag:s21], $0x50  }
0x30: {  	[sflag:s21] =	ssyncset.done $0x0  }
0x31: {  	[sflag:s21] =	ssyncadd.s32 $0xFFFFFFB0  }
0x32: {  	[tilespmem:s28], [sflag:$0x2] =	stream.indirect.gather [hbm4b:s2+s23], $0x80, s25, s23, $0xb8;
	[tilespmem:$0x18AC0] =	vst v63  }
0x33: {  	_ =	swait.ge [sflag:s29], $0x2800  }
0x34: {  	[sflag:s29] =	ssyncset.done $0x0  }
0x35: {  	[sflag:s29] =	ssyncadd.s32 $0xFFFFD800  }
0x36: {  	[spmem:s3] =	stream.indirect.scatter.add.f32 [tilespmem:s24], [sflag:$0x3], $0x80, s22, s23, $0xb8;
	[tilespmem:$0x18AC0] =	vst v63  }
0x37: {  	_ =	swait.ge [sflag:s30], $0x2800  }
0x38: {  	s10 =	sshrl.u32 s19, $0x3;
	[sflag:s30] =	ssyncset.done $0x0  }
0x39: {  	s9 =	sadd.s32 s5, s10;
	[sflag:s30] =	ssyncadd.s32 $0xFFFFD800  }
0x3a: {  	[tilespmem:s4], [sflag:$0x5] =	stream.linear.gather [hbm4b:s9+s4], $0x50, $0x38;
	[tilespmem:$0x18AC0] =	vst v63  }
0x3b: {  	_ =	swait.ge [sflag:s21], $0x50  }
0x3c: {  	[sflag:s21] =	ssyncset.done $0x0  }
0x3d: {  	s7 =	sadd.s32 s6, s10;
	[sflag:s21] =	ssyncadd.s32 $0xFFFFFFB0  }
0x3e: {  	[tilespmem:s22], [sflag:$0x5] =	stream.linear.gather [hbm4b:s7+s4], $0x50, $0x38;
	[tilespmem:$0x18AC0] =	vst v63  }
0x3f: {  	_ =	swait.ge [sflag:s21], $0x50  }
0x40: {  	[sflag:s21] =	ssyncset.done $0x0  }
0x41: {  	[sflag:s21] =	ssyncadd.s32 $0xFFFFFFB0  }
0x42: {  	[tilespmem:s24], [sflag:$0x1] =	stream.indirect.gather [hbm4b:s2+s23], $0x80, s4, s23, $0xb8;
	[tilespmem:$0x18AC0] =	vst v63  }
0x43: {  	_ =	swait.ge [sflag:s31], $0x2800  }
0x44: {  	[sflag:s31] =	ssyncset.done $0x0  }
0x45: {  	[sflag:s31] =	ssyncadd.s32 $0xFFFFD800  }
0x46: {  	[spmem:s3] =	stream.indirect.scatter.add.f32 [tilespmem:s28], [sflag:$0x4], $0x80, s26, s23, $0xb8;
	[tilespmem:$0x18AC0] =	vst v63  }
0x47: {  	_ =	swait.ge [sflag:s0], $0x2800  }
0x48: {  	[sflag:s0] =	ssyncset.done $0x0  }
0x49: {  	s11 =	sadd.s32 $0x0, s18;
	[sflag:s0] =	ssyncadd.s32 $0xFFFFD800  }
0x4a: {  	[tilespmem:s25], [sflag:$0x5] =	stream.linear.gather [hbm4b:s11+s4], $0x50, $0x38;
	[tilespmem:$0x18AC0] =	vst v63  }
0x4b: {  	_ =	swait.ge [sflag:s21], $0x50  }
0x4c: {  	[sflag:s21] =	ssyncset.done $0x0  }
0x4d: {  	s12 =	sadd.s32 $0x0, s17;
	[sflag:s21] =	ssyncadd.s32 $0xFFFFFFB0  }
0x4e: {  	[tilespmem:s26], [sflag:$0x5] =	stream.linear.gather [hbm4b:s12+s4], $0x50, $0x38;
	[tilespmem:$0x18AC0] =	vst v63  }
0x4f: {  	_ =	swait.ge [sflag:s21], $0x50  }
0x50: {  	[sflag:s21] =	ssyncset.done $0x0  }
0x51: {  	[sflag:s21] =	ssyncadd.s32 $0xFFFFFFB0  }
0x52: {  	[tilespmem:s28], [sflag:$0x2] =	stream.indirect.gather [hbm4b:s2+s23], $0x80, s25, s23, $0xb8;
	[tilespmem:$0x18AC0] =	vst v63  }
0x53: {  	_ =	swait.ge [sflag:s29], $0x2800  }
0x54: {  	[sflag:s29] =	ssyncset.done $0x0  }
0x55: {  	s9 =	sadd.s32 $0xA0, s19;
	s7 =	simm.s32 $0x14;
	[sflag:s29] =	ssyncadd.s32 $0xFFFFD800  }
.LBB2_2:
0x56: {  	[spmem:s3] =	stream.indirect.scatter.add.f32 [tilespmem:s24], [sflag:$0x3], $0x80, s22, s23, $0xb8;
	[tilespmem:$0x18AC0] =	vst v63  }
0x57: {  	s10 =	smov.u32 s7  }
0x58: {  	p0 =	sne.s32 s7, $0x4B0;
	s7 =	sadd.s32 $0x14, s7;
	_ =	swait.ge [sflag:s30], $0x2800  }
0x59: {  	s11 =	sshrl.u32 s9, $0x3;
	[sflag:s30] =	ssyncset.done $0x0  }
0x5a: {  	s12 =	sadd.s32 s5, s11;
	[sflag:s30] =	ssyncadd.s32 $0xFFFFD800  }
0x5b: {  	[tilespmem:s4], [sflag:$0x5] =	stream.linear.gather [hbm4b:s12+s4], $0x50, $0x38;
	[tilespmem:$0x18AC0] =	vst v63  }
0x5c: {  	_ =	swait.ge [sflag:s21], $0x50  }
0x5d: {  	[sflag:s21] =	ssyncset.done $0x0  }
0x5e: {  	s11 =	sadd.s32 s6, s11;
	[sflag:s21] =	ssyncadd.s32 $0xFFFFFFB0  }
0x5f: {  	[tilespmem:s22], [sflag:$0x5] =	stream.linear.gather [hbm4b:s11+s4], $0x50, $0x38;
	[tilespmem:$0x18AC0] =	vst v63  }
0x60: {  	_ =	swait.ge [sflag:s21], $0x50  }
0x61: {  	[sflag:s21] =	ssyncset.done $0x0  }
0x62: {  	[sflag:s21] =	ssyncadd.s32 $0xFFFFFFB0  }
0x63: {  	[tilespmem:s24], [sflag:$0x1] =	stream.indirect.gather [hbm4b:s2+s23], $0x80, s4, s23, $0xb8;
	[tilespmem:$0x18AC0] =	vst v63  }
0x64: {  	_ =	swait.ge [sflag:s31], $0x2800  }
0x65: {  	[sflag:s31] =	ssyncset.done $0x0  }
0x66: {  	[sflag:s31] =	ssyncadd.s32 $0xFFFFD800  }
0x67: {  	[spmem:s3] =	stream.indirect.scatter.add.f32 [tilespmem:s28], [sflag:$0x4], $0x80, s26, s23, $0xb8;
	[tilespmem:$0x18AC0] =	vst v63  }
0x68: {  	_ =	swait.ge [sflag:s0], $0x2800  }
0x69: {  	[sflag:s0] =	ssyncset.done $0x0  }
0x6a: {  	s11 =	sadd.s32 s10, s18;
	[sflag:s0] =	ssyncadd.s32 $0xFFFFD800  }
0x6b: {  	[tilespmem:s25], [sflag:$0x5] =	stream.linear.gather [hbm4b:s11+s4], $0x50, $0x38;
	[tilespmem:$0x18AC0] =	vst v63  }
0x6c: {  	_ =	swait.ge [sflag:s21], $0x50  }
0x6d: {  	[sflag:s21] =	ssyncset.done $0x0  }
0x6e: {  	s10 =	sadd.s32 s10, s17;
	[sflag:s21] =	ssyncadd.s32 $0xFFFFFFB0  }
0x6f: {  	[tilespmem:s26], [sflag:$0x5] =	stream.linear.gather [hbm4b:s10+s4], $0x50, $0x38;
	[tilespmem:$0x18AC0] =	vst v63  }
0x70: {  	_ =	swait.ge [sflag:s21], $0x50  }
0x71: {  	[sflag:s21] =	ssyncset.done $0x0  }
.Ltmp0:
0x72: {  	[sflag:s21] =	ssyncadd.s32 $0xFFFFFFB0;
	(pc) =	sbr.rel @p0 .LBB2_2-.Ltmp0, $4  }
0x73: {  	[tilespmem:s28], [sflag:$0x2] =	stream.indirect.gather [hbm4b:s2+s23], $0x80, s25, s23, $0xb8;
	[tilespmem:$0x18AC0] =	vst v63  }
0x74: {  	_ =	swait.ge [sflag:s29], $0x2800  }
0x75: {  	[sflag:s29] =	ssyncset.done $0x0  }
0x76: {  	s9 =	sadd.s32 $0xA0, s9;
	[sflag:s29] =	ssyncadd.s32 $0xFFFFD800  }
0x77: {  	[spmem:s3] =	stream.indirect.scatter.add.f32 [tilespmem:s24], [sflag:$0x3], $0x80, s22, s23, $0xb8;
	[tilespmem:$0x18AC0] =	vst v63  }
0x78: {  	_ =	swait.ge [sflag:s30], $0x2800  }
0x79: {  	[sflag:s30] =	ssyncset.done $0x0  }
0x7a: {  	[sflag:s30] =	ssyncadd.s32 $0xFFFFD800  }
0x7b: {  	[tilespmem:s4], [sflag:$0x5] =	stream.linear.gather [hbm4b:s13+s4], $0x50, $0x38;
	[tilespmem:$0x18AC0] =	vst v63  }
0x7c: {  	_ =	swait.ge [sflag:s21], $0x50  }
0x7d: {  	[sflag:s21] =	ssyncset.done $0x0  }
0x7e: {  	[sflag:s21] =	ssyncadd.s32 $0xFFFFFFB0  }
0x7f: {  	[tilespmem:s22], [sflag:$0x5] =	stream.linear.gather [hbm4b:s14+s4], $0x50, $0x38;
	[tilespmem:$0x18AC0] =	vst v63  }
0x80: {  	_ =	swait.ge [sflag:s21], $0x50  }
0x81: {  	[sflag:s21] =	ssyncset.done $0x0  }
0x82: {  	[sflag:s21] =	ssyncadd.s32 $0xFFFFFFB0  }
0x83: {  	[tilespmem:s24], [sflag:$0x1] =	stream.indirect.gather [hbm4b:s2+s23], $0x80, s4, s23, $0xb8;
	[tilespmem:$0x18AC0] =	vst v63  }
0x84: {  	_ =	swait.ge [sflag:s31], $0x2800  }
0x85: {  	[sflag:s31] =	ssyncset.done $0x0  }
0x86: {  	[sflag:s31] =	ssyncadd.s32 $0xFFFFD800  }
0x87: {  	[spmem:s3] =	stream.indirect.scatter.add.f32 [tilespmem:s28], [sflag:$0x4], $0x80, s26, s23, $0xb8;
	[tilespmem:$0x18AC0] =	vst v63  }
0x88: {  	_ =	swait.ge [sflag:s0], $0x2800  }
0x89: {  	[sflag:s0] =	ssyncset.done $0x0  }
0x8a: {  	[sflag:s0] =	ssyncadd.s32 $0xFFFFD800  }
0x8b: {  	_ =	swait.ge [sflag:s29], $0x2800  }
0x8c: {  	[sflag:s29] =	ssyncset.done $0x0  }
0x8d: {  	[sflag:s29] =	ssyncadd.s32 $0xFFFFD800  }
0x8e: {  	[spmem:s3] =	stream.indirect.scatter.add.f32 [tilespmem:s24], [sflag:$0x3], $0x80, s22, s23, $0xb8;
	[tilespmem:$0x18AC0] =	vst v63  }
0x8f: {  	_ =	swait.ge [sflag:s30], $0x2800  }
0x90: {  	s1 =	sadd.s32 $0x1, s1;
	[sflag:s30] =	ssyncset.done $0x0  }
0x91: {  	p0 =	sne.s32 s1, s16;
	[sflag:s30] =	ssyncadd.s32 $0xFFFFD800  }
.Ltmp1:
0x92: {  	[bflag:$0x0] =	sbarrier.arrive $0xFFFF;
	(pc) =	sbr.rel @p0 .LBB2_1-.Ltmp1, $4  }
0x93: {  	[hbm:s15], [sflag:s8] =	dma.local [spmem:s20], $0x2800  }
0x94: {  	_ =	swait.ge [sflag:s21], $0x2800  }
0x95: {  	[sflag:s21] =	ssyncset.done $0x0  }
0x96: {  	[sflag:s21] =	ssyncadd.s32 $0xFFFFD800  }
0x97: {  	_ =	sfence.sel $0x180000  }
0x98: {  	[bflag:$0x0] =	sbarrier.arrive $0xFFFF  }
0x99: {  	_ =	strace $0x90000050  }
0x9a: {  	s0 =	stileid.u32;
	[bflag:$0x2] =	sbarrier.arrive $0xFFFF  }
0x9b: {  	p0 =	sne.s32 s0, $0x0;
	s0 =	rddreg [dreg:$0x3]  }
0x9c: {  	s0 =	sadd.s32 @!p0 $0x100000, s0  }
0x9d: {  	[sflag:s0] =	ssyncadd.tile.s32 @!p0 $0x1;
	_ =	shalt  }
.Lfunc_end2:
_tile_overlayer_lowered:
.L_overlay_start_2:
0x9e: {  	(tag) =	ssettag $0x2  }
0x9f: {  	s0 =	rddreg [dreg:$0x0];
	s2 =	stileid.u32  }
0xa0: {  	s1 =	rddreg [dreg:$0x1];
	p0 =	sne.s32 s2, $0x0  }
0xa1: {  	s3 =	rddreg [dreg:$0x2];
	[bflag:$0x3] =	sbarrier.arrive $0xFFFF;
	s2 =	simm.s32 @!p0 $0x1C05  }
0xa2: {  	[timem:s3], [sflag:s2] =	dma.local @!p0 [hbm:s0], s1  }
0xa3: {  	s0 =	simm.s32 @!p0 $0x5  }
0xa4: {  	_ =	swait.ge @!p0 [sflag:s0], s1  }
0xa5: {  	s1 =	ssub.s32 @!p0 $0x0, s1;
	[sflag:s0] =	ssyncset.done @!p0 $0x0  }
0xa6: {  	[sflag:s0] =	ssyncadd.s32 @!p0 s1  }
0xa7: {  	[bflag:$0x3] =	sbarrier.arrive $0xFFFF  }
0xa8: {  	_ =	shalt  }

</sc_bundles>
